<compile_context>
chip_gen: v7x
topology: tpu7x:2x2x1
jax: 0.10.2.dev20260603
libtpu: 0.0.44.dev20260713+nightly
codegen_flags: <defaults>
</compile_context>

<pallas_src>
import functools

import jax
import jax.numpy as jnp
from jax import lax
from jax.experimental import pallas as pl
from jax.experimental.pallas import tpu as pltpu
from jax.experimental.pallas import tpu_sc as plsc

NC, NS, LANES = 2, 16, 16
NW = NC * NS
NB = 4
C0 = 128


@jax.jit
def _lookup(ids_flat, seg_flat, wtab, ptab, stab):
    N, = ids_flat.shape
    V, E = wtab.shape
    P = ptab.shape[0]
    S = stab.shape[0]
    FB = E // LANES
    PE = P * E
    C = P
    C1 = C - C0
    n_per_w = N // NW
    n_chunks = n_per_w // C
    assert n_chunks >= NB and C1 <= 128 and C0 % 8 == 0
    mesh = plsc.VectorSubcoreMesh(core_axis_name="c", subcore_axis_name="s")

    @functools.partial(
        pl.kernel,
        mesh=mesh,
        out_type=jax.ShapeDtypeStruct((N, E), jnp.float32),
        compiler_params=pltpu.CompilerParams(
            needs_layout_passes=False, use_tc_tiling_on_sc=False),
        scratch_types=[
            pltpu.VMEM((NB, 2, C0), jnp.int32),
            pltpu.VMEM((NB, C), jnp.int32),
            pltpu.VMEM((NB, C, E), jnp.float32),
            pltpu.VMEM((P, E), jnp.float32),
            pltpu.VMEM((S, E), jnp.float32),
            pltpu.VMEM((S * P * E,), jnp.float32),
            [pltpu.SemaphoreType.DMA] * NB,
            [pltpu.SemaphoreType.DMA] * NB,
            [pltpu.SemaphoreType.DMA] * NB,
        ],
    )
    def lookup(ids_hbm, seg_hbm, wtab_hbm, ptab_hbm, stab_hbm, out_hbm,
               idx_v, segc_v, rows_v, ptab_v, stab_v, comb_v,
               isems, gsems, osems):
        wid = lax.axis_index("s") * NC + lax.axis_index("c")
        base = wid * n_per_w
        iota = lax.iota(jnp.int32, LANES)

        pltpu.sync_copy(ptab_hbm, ptab_v)
        pltpu.sync_copy(stab_hbm, stab_v)
        for s in range(S):
            for fb in range(FB):
                fsl = pl.ds(fb * LANES, LANES)

                def build_body(t, carry, s=s, fb=fb, fsl=fsl):
                    comb_v[pl.ds(s * PE + t * E + fb * LANES, LANES)] = (
                        ptab_v[t, fsl] + stab_v[s, fsl])
                    return carry

                lax.fori_loop(0, P, build_body, 0)

        def fire_idx(j, b):
            start = base + j * C
            pltpu.async_copy(ids_hbm.at[pl.ds(start, C0)],
                             idx_v.at[b, 0], isems[b])
            pltpu.async_copy(ids_hbm.at[pl.ds(start + C0, C1)],
                             idx_v.at[b, 1, pl.ds(0, C1)], isems[b])
            pltpu.async_copy(seg_hbm.at[pl.ds(start, C)],
                             segc_v.at[b], isems[b])

        def wait_idx(j, b):
            start = base + j * C
            pltpu.make_async_copy(ids_hbm.at[pl.ds(start, C0)],
                                  idx_v.at[b, 0], isems[b]).wait()
            pltpu.make_async_copy(ids_hbm.at[pl.ds(start + C0, C1)],
                                  idx_v.at[b, 1, pl.ds(0, C1)],
                                  isems[b]).wait()
            pltpu.make_async_copy(seg_hbm.at[pl.ds(start, C)],
                                  segc_v.at[b], isems[b]).wait()

        def fire_gather(b):
            pltpu.async_copy(wtab_hbm.at[idx_v.at[b, 0]],
                             rows_v.at[b, pl.ds(0, C0)], gsems[b])
            pltpu.async_copy(wtab_hbm.at[idx_v.at[b, 1, pl.ds(0, C1)]],
                             rows_v.at[b, pl.ds(C0, C1)], gsems[b])

        def wait_gather(b):
            pltpu.make_async_copy(wtab_hbm.at[idx_v.at[b, 0]],
                                  rows_v.at[b, pl.ds(0, C0)],
                                  gsems[b]).wait()
            pltpu.make_async_copy(wtab_hbm.at[idx_v.at[b, 1, pl.ds(0, C1)]],
                                  rows_v.at[b, pl.ds(C0, C1)],
                                  gsems[b]).wait()

        def fire_scatter(j, b):
            start = base + j * C
            pltpu.async_copy(rows_v.at[b], out_hbm.at[pl.ds(start, C)],
                             osems[b])

        def wait_scatter(j, b):
            start = base + j * C
            pltpu.make_async_copy(
                rows_v.at[b], out_hbm.at[pl.ds(start, C)], osems[b]).wait()

        for b in range(NB):
            fire_idx(b, b)
        for b in range(NB - 1):
            wait_idx(b, b)
            fire_gather(b)

        def chunk_body(i, carry):
            for bb in range(NB):

                @pl.when(lax.rem(i, NB) == bb)
                def _process(bb=bb):
                    wait_gather(bb)

                    def tok_body(t, tvec):
                        svec = plsc.load_gather(segc_v.at[bb], [tvec])
                        bidx = svec * PE + tvec * E
                        for fb in range(FB):
                            cidx = bidx + (fb * LANES + iota)
                            add = plsc.load_gather(comb_v, [cidx])
                            fsl = pl.ds(fb * LANES, LANES)
                            rows_v[bb, t, fsl] = rows_v[bb, t, fsl] + add
                        return tvec + 1

                    plsc.parallel_loop(
                        0, C, unroll=4, carry=iota * 0)(tok_body)

                    fire_scatter(i, bb)
                    @pl.when(i + NB < n_chunks)
                    def _():
                        fire_idx_dyn(i + NB, bb)

                    b2 = (bb + NB - 1) % NB

                    @pl.when(i + NB - 1 < n_chunks)
                    def _refill():
                        wait_idx_dyn(i + NB - 1, b2)

                        @pl.when(i >= 1)
                        def _():
                            wait_scatter(i - 1, b2)

                        fire_gather(b2)

            return carry

        fire_idx_dyn = fire_idx
        wait_idx_dyn = wait_idx
        lax.fori_loop(0, n_chunks, chunk_body, 0)

        for j in range(n_chunks - NB, n_chunks):
            wait_scatter(j, j % NB)

    return lookup(ids_flat, seg_flat, wtab, ptab, stab)


def kernel(input_ids, segment_ids, word_embeddings, position_embeddings,
           segment_embeddings):
    B, L = input_ids.shape
    E = word_embeddings.shape[1]
    N = B * L
    ids_flat = input_ids.reshape(N).astype(jnp.int32)
    seg_flat = segment_ids.reshape(N).astype(jnp.int32)
    out = _lookup(ids_flat, seg_flat, word_embeddings,
                  position_embeddings, segment_embeddings)
    return out.reshape(B, L, E)

# --- scband reference (transcript-rebuilt; emitter-appended) ---
"""Pipeline reference for scband-embedding-layer-24498493456443 (READ-ONLY COPY).

The authoritative reference and input builder live on the scoring server;
editing this copy changes nothing except your own understanding.
"""

import jax, jax.numpy as jnp
import numpy as np

VOCAB = 1000000
EMBED = 64
MAX_POS = 200
NUM_SEG = 2
B, L = 4096, 200


def setup_inputs(seed: int = 0) -> dict:
    key = jax.random.key(seed)
    k1, k2, k3, k4, k5 = jax.random.split(key, 5)
    input_ids = jax.random.randint(k1, (B, L), 0, VOCAB, dtype=jnp.int64 if jax.config.jax_enable_x64 else jnp.int32)
    segment_ids = jax.random.randint(k2, (B, L), 0, NUM_SEG, dtype=jnp.int64 if jax.config.jax_enable_x64 else jnp.int32)
    word_embeddings = jax.random.uniform(k3, (VOCAB, EMBED), dtype=jnp.float32)
    position_embeddings = jax.random.uniform(k4, (MAX_POS, EMBED), dtype=jnp.float32)
    segment_embeddings = jax.random.uniform(k5, (NUM_SEG, EMBED), dtype=jnp.float32)
    return {
        "input_ids": input_ids,
        "segment_ids": segment_ids,
        "word_embeddings": word_embeddings,
        "position_embeddings": position_embeddings,
        "segment_embeddings": segment_embeddings,
    }


def reference(input_ids, segment_ids, word_embeddings, position_embeddings, segment_embeddings):
    # Token embeddings: gather from the vocab table
    embeddings = jnp.take(word_embeddings, input_ids, axis=0)
    # Learned positional embeddings: positions arange(past_length, past_length + L), past_length = 0
    seq_len = input_ids.shape[-1]
    positions = jnp.arange(0, seq_len)
    pos_emb = jnp.take(position_embeddings, positions, axis=0)
    embeddings = embeddings + pos_emb[None, :, :].astype(embeddings.dtype)
    # Segment embeddings
    seg_emb = jnp.take(segment_embeddings, segment_ids, axis=0)
    embeddings = embeddings + seg_emb
    return embeddings

if __name__ == "__main__":
    import jax
    _d = setup_inputs()
    print(jax.jit(kernel)(*tuple(_d.values())))

</pallas_src>

<mosaic_0001>
#map = affine_map<(d0, d1) -> (0)>
#map1 = affine_map<(d0, d1) -> (0, 0)>
module attributes {stable_mosaic.version = 14 : i64} {
  func.func @lookup(%arg0: i32, %arg1: i32, %arg2: memref<819200xi32, #tpu.memory_space<hbm>>, %arg3: memref<819200xi32, #tpu.memory_space<hbm>>, %arg4: memref<1000000x64xf32, #tpu.memory_space<hbm>>, %arg5: memref<200x64xf32, #tpu.memory_space<hbm>>, %arg6: memref<2x64xf32, #tpu.memory_space<hbm>>, %arg7: memref<819200x64xf32, #tpu.memory_space<hbm>>, %arg8: memref<4x2x128xi32, #tpu.memory_space<vmem>>, %arg9: memref<4x200xi32, #tpu.memory_space<vmem>>, %arg10: memref<4x200x64xf32, #tpu.memory_space<vmem>>, %arg11: memref<200x64xf32, #tpu.memory_space<vmem>>, %arg12: memref<2x64xf32, #tpu.memory_space<vmem>>, %arg13: memref<25600xf32, #tpu.memory_space<vmem>>, %arg14: memref<!tpu.dma_semaphore, #tpu.memory_space<semaphore_mem>>, %arg15: memref<!tpu.dma_semaphore, #tpu.memory_space<semaphore_mem>>, %arg16: memref<!tpu.dma_semaphore, #tpu.memory_space<semaphore_mem>>, %arg17: memref<!tpu.dma_semaphore, #tpu.memory_space<semaphore_mem>>, %arg18: memref<!tpu.dma_semaphore, #tpu.memory_space<semaphore_mem>>, %arg19: memref<!tpu.dma_semaphore, #tpu.memory_space<semaphore_mem>>, %arg20: memref<!tpu.dma_semaphore, #tpu.memory_space<semaphore_mem>>, %arg21: memref<!tpu.dma_semaphore, #tpu.memory_space<semaphore_mem>>, %arg22: memref<!tpu.dma_semaphore, #tpu.memory_space<semaphore_mem>>, %arg23: memref<!tpu.dma_semaphore, #tpu.memory_space<semaphore_mem>>, %arg24: memref<!tpu.dma_semaphore, #tpu.memory_space<semaphore_mem>>, %arg25: memref<!tpu.dma_semaphore, #tpu.memory_space<semaphore_mem>>) attributes {dimension_semantics = [#tpu.dimension_semantics<core_parallel>, #tpu.dimension_semantics<subcore_parallel>], iteration_bounds = array<i64: 2, 16>, scalar_prefetch = 0 : i64, scratch_operands = 18 : i64, tpu.core_type = #tpu.core_type<sc_vector_subcore>, window_params = [{transform_indices = #map}, {transform_indices = #map}, {transform_indices = #map1}, {transform_indices = #map1}, {transform_indices = #map1}, {transform_indices = #map1}]} {
    %mul3A = arith.constant 2 : i32
    %mul3A_0 = arith.muli %arg1, %mul3A : i32
    %add3A = arith.addi %mul3A_0, %arg0 : i32
    %mul3A_1 = arith.constant 25600 : i32
    %mul3A_2 = arith.muli %add3A, %mul3A_1 : i32
    %iota3A = tpu.iota {dimensions = array<i32: 0>} : vector<16xi32>
    "tpu.region"() ({
      %run_scoped3A = tpu.sem_alloc : memref<!tpu.dma_semaphore, #tpu.memory_space<semaphore_mem>>
      tpu.enqueue_dma source(%arg5 : memref<200x64xf32, #tpu.memory_space<hbm>>) target(%arg11 : memref<200x64xf32, #tpu.memory_space<vmem>>) target_semaphore(%run_scoped3A : memref<!tpu.dma_semaphore, #tpu.memory_space<semaphore_mem>>)
      tpu.wait_dma2 semaphore(%run_scoped3A : memref<!tpu.dma_semaphore, #tpu.memory_space<semaphore_mem>>) src(%arg5 : memref<200x64xf32, #tpu.memory_space<hbm>>) dst(%arg11 : memref<200x64xf32, #tpu.memory_space<vmem>>)
      tpu.yield
    }) : () -> ()
    "tpu.region"() ({
      %run_scoped3A = tpu.sem_alloc : memref<!tpu.dma_semaphore, #tpu.memory_space<semaphore_mem>>
      tpu.enqueue_dma source(%arg6 : memref<2x64xf32, #tpu.memory_space<hbm>>) target(%arg12 : memref<2x64xf32, #tpu.memory_space<vmem>>) target_semaphore(%run_scoped3A : memref<!tpu.dma_semaphore, #tpu.memory_space<semaphore_mem>>)
      tpu.wait_dma2 semaphore(%run_scoped3A : memref<!tpu.dma_semaphore, #tpu.memory_space<semaphore_mem>>) src(%arg6 : memref<2x64xf32, #tpu.memory_space<hbm>>) dst(%arg12 : memref<2x64xf32, #tpu.memory_space<vmem>>)
      tpu.yield
    }) : () -> ()
    %scan3A = arith.constant 0 : i32
    %scan3A_3 = arith.constant 0 : i32
    %scan3A_4 = arith.constant 200 : i32
    %scan3A_5 = arith.addi %scan3A_3, %scan3A_4 : i32
    %scan3A_6 = arith.constant 1 : i32
    scf.for %scan3A_423 = %scan3A_3 to %scan3A_5 step %scan3A_6  : i32 {
      %get3A = arith.index_cast %scan3A_423 : i32 to index
      %get3A_424 = arith.constant 0 : index
      %get3A_425 = tpu.vector_load %arg11[%get3A, %get3A_424] {strides = array<i32>} : memref<200x64xf32, #tpu.memory_space<vmem>>, vector<16xf32>,
      %get3A_426 = arith.constant 0 : i32
      %get3A_427 = arith.index_cast %get3A_426 : i32 to index
      %get3A_428 = arith.constant 0 : index
      %get3A_429 = tpu.vector_load %arg12[%get3A_427, %get3A_428] {strides = array<i32>} : memref<2x64xf32, #tpu.memory_space<vmem>>, vector<16xf32>,
      %add3A_430 = arith.addf %get3A_425, %get3A_429 : vector<16xf32>
      %mul3A_431 = arith.constant 64 : i32
      %mul3A_432 = arith.muli %scan3A_423, %mul3A_431 : i32
      %add3A_433 = arith.constant 0 : i32
      %add3A_434 = arith.addi %add3A_433, %mul3A_432 : i32
      %add3A_435 = arith.constant 0 : i32
      %add3A_436 = arith.addi %add3A_434, %add3A_435 : i32
      %swap3A = arith.index_cast %add3A_436 : i32 to index
      %swap3A_437 = tpu.vector_load %arg13[%swap3A] {strides = array<i32>} : memref<25600xf32, #tpu.memory_space<vmem>>, vector<16xf32>,
      tpu.vector_store %arg13[%swap3A], %add3A_430 {strides = array<i32>} : memref<25600xf32, #tpu.memory_space<vmem>>, vector<16xf32>,
    }
    %scan3A_7 = arith.constant 200 : i32
    %scan3A_8 = arith.constant 0 : i32
    %scan3A_9 = arith.constant 0 : i32
    %scan3A_10 = arith.constant 200 : i32
    %scan3A_11 = arith.addi %scan3A_9, %scan3A_10 : i32
    %scan3A_12 = arith.constant 1 : i32
    scf.for %scan3A_423 = %scan3A_9 to %scan3A_11 step %scan3A_12  : i32 {
      %get3A = arith.index_cast %scan3A_423 : i32 to index
      %get3A_424 = arith.constant 16 : index
      %get3A_425 = tpu.vector_load %arg11[%get3A, %get3A_424] {strides = array<i32>} : memref<200x64xf32, #tpu.memory_space<vmem>>, vector<16xf32>,
      %get3A_426 = arith.constant 0 : i32
      %get3A_427 = arith.index_cast %get3A_426 : i32 to index
      %get3A_428 = arith.constant 16 : index
      %get3A_429 = tpu.vector_load %arg12[%get3A_427, %get3A_428] {strides = array<i32>} : memref<2x64xf32, #tpu.memory_space<vmem>>, vector<16xf32>,
      %add3A_430 = arith.addf %get3A_425, %get3A_429 : vector<16xf32>
      %mul3A_431 = arith.constant 64 : i32
      %mul3A_432 = arith.muli %scan3A_423, %mul3A_431 : i32
      %add3A_433 = arith.constant 0 : i32
      %add3A_434 = arith.addi %add3A_433, %mul3A_432 : i32
      %add3A_435 = arith.constant 16 : i32
      %add3A_436 = arith.addi %add3A_434, %add3A_435 : i32
      %swap3A = arith.index_cast %add3A_436 : i32 to index
      %swap3A_437 = tpu.vector_load %arg13[%swap3A] {strides = array<i32>} : memref<25600xf32, #tpu.memory_space<vmem>>, vector<16xf32>,
      tpu.vector_store %arg13[%swap3A], %add3A_430 {strides = array<i32>} : memref<25600xf32, #tpu.memory_space<vmem>>, vector<16xf32>,
    }
    %scan3A_13 = arith.constant 200 : i32
    %scan3A_14 = arith.constant 0 : i32
    %scan3A_15 = arith.constant 0 : i32
    %scan3A_16 = arith.constant 200 : i32
    %scan3A_17 = arith.addi %scan3A_15, %scan3A_16 : i32
    %scan3A_18 = arith.constant 1 : i32
    scf.for %scan3A_423 = %scan3A_15 to %scan3A_17 step %scan3A_18  : i32 {
      %get3A = arith.index_cast %scan3A_423 : i32 to index
      %get3A_424 = arith.constant 32 : index
      %get3A_425 = tpu.vector_load %arg11[%get3A, %get3A_424] {strides = array<i32>} : memref<200x64xf32, #tpu.memory_space<vmem>>, vector<16xf32>,
      %get3A_426 = arith.constant 0 : i32
      %get3A_427 = arith.index_cast %get3A_426 : i32 to index
      %get3A_428 = arith.constant 32 : index
      %get3A_429 = tpu.vector_load %arg12[%get3A_427, %get3A_428] {strides = array<i32>} : memref<2x64xf32, #tpu.memory_space<vmem>>, vector<16xf32>,
      %add3A_430 = arith.addf %get3A_425, %get3A_429 : vector<16xf32>
      %mul3A_431 = arith.constant 64 : i32
      %mul3A_432 = arith.muli %scan3A_423, %mul3A_431 : i32
      %add3A_433 = arith.constant 0 : i32
      %add3A_434 = arith.addi %add3A_433, %mul3A_432 : i32
      %add3A_435 = arith.constant 32 : i32
      %add3A_436 = arith.addi %add3A_434, %add3A_435 : i32
      %swap3A = arith.index_cast %add3A_436 : i32 to index
      %swap3A_437 = tpu.vector_load %arg13[%swap3A] {strides = array<i32>} : memref<25600xf32, #tpu.memory_space<vmem>>, vector<16xf32>,
      tpu.vector_store %arg13[%swap3A], %add3A_430 {strides = array<i32>} : memref<25600xf32, #tpu.memory_space<vmem>>, vector<16xf32>,
    }
    %scan3A_19 = arith.constant 200 : i32
    %scan3A_20 = arith.constant 0 : i32
    %scan3A_21 = arith.constant 0 : i32
    %scan3A_22 = arith.constant 200 : i32
    %scan3A_23 = arith.addi %scan3A_21, %scan3A_22 : i32
    %scan3A_24 = arith.constant 1 : i32
    scf.for %scan3A_423 = %scan3A_21 to %scan3A_23 step %scan3A_24  : i32 {
      %get3A = arith.index_cast %scan3A_423 : i32 to index
      %get3A_424 = arith.constant 48 : index
      %get3A_425 = tpu.vector_load %arg11[%get3A, %get3A_424] {strides = array<i32>} : memref<200x64xf32, #tpu.memory_space<vmem>>, vector<16xf32>,
      %get3A_426 = arith.constant 0 : i32
      %get3A_427 = arith.index_cast %get3A_426 : i32 to index
      %get3A_428 = arith.constant 48 : index
      %get3A_429 = tpu.vector_load %arg12[%get3A_427, %get3A_428] {strides = array<i32>} : memref<2x64xf32, #tpu.memory_space<vmem>>, vector<16xf32>,
      %add3A_430 = arith.addf %get3A_425, %get3A_429 : vector<16xf32>
      %mul3A_431 = arith.constant 64 : i32
      %mul3A_432 = arith.muli %scan3A_423, %mul3A_431 : i32
      %add3A_433 = arith.constant 0 : i32
      %add3A_434 = arith.addi %add3A_433, %mul3A_432 : i32
      %add3A_435 = arith.constant 48 : i32
      %add3A_436 = arith.addi %add3A_434, %add3A_435 : i32
      %swap3A = arith.index_cast %add3A_436 : i32 to index
      %swap3A_437 = tpu.vector_load %arg13[%swap3A] {strides = array<i32>} : memref<25600xf32, #tpu.memory_space<vmem>>, vector<16xf32>,
      tpu.vector_store %arg13[%swap3A], %add3A_430 {strides = array<i32>} : memref<25600xf32, #tpu.memory_space<vmem>>, vector<16xf32>,
    }
    %scan3A_25 = arith.constant 200 : i32
    %scan3A_26 = arith.constant 0 : i32
    %scan3A_27 = arith.constant 0 : i32
    %scan3A_28 = arith.constant 200 : i32
    %scan3A_29 = arith.addi %scan3A_27, %scan3A_28 : i32
    %scan3A_30 = arith.constant 1 : i32
    scf.for %scan3A_423 = %scan3A_27 to %scan3A_29 step %scan3A_30  : i32 {
      %get3A = arith.index_cast %scan3A_423 : i32 to index
      %get3A_424 = arith.constant 0 : index
      %get3A_425 = tpu.vector_load %arg11[%get3A, %get3A_424] {strides = array<i32>} : memref<200x64xf32, #tpu.memory_space<vmem>>, vector<16xf32>,
      %get3A_426 = arith.constant 1 : i32
      %get3A_427 = arith.index_cast %get3A_426 : i32 to index
      %get3A_428 = arith.constant 0 : index
      %get3A_429 = tpu.vector_load %arg12[%get3A_427, %get3A_428] {strides = array<i32>} : memref<2x64xf32, #tpu.memory_space<vmem>>, vector<16xf32>,
      %add3A_430 = arith.addf %get3A_425, %get3A_429 : vector<16xf32>
      %mul3A_431 = arith.constant 64 : i32
      %mul3A_432 = arith.muli %scan3A_423, %mul3A_431 : i32
      %add3A_433 = arith.constant 12800 : i32
      %add3A_434 = arith.addi %add3A_433, %mul3A_432 : i32
      %add3A_435 = arith.constant 0 : i32
      %add3A_436 = arith.addi %add3A_434, %add3A_435 : i32
      %swap3A = arith.index_cast %add3A_436 : i32 to index
      %swap3A_437 = tpu.vector_load %arg13[%swap3A] {strides = array<i32>} : memref<25600xf32, #tpu.memory_space<vmem>>, vector<16xf32>,
      tpu.vector_store %arg13[%swap3A], %add3A_430 {strides = array<i32>} : memref<25600xf32, #tpu.memory_space<vmem>>, vector<16xf32>,
    }
    %scan3A_31 = arith.constant 200 : i32
    %scan3A_32 = arith.constant 0 : i32
    %scan3A_33 = arith.constant 0 : i32
    %scan3A_34 = arith.constant 200 : i32
    %scan3A_35 = arith.addi %scan3A_33, %scan3A_34 : i32
    %scan3A_36 = arith.constant 1 : i32
    scf.for %scan3A_423 = %scan3A_33 to %scan3A_35 step %scan3A_36  : i32 {
      %get3A = arith.index_cast %scan3A_423 : i32 to index
      %get3A_424 = arith.constant 16 : index
      %get3A_425 = tpu.vector_load %arg11[%get3A, %get3A_424] {strides = array<i32>} : memref<200x64xf32, #tpu.memory_space<vmem>>, vector<16xf32>,
      %get3A_426 = arith.constant 1 : i32
      %get3A_427 = arith.index_cast %get3A_426 : i32 to index
      %get3A_428 = arith.constant 16 : index
      %get3A_429 = tpu.vector_load %arg12[%get3A_427, %get3A_428] {strides = array<i32>} : memref<2x64xf32, #tpu.memory_space<vmem>>, vector<16xf32>,
      %add3A_430 = arith.addf %get3A_425, %get3A_429 : vector<16xf32>
      %mul3A_431 = arith.constant 64 : i32
      %mul3A_432 = arith.muli %scan3A_423, %mul3A_431 : i32
      %add3A_433 = arith.constant 12800 : i32
      %add3A_434 = arith.addi %add3A_433, %mul3A_432 : i32
      %add3A_435 = arith.constant 16 : i32
      %add3A_436 = arith.addi %add3A_434, %add3A_435 : i32
      %swap3A = arith.index_cast %add3A_436 : i32 to index
      %swap3A_437 = tpu.vector_load %arg13[%swap3A] {strides = array<i32>} : memref<25600xf32, #tpu.memory_space<vmem>>, vector<16xf32>,
      tpu.vector_store %arg13[%swap3A], %add3A_430 {strides = array<i32>} : memref<25600xf32, #tpu.memory_space<vmem>>, vector<16xf32>,
    }
    %scan3A_37 = arith.constant 200 : i32
    %scan3A_38 = arith.constant 0 : i32
    %scan3A_39 = arith.constant 0 : i32
    %scan3A_40 = arith.constant 200 : i32
    %scan3A_41 = arith.addi %scan3A_39, %scan3A_40 : i32
    %scan3A_42 = arith.constant 1 : i32
    scf.for %scan3A_423 = %scan3A_39 to %scan3A_41 step %scan3A_42  : i32 {
      %get3A = arith.index_cast %scan3A_423 : i32 to index
      %get3A_424 = arith.constant 32 : index
      %get3A_425 = tpu.vector_load %arg11[%get3A, %get3A_424] {strides = array<i32>} : memref<200x64xf32, #tpu.memory_space<vmem>>, vector<16xf32>,
      %get3A_426 = arith.constant 1 : i32
      %get3A_427 = arith.index_cast %get3A_426 : i32 to index
      %get3A_428 = arith.constant 32 : index
      %get3A_429 = tpu.vector_load %arg12[%get3A_427, %get3A_428] {strides = array<i32>} : memref<2x64xf32, #tpu.memory_space<vmem>>, vector<16xf32>,
      %add3A_430 = arith.addf %get3A_425, %get3A_429 : vector<16xf32>
      %mul3A_431 = arith.constant 64 : i32
      %mul3A_432 = arith.muli %scan3A_423, %mul3A_431 : i32
      %add3A_433 = arith.constant 12800 : i32
      %add3A_434 = arith.addi %add3A_433, %mul3A_432 : i32
      %add3A_435 = arith.constant 32 : i32
      %add3A_436 = arith.addi %add3A_434, %add3A_435 : i32
      %swap3A = arith.index_cast %add3A_436 : i32 to index
      %swap3A_437 = tpu.vector_load %arg13[%swap3A] {strides = array<i32>} : memref<25600xf32, #tpu.memory_space<vmem>>, vector<16xf32>,
      tpu.vector_store %arg13[%swap3A], %add3A_430 {strides = array<i32>} : memref<25600xf32, #tpu.memory_space<vmem>>, vector<16xf32>,
    }
    %scan3A_43 = arith.constant 200 : i32
    %scan3A_44 = arith.constant 0 : i32
    %scan3A_45 = arith.constant 0 : i32
    %scan3A_46 = arith.constant 200 : i32
    %scan3A_47 = arith.addi %scan3A_45, %scan3A_46 : i32
    %scan3A_48 = arith.constant 1 : i32
    scf.for %scan3A_423 = %scan3A_45 to %scan3A_47 step %scan3A_48  : i32 {
      %get3A = arith.index_cast %scan3A_423 : i32 to index
      %get3A_424 = arith.constant 48 : index
      %get3A_425 = tpu.vector_load %arg11[%get3A, %get3A_424] {strides = array<i32>} : memref<200x64xf32, #tpu.memory_space<vmem>>, vector<16xf32>,
      %get3A_426 = arith.constant 1 : i32
      %get3A_427 = arith.index_cast %get3A_426 : i32 to index
      %get3A_428 = arith.constant 48 : index
      %get3A_429 = tpu.vector_load %arg12[%get3A_427, %get3A_428] {strides = array<i32>} : memref<2x64xf32, #tpu.memory_space<vmem>>, vector<16xf32>,
      %add3A_430 = arith.addf %get3A_425, %get3A_429 : vector<16xf32>
      %mul3A_431 = arith.constant 64 : i32
      %mul3A_432 = arith.muli %scan3A_423, %mul3A_431 : i32
      %add3A_433 = arith.constant 12800 : i32
      %add3A_434 = arith.addi %add3A_433, %mul3A_432 : i32
      %add3A_435 = arith.constant 48 : i32
      %add3A_436 = arith.addi %add3A_434, %add3A_435 : i32
      %swap3A = arith.index_cast %add3A_436 : i32 to index
      %swap3A_437 = tpu.vector_load %arg13[%swap3A] {strides = array<i32>} : memref<25600xf32, #tpu.memory_space<vmem>>, vector<16xf32>,
      tpu.vector_store %arg13[%swap3A], %add3A_430 {strides = array<i32>} : memref<25600xf32, #tpu.memory_space<vmem>>, vector<16xf32>,
    }
    %scan3A_49 = arith.constant 200 : i32
    %add3A_50 = arith.constant 0 : i32
    %add3A_51 = arith.addi %mul3A_2, %add3A_50 : i32
    %dma_start3A = arith.constant 0 : i32
    %dma_start3A_52 = arith.constant 0 : i32
    %dma_start3A_53 = arith.constant 0 : i32
    %dma_start3A_54 = tpu.memref_slice %arg8[%dma_start3A, %dma_start3A_52, %dma_start3A_53] : memref<4x2x128xi32, #tpu.memory_space<vmem>> -> memref<1x1x128xi32, #tpu.memory_space<vmem>>
    %dma_start3A_55 = tpu.memref_squeeze %dma_start3A_54 : memref<1x1x128xi32, #tpu.memory_space<vmem>> -> memref<128xi32, #tpu.memory_space<vmem>>
    %dma_start3A_56 = tpu.memref_slice %arg2[%add3A_51] : memref<819200xi32, #tpu.memory_space<hbm>> -> memref<128xi32, #tpu.memory_space<hbm>>
    %dma_start3A_57 = arith.constant 0 : i32
    %dma_start3A_58 = tpu.memref_slice %arg8[%dma_start3A, %dma_start3A_52, %dma_start3A_57] : memref<4x2x128xi32, #tpu.memory_space<vmem>> -> memref<1x1x128xi32, #tpu.memory_space<vmem>>
    %dma_start3A_59 = tpu.memref_squeeze %dma_start3A_58 : memref<1x1x128xi32, #tpu.memory_space<vmem>> -> memref<128xi32, #tpu.memory_space<vmem>>
    %dma_start3A_60 = tpu.memref_slice %arg2[%add3A_51] : memref<819200xi32, #tpu.memory_space<hbm>> -> memref<128xi32, #tpu.memory_space<hbm>>
    tpu.enqueue_dma source(%dma_start3A_60 : memref<128xi32, #tpu.memory_space<hbm>>) target(%dma_start3A_59 : memref<128xi32, #tpu.memory_space<vmem>>) target_semaphore(%arg14 : memref<!tpu.dma_semaphore, #tpu.memory_space<semaphore_mem>>)
    %add3A_61 = arith.constant 128 : i32
    %add3A_62 = arith.addi %add3A_51, %add3A_61 : i32
    %dma_start3A_63 = arith.constant 0 : i32
    %dma_start3A_64 = arith.constant 1 : i32
    %dma_start3A_65 = arith.constant 0 : i32
    %dma_start3A_66 = tpu.memref_slice %arg8[%dma_start3A_63, %dma_start3A_64, %dma_start3A_65] : memref<4x2x128xi32, #tpu.memory_space<vmem>> -> memref<1x1x72xi32, #tpu.memory_space<vmem>>
    %dma_start3A_67 = tpu.memref_squeeze %dma_start3A_66 : memref<1x1x72xi32, #tpu.memory_space<vmem>> -> memref<72xi32, #tpu.memory_space<vmem>>
    %dma_start3A_68 = tpu.memref_slice %arg2[%add3A_62] : memref<819200xi32, #tpu.memory_space<hbm>> -> memref<72xi32, #tpu.memory_space<hbm>>
    %dma_start3A_69 = arith.constant 0 : i32
    %dma_start3A_70 = tpu.memref_slice %arg8[%dma_start3A_63, %dma_start3A_64, %dma_start3A_69] : memref<4x2x128xi32, #tpu.memory_space<vmem>> -> memref<1x1x72xi32, #tpu.memory_space<vmem>>
    %dma_start3A_71 = tpu.memref_squeeze %dma_start3A_70 : memref<1x1x72xi32, #tpu.memory_space<vmem>> -> memref<72xi32, #tpu.memory_space<vmem>>
    %dma_start3A_72 = tpu.memref_slice %arg2[%add3A_62] : memref<819200xi32, #tpu.memory_space<hbm>> -> memref<72xi32, #tpu.memory_space<hbm>>
    tpu.enqueue_dma source(%dma_start3A_72 : memref<72xi32, #tpu.memory_space<hbm>>) target(%dma_start3A_71 : memref<72xi32, #tpu.memory_space<vmem>>) target_semaphore(%arg14 : memref<!tpu.dma_semaphore, #tpu.memory_space<semaphore_mem>>)
    %dma_start3A_73 = arith.constant 0 : i32
    %dma_start3A_74 = arith.constant 0 : i32
    %dma_start3A_75 = tpu.memref_slice %arg9[%dma_start3A_73, %dma_start3A_74] : memref<4x200xi32, #tpu.memory_space<vmem>> -> memref<1x200xi32, #tpu.memory_space<vmem>>
    %dma_start3A_76 = tpu.memref_squeeze %dma_start3A_75 : memref<1x200xi32, #tpu.memory_space<vmem>> -> memref<200xi32, #tpu.memory_space<vmem>>
    %dma_start3A_77 = tpu.memref_slice %arg3[%add3A_51] : memref<819200xi32, #tpu.memory_space<hbm>> -> memref<200xi32, #tpu.memory_space<hbm>>
    %dma_start3A_78 = arith.constant 0 : i32
    %dma_start3A_79 = tpu.memref_slice %arg9[%dma_start3A_73, %dma_start3A_78] : memref<4x200xi32, #tpu.memory_space<vmem>> -> memref<1x200xi32, #tpu.memory_space<vmem>>
    %dma_start3A_80 = tpu.memref_squeeze %dma_start3A_79 : memref<1x200xi32, #tpu.memory_space<vmem>> -> memref<200xi32, #tpu.memory_space<vmem>>
    %dma_start3A_81 = tpu.memref_slice %arg3[%add3A_51] : memref<819200xi32, #tpu.memory_space<hbm>> -> memref<200xi32, #tpu.memory_space<hbm>>
    tpu.enqueue_dma source(%dma_start3A_81 : memref<200xi32, #tpu.memory_space<hbm>>) target(%dma_start3A_80 : memref<200xi32, #tpu.memory_space<vmem>>) target_semaphore(%arg14 : memref<!tpu.dma_semaphore, #tpu.memory_space<semaphore_mem>>)
    %add3A_82 = arith.constant 200 : i32
    %add3A_83 = arith.addi %mul3A_2, %add3A_82 : i32
    %dma_start3A_84 = arith.constant 1 : i32
    %dma_start3A_85 = arith.constant 0 : i32
    %dma_start3A_86 = arith.constant 0 : i32
    %dma_start3A_87 = tpu.memref_slice %arg8[%dma_start3A_84, %dma_start3A_85, %dma_start3A_86] : memref<4x2x128xi32, #tpu.memory_space<vmem>> -> memref<1x1x128xi32, #tpu.memory_space<vmem>>
    %dma_start3A_88 = tpu.memref_squeeze %dma_start3A_87 : memref<1x1x128xi32, #tpu.memory_space<vmem>> -> memref<128xi32, #tpu.memory_space<vmem>>
    %dma_start3A_89 = tpu.memref_slice %arg2[%add3A_83] : memref<819200xi32, #tpu.memory_space<hbm>> -> memref<128xi32, #tpu.memory_space<hbm>>
    %dma_start3A_90 = arith.constant 0 : i32
    %dma_start3A_91 = tpu.memref_slice %arg8[%dma_start3A_84, %dma_start3A_85, %dma_start3A_90] : memref<4x2x128xi32, #tpu.memory_space<vmem>> -> memref<1x1x128xi32, #tpu.memory_space<vmem>>
    %dma_start3A_92 = tpu.memref_squeeze %dma_start3A_91 : memref<1x1x128xi32, #tpu.memory_space<vmem>> -> memref<128xi32, #tpu.memory_space<vmem>>
    %dma_start3A_93 = tpu.memref_slice %arg2[%add3A_83] : memref<819200xi32, #tpu.memory_space<hbm>> -> memref<128xi32, #tpu.memory_space<hbm>>
    tpu.enqueue_dma source(%dma_start3A_93 : memref<128xi32, #tpu.memory_space<hbm>>) target(%dma_start3A_92 : memref<128xi32, #tpu.memory_space<vmem>>) target_semaphore(%arg15 : memref<!tpu.dma_semaphore, #tpu.memory_space<semaphore_mem>>)
    %add3A_94 = arith.constant 128 : i32
    %add3A_95 = arith.addi %add3A_83, %add3A_94 : i32
    %dma_start3A_96 = arith.constant 1 : i32
    %dma_start3A_97 = arith.constant 1 : i32
    %dma_start3A_98 = arith.constant 0 : i32
    %dma_start3A_99 = tpu.memref_slice %arg8[%dma_start3A_96, %dma_start3A_97, %dma_start3A_98] : memref<4x2x128xi32, #tpu.memory_space<vmem>> -> memref<1x1x72xi32, #tpu.memory_space<vmem>>
    %dma_start3A_100 = tpu.memref_squeeze %dma_start3A_99 : memref<1x1x72xi32, #tpu.memory_space<vmem>> -> memref<72xi32, #tpu.memory_space<vmem>>
    %dma_start3A_101 = tpu.memref_slice %arg2[%add3A_95] : memref<819200xi32, #tpu.memory_space<hbm>> -> memref<72xi32, #tpu.memory_space<hbm>>
    %dma_start3A_102 = arith.constant 0 : i32
    %dma_start3A_103 = tpu.memref_slice %arg8[%dma_start3A_96, %dma_start3A_97, %dma_start3A_102] : memref<4x2x128xi32, #tpu.memory_space<vmem>> -> memref<1x1x72xi32, #tpu.memory_space<vmem>>
    %dma_start3A_104 = tpu.memref_squeeze %dma_start3A_103 : memref<1x1x72xi32, #tpu.memory_space<vmem>> -> memref<72xi32, #tpu.memory_space<vmem>>
    %dma_start3A_105 = tpu.memref_slice %arg2[%add3A_95] : memref<819200xi32, #tpu.memory_space<hbm>> -> memref<72xi32, #tpu.memory_space<hbm>>
    tpu.enqueue_dma source(%dma_start3A_105 : memref<72xi32, #tpu.memory_space<hbm>>) target(%dma_start3A_104 : memref<72xi32, #tpu.memory_space<vmem>>) target_semaphore(%arg15 : memref<!tpu.dma_semaphore, #tpu.memory_space<semaphore_mem>>)
    %dma_start3A_106 = arith.constant 1 : i32
    %dma_start3A_107 = arith.constant 0 : i32
    %dma_start3A_108 = tpu.memref_slice %arg9[%dma_start3A_106, %dma_start3A_107] : memref<4x200xi32, #tpu.memory_space<vmem>> -> memref<1x200xi32, #tpu.memory_space<vmem>>
    %dma_start3A_109 = tpu.memref_squeeze %dma_start3A_108 : memref<1x200xi32, #tpu.memory_space<vmem>> -> memref<200xi32, #tpu.memory_space<vmem>>
    %dma_start3A_110 = tpu.memref_slice %arg3[%add3A_83] : memref<819200xi32, #tpu.memory_space<hbm>> -> memref<200xi32, #tpu.memory_space<hbm>>
    %dma_start3A_111 = arith.constant 0 : i32
    %dma_start3A_112 = tpu.memref_slice %arg9[%dma_start3A_106, %dma_start3A_111] : memref<4x200xi32, #tpu.memory_space<vmem>> -> memref<1x200xi32, #tpu.memory_space<vmem>>
    %dma_start3A_113 = tpu.memref_squeeze %dma_start3A_112 : memref<1x200xi32, #tpu.memory_space<vmem>> -> memref<200xi32, #tpu.memory_space<vmem>>
    %dma_start3A_114 = tpu.memref_slice %arg3[%add3A_83] : memref<819200xi32, #tpu.memory_space<hbm>> -> memref<200xi32, #tpu.memory_space<hbm>>
    tpu.enqueue_dma source(%dma_start3A_114 : memref<200xi32, #tpu.memory_space<hbm>>) target(%dma_start3A_113 : memref<200xi32, #tpu.memory_space<vmem>>) target_semaphore(%arg15 : memref<!tpu.dma_semaphore, #tpu.memory_space<semaphore_mem>>)
    %add3A_115 = arith.constant 400 : i32
    %add3A_116 = arith.addi %mul3A_2, %add3A_115 : i32
    %dma_start3A_117 = arith.constant 2 : i32
    %dma_start3A_118 = arith.constant 0 : i32
    %dma_start3A_119 = arith.constant 0 : i32
    %dma_start3A_120 = tpu.memref_slice %arg8[%dma_start3A_117, %dma_start3A_118, %dma_start3A_119] : memref<4x2x128xi32, #tpu.memory_space<vmem>> -> memref<1x1x128xi32, #tpu.memory_space<vmem>>
    %dma_start3A_121 = tpu.memref_squeeze %dma_start3A_120 : memref<1x1x128xi32, #tpu.memory_space<vmem>> -> memref<128xi32, #tpu.memory_space<vmem>>
    %dma_start3A_122 = tpu.memref_slice %arg2[%add3A_116] : memref<819200xi32, #tpu.memory_space<hbm>> -> memref<128xi32, #tpu.memory_space<hbm>>
    %dma_start3A_123 = arith.constant 0 : i32
    %dma_start3A_124 = tpu.memref_slice %arg8[%dma_start3A_117, %dma_start3A_118, %dma_start3A_123] : memref<4x2x128xi32, #tpu.memory_space<vmem>> -> memref<1x1x128xi32, #tpu.memory_space<vmem>>
    %dma_start3A_125 = tpu.memref_squeeze %dma_start3A_124 : memref<1x1x128xi32, #tpu.memory_space<vmem>> -> memref<128xi32, #tpu.memory_space<vmem>>
    %dma_start3A_126 = tpu.memref_slice %arg2[%add3A_116] : memref<819200xi32, #tpu.memory_space<hbm>> -> memref<128xi32, #tpu.memory_space<hbm>>
    tpu.enqueue_dma source(%dma_start3A_126 : memref<128xi32, #tpu.memory_space<hbm>>) target(%dma_start3A_125 : memref<128xi32, #tpu.memory_space<vmem>>) target_semaphore(%arg16 : memref<!tpu.dma_semaphore, #tpu.memory_space<semaphore_mem>>)
    %add3A_127 = arith.constant 128 : i32
    %add3A_128 = arith.addi %add3A_116, %add3A_127 : i32
    %dma_start3A_129 = arith.constant 2 : i32
    %dma_start3A_130 = arith.constant 1 : i32
    %dma_start3A_131 = arith.constant 0 : i32
    %dma_start3A_132 = tpu.memref_slice %arg8[%dma_start3A_129, %dma_start3A_130, %dma_start3A_131] : memref<4x2x128xi32, #tpu.memory_space<vmem>> -> memref<1x1x72xi32, #tpu.memory_space<vmem>>
    %dma_start3A_133 = tpu.memref_squeeze %dma_start3A_132 : memref<1x1x72xi32, #tpu.memory_space<vmem>> -> memref<72xi32, #tpu.memory_space<vmem>>
    %dma_start3A_134 = tpu.memref_slice %arg2[%add3A_128] : memref<819200xi32, #tpu.memory_space<hbm>> -> memref<72xi32, #tpu.memory_space<hbm>>
    %dma_start3A_135 = arith.constant 0 : i32
    %dma_start3A_136 = tpu.memref_slice %arg8[%dma_start3A_129, %dma_start3A_130, %dma_start3A_135] : memref<4x2x128xi32, #tpu.memory_space<vmem>> -> memref<1x1x72xi32, #tpu.memory_space<vmem>>
    %dma_start3A_137 = tpu.memref_squeeze %dma_start3A_136 : memref<1x1x72xi32, #tpu.memory_space<vmem>> -> memref<72xi32, #tpu.memory_space<vmem>>
    %dma_start3A_138 = tpu.memref_slice %arg2[%add3A_128] : memref<819200xi32, #tpu.memory_space<hbm>> -> memref<72xi32, #tpu.memory_space<hbm>>
    tpu.enqueue_dma source(%dma_start3A_138 : memref<72xi32, #tpu.memory_space<hbm>>) target(%dma_start3A_137 : memref<72xi32, #tpu.memory_space<vmem>>) target_semaphore(%arg16 : memref<!tpu.dma_semaphore, #tpu.memory_space<semaphore_mem>>)
    %dma_start3A_139 = arith.constant 2 : i32
    %dma_start3A_140 = arith.constant 0 : i32
    %dma_start3A_141 = tpu.memref_slice %arg9[%dma_start3A_139, %dma_start3A_140] : memref<4x200xi32, #tpu.memory_space<vmem>> -> memref<1x200xi32, #tpu.memory_space<vmem>>
    %dma_start3A_142 = tpu.memref_squeeze %dma_start3A_141 : memref<1x200xi32, #tpu.memory_space<vmem>> -> memref<200xi32, #tpu.memory_space<vmem>>
    %dma_start3A_143 = tpu.memref_slice %arg3[%add3A_116] : memref<819200xi32, #tpu.memory_space<hbm>> -> memref<200xi32, #tpu.memory_space<hbm>>
    %dma_start3A_144 = arith.constant 0 : i32
    %dma_start3A_145 = tpu.memref_slice %arg9[%dma_start3A_139, %dma_start3A_144] : memref<4x200xi32, #tpu.memory_space<vmem>> -> memref<1x200xi32, #tpu.memory_space<vmem>>
    %dma_start3A_146 = tpu.memref_squeeze %dma_start3A_145 : memref<1x200xi32, #tpu.memory_space<vmem>> -> memref<200xi32, #tpu.memory_space<vmem>>
    %dma_start3A_147 = tpu.memref_slice %arg3[%add3A_116] : memref<819200xi32, #tpu.memory_space<hbm>> -> memref<200xi32, #tpu.memory_space<hbm>>
    tpu.enqueue_dma source(%dma_start3A_147 : memref<200xi32, #tpu.memory_space<hbm>>) target(%dma_start3A_146 : memref<200xi32, #tpu.memory_space<vmem>>) target_semaphore(%arg16 : memref<!tpu.dma_semaphore, #tpu.memory_space<semaphore_mem>>)
    %add3A_148 = arith.constant 600 : i32
    %add3A_149 = arith.addi %mul3A_2, %add3A_148 : i32
    %dma_start3A_150 = arith.constant 3 : i32
    %dma_start3A_151 = arith.constant 0 : i32
    %dma_start3A_152 = arith.constant 0 : i32
    %dma_start3A_153 = tpu.memref_slice %arg8[%dma_start3A_150, %dma_start3A_151, %dma_start3A_152] : memref<4x2x128xi32, #tpu.memory_space<vmem>> -> memref<1x1x128xi32, #tpu.memory_space<vmem>>
    %dma_start3A_154 = tpu.memref_squeeze %dma_start3A_153 : memref<1x1x128xi32, #tpu.memory_space<vmem>> -> memref<128xi32, #tpu.memory_space<vmem>>
    %dma_start3A_155 = tpu.memref_slice %arg2[%add3A_149] : memref<819200xi32, #tpu.memory_space<hbm>> -> memref<128xi32, #tpu.memory_space<hbm>>
    %dma_start3A_156 = arith.constant 0 : i32
    %dma_start3A_157 = tpu.memref_slice %arg8[%dma_start3A_150, %dma_start3A_151, %dma_start3A_156] : memref<4x2x128xi32, #tpu.memory_space<vmem>> -> memref<1x1x128xi32, #tpu.memory_space<vmem>>
    %dma_start3A_158 = tpu.memref_squeeze %dma_start3A_157 : memref<1x1x128xi32, #tpu.memory_space<vmem>> -> memref<128xi32, #tpu.memory_space<vmem>>
    %dma_start3A_159 = tpu.memref_slice %arg2[%add3A_149] : memref<819200xi32, #tpu.memory_space<hbm>> -> memref<128xi32, #tpu.memory_space<hbm>>
    tpu.enqueue_dma source(%dma_start3A_159 : memref<128xi32, #tpu.memory_space<hbm>>) target(%dma_start3A_158 : memref<128xi32, #tpu.memory_space<vmem>>) target_semaphore(%arg17 : memref<!tpu.dma_semaphore, #tpu.memory_space<semaphore_mem>>)
    %add3A_160 = arith.constant 128 : i32
    %add3A_161 = arith.addi %add3A_149, %add3A_160 : i32
    %dma_start3A_162 = arith.constant 3 : i32
    %dma_start3A_163 = arith.constant 1 : i32
    %dma_start3A_164 = arith.constant 0 : i32
    %dma_start3A_165 = tpu.memref_slice %arg8[%dma_start3A_162, %dma_start3A_163, %dma_start3A_164] : memref<4x2x128xi32, #tpu.memory_space<vmem>> -> memref<1x1x72xi32, #tpu.memory_space<vmem>>
    %dma_start3A_166 = tpu.memref_squeeze %dma_start3A_165 : memref<1x1x72xi32, #tpu.memory_space<vmem>> -> memref<72xi32, #tpu.memory_space<vmem>>
    %dma_start3A_167 = tpu.memref_slice %arg2[%add3A_161] : memref<819200xi32, #tpu.memory_space<hbm>> -> memref<72xi32, #tpu.memory_space<hbm>>
    %dma_start3A_168 = arith.constant 0 : i32
    %dma_start3A_169 = tpu.memref_slice %arg8[%dma_start3A_162, %dma_start3A_163, %dma_start3A_168] : memref<4x2x128xi32, #tpu.memory_space<vmem>> -> memref<1x1x72xi32, #tpu.memory_space<vmem>>
    %dma_start3A_170 = tpu.memref_squeeze %dma_start3A_169 : memref<1x1x72xi32, #tpu.memory_space<vmem>> -> memref<72xi32, #tpu.memory_space<vmem>>
    %dma_start3A_171 = tpu.memref_slice %arg2[%add3A_161] : memref<819200xi32, #tpu.memory_space<hbm>> -> memref<72xi32, #tpu.memory_space<hbm>>
    tpu.enqueue_dma source(%dma_start3A_171 : memref<72xi32, #tpu.memory_space<hbm>>) target(%dma_start3A_170 : memref<72xi32, #tpu.memory_space<vmem>>) target_semaphore(%arg17 : memref<!tpu.dma_semaphore, #tpu.memory_space<semaphore_mem>>)
    %dma_start3A_172 = arith.constant 3 : i32
    %dma_start3A_173 = arith.constant 0 : i32
    %dma_start3A_174 = tpu.memref_slice %arg9[%dma_start3A_172, %dma_start3A_173] : memref<4x200xi32, #tpu.memory_space<vmem>> -> memref<1x200xi32, #tpu.memory_space<vmem>>
    %dma_start3A_175 = tpu.memref_squeeze %dma_start3A_174 : memref<1x200xi32, #tpu.memory_space<vmem>> -> memref<200xi32, #tpu.memory_space<vmem>>
    %dma_start3A_176 = tpu.memref_slice %arg3[%add3A_149] : memref<819200xi32, #tpu.memory_space<hbm>> -> memref<200xi32, #tpu.memory_space<hbm>>
    %dma_start3A_177 = arith.constant 0 : i32
    %dma_start3A_178 = tpu.memref_slice %arg9[%dma_start3A_172, %dma_start3A_177] : memref<4x200xi32, #tpu.memory_space<vmem>> -> memref<1x200xi32, #tpu.memory_space<vmem>>
    %dma_start3A_179 = tpu.memref_squeeze %dma_start3A_178 : memref<1x200xi32, #tpu.memory_space<vmem>> -> memref<200xi32, #tpu.memory_space<vmem>>
    %dma_start3A_180 = tpu.memref_slice %arg3[%add3A_149] : memref<819200xi32, #tpu.memory_space<hbm>> -> memref<200xi32, #tpu.memory_space<hbm>>
    tpu.enqueue_dma source(%dma_start3A_180 : memref<200xi32, #tpu.memory_space<hbm>>) target(%dma_start3A_179 : memref<200xi32, #tpu.memory_space<vmem>>) target_semaphore(%arg17 : memref<!tpu.dma_semaphore, #tpu.memory_space<semaphore_mem>>)
    %add3A_181 = arith.constant 0 : i32
    %add3A_182 = arith.addi %mul3A_2, %add3A_181 : i32
    %dma_wait3A = arith.constant 0 : i32
    %dma_wait3A_183 = arith.constant 0 : i32
    %dma_wait3A_184 = arith.constant 0 : i32
    %dma_wait3A_185 = tpu.memref_slice %arg8[%dma_wait3A, %dma_wait3A_183, %dma_wait3A_184] : memref<4x2x128xi32, #tpu.memory_space<vmem>> -> memref<1x1x128xi32, #tpu.memory_space<vmem>>
    %dma_wait3A_186 = tpu.memref_squeeze %dma_wait3A_185 : memref<1x1x128xi32, #tpu.memory_space<vmem>> -> memref<128xi32, #tpu.memory_space<vmem>>
    %dma_wait3A_187 = tpu.memref_slice %arg2[%add3A_182] : memref<819200xi32, #tpu.memory_space<hbm>> -> memref<128xi32, #tpu.memory_space<hbm>>
    %dma_wait3A_188 = arith.constant 0 : i32
    %dma_wait3A_189 = tpu.memref_slice %arg8[%dma_wait3A, %dma_wait3A_183, %dma_wait3A_188] : memref<4x2x128xi32, #tpu.memory_space<vmem>> -> memref<1x1x128xi32, #tpu.memory_space<vmem>>
    %dma_wait3A_190 = tpu.memref_squeeze %dma_wait3A_189 : memref<1x1x128xi32, #tpu.memory_space<vmem>> -> memref<128xi32, #tpu.memory_space<vmem>>
    %dma_wait3A_191 = tpu.memref_slice %arg2[%add3A_182] : memref<819200xi32, #tpu.memory_space<hbm>> -> memref<128xi32, #tpu.memory_space<hbm>>
    tpu.wait_dma2 semaphore(%arg14 : memref<!tpu.dma_semaphore, #tpu.memory_space<semaphore_mem>>) src(%dma_wait3A_191 : memref<128xi32, #tpu.memory_space<hbm>>) dst(%dma_wait3A_190 : memref<128xi32, #tpu.memory_space<vmem>>)
    %add3A_192 = arith.constant 128 : i32
    %add3A_193 = arith.addi %add3A_182, %add3A_192 : i32
    %dma_wait3A_194 = arith.constant 0 : i32
    %dma_wait3A_195 = arith.constant 1 : i32
    %dma_wait3A_196 = arith.constant 0 : i32
    %dma_wait3A_197 = tpu.memref_slice %arg8[%dma_wait3A_194, %dma_wait3A_195, %dma_wait3A_196] : memref<4x2x128xi32, #tpu.memory_space<vmem>> -> memref<1x1x72xi32, #tpu.memory_space<vmem>>
    %dma_wait3A_198 = tpu.memref_squeeze %dma_wait3A_197 : memref<1x1x72xi32, #tpu.memory_space<vmem>> -> memref<72xi32, #tpu.memory_space<vmem>>
    %dma_wait3A_199 = tpu.memref_slice %arg2[%add3A_193] : memref<819200xi32, #tpu.memory_space<hbm>> -> memref<72xi32, #tpu.memory_space<hbm>>
    %dma_wait3A_200 = arith.constant 0 : i32
    %dma_wait3A_201 = tpu.memref_slice %arg8[%dma_wait3A_194, %dma_wait3A_195, %dma_wait3A_200] : memref<4x2x128xi32, #tpu.memory_space<vmem>> -> memref<1x1x72xi32, #tpu.memory_space<vmem>>
    %dma_wait3A_202 = tpu.memref_squeeze %dma_wait3A_201 : memref<1x1x72xi32, #tpu.memory_space<vmem>> -> memref<72xi32, #tpu.memory_space<vmem>>
    %dma_wait3A_203 = tpu.memref_slice %arg2[%add3A_193] : memref<819200xi32, #tpu.memory_space<hbm>> -> memref<72xi32, #tpu.memory_space<hbm>>
    tpu.wait_dma2 semaphore(%arg14 : memref<!tpu.dma_semaphore, #tpu.memory_space<semaphore_mem>>) src(%dma_wait3A_203 : memref<72xi32, #tpu.memory_space<hbm>>) dst(%dma_wait3A_202 : memref<72xi32, #tpu.memory_space<vmem>>)
    %dma_wait3A_204 = arith.constant 0 : i32
    %dma_wait3A_205 = arith.constant 0 : i32
    %dma_wait3A_206 = tpu.memref_slice %arg9[%dma_wait3A_204, %dma_wait3A_205] : memref<4x200xi32, #tpu.memory_space<vmem>> -> memref<1x200xi32, #tpu.memory_space<vmem>>
    %dma_wait3A_207 = tpu.memref_squeeze %dma_wait3A_206 : memref<1x200xi32, #tpu.memory_space<vmem>> -> memref<200xi32, #tpu.memory_space<vmem>>
    %dma_wait3A_208 = tpu.memref_slice %arg3[%add3A_182] : memref<819200xi32, #tpu.memory_space<hbm>> -> memref<200xi32, #tpu.memory_space<hbm>>
    %dma_wait3A_209 = arith.constant 0 : i32
    %dma_wait3A_210 = tpu.memref_slice %arg9[%dma_wait3A_204, %dma_wait3A_209] : memref<4x200xi32, #tpu.memory_space<vmem>> -> memref<1x200xi32, #tpu.memory_space<vmem>>
    %dma_wait3A_211 = tpu.memref_squeeze %dma_wait3A_210 : memref<1x200xi32, #tpu.memory_space<vmem>> -> memref<200xi32, #tpu.memory_space<vmem>>
    %dma_wait3A_212 = tpu.memref_slice %arg3[%add3A_182] : memref<819200xi32, #tpu.memory_space<hbm>> -> memref<200xi32, #tpu.memory_space<hbm>>
    tpu.wait_dma2 semaphore(%arg14 : memref<!tpu.dma_semaphore, #tpu.memory_space<semaphore_mem>>) src(%dma_wait3A_212 : memref<200xi32, #tpu.memory_space<hbm>>) dst(%dma_wait3A_211 : memref<200xi32, #tpu.memory_space<vmem>>)
    %dma_start3A_213 = arith.constant 0 : i32
    %dma_start3A_214 = arith.constant 0 : i32
    %dma_start3A_215 = arith.constant 0 : i32
    %dma_start3A_216 = arith.constant 0 : i32
    %dma_start3A_217 = arith.constant 0 : i32
    %dma_start3A_218 = tpu.memref_slice %arg10[%dma_start3A_215, %dma_start3A_216, %dma_start3A_217] : memref<4x200x64xf32, #tpu.memory_space<vmem>> -> memref<1x128x64xf32, #tpu.memory_space<vmem>>
    %dma_start3A_219 = tpu.memref_squeeze %dma_start3A_218 : memref<1x128x64xf32, #tpu.memory_space<vmem>> -> memref<128x64xf32, #tpu.memory_space<vmem>>
    %dma_start3A_220 = arith.constant 0 : i32
    %dma_start3A_221 = tpu.memref_slice %arg8[%dma_start3A_213, %dma_start3A_214, %dma_start3A_220] : memref<4x2x128xi32, #tpu.memory_space<vmem>> -> memref<1x1x128xi32, #tpu.memory_space<vmem>>
    %dma_start3A_222 = tpu.memref_squeeze %dma_start3A_221 : memref<1x1x128xi32, #tpu.memory_space<vmem>> -> memref<128xi32, #tpu.memory_space<vmem>>
    %dma_start3A_223 = arith.constant 0 : i32
    %dma_start3A_224 = arith.constant 0 : i32
    %dma_start3A_225 = tpu.memref_slice %arg4[%dma_start3A_223, %dma_start3A_224] : memref<1000000x64xf32, #tpu.memory_space<hbm>> -> memref<1000000x64xf32, #tpu.memory_space<hbm>>
    tpu.enqueue_indirect_dma source(%dma_start3A_225 : memref<1000000x64xf32, #tpu.memory_space<hbm>>) target(%dma_start3A_219 : memref<128x64xf32, #tpu.memory_space<vmem>>) offsets(%dma_start3A_222 : memref<128xi32, #tpu.memory_space<vmem>>) semaphore(%arg18 : memref<!tpu.dma_semaphore, #tpu.memory_space<semaphore_mem>>)
    %dma_start3A_226 = arith.constant 0 : i32
    %dma_start3A_227 = arith.constant 1 : i32
    %dma_start3A_228 = arith.constant 0 : i32
    %dma_start3A_229 = arith.constant 128 : i32
    %dma_start3A_230 = arith.constant 0 : i32
    %dma_start3A_231 = tpu.memref_slice %arg10[%dma_start3A_228, %dma_start3A_229, %dma_start3A_230] : memref<4x200x64xf32, #tpu.memory_space<vmem>> -> memref<1x72x64xf32, #tpu.memory_space<vmem>>
    %dma_start3A_232 = tpu.memref_squeeze %dma_start3A_231 : memref<1x72x64xf32, #tpu.memory_space<vmem>> -> memref<72x64xf32, #tpu.memory_space<vmem>>
    %dma_start3A_233 = arith.constant 0 : i32
    %dma_start3A_234 = tpu.memref_slice %arg8[%dma_start3A_226, %dma_start3A_227, %dma_start3A_233] : memref<4x2x128xi32, #tpu.memory_space<vmem>> -> memref<1x1x72xi32, #tpu.memory_space<vmem>>
    %dma_start3A_235 = tpu.memref_squeeze %dma_start3A_234 : memref<1x1x72xi32, #tpu.memory_space<vmem>> -> memref<72xi32, #tpu.memory_space<vmem>>
    %dma_start3A_236 = arith.constant 0 : i32
    %dma_start3A_237 = arith.constant 0 : i32
    %dma_start3A_238 = tpu.memref_slice %arg4[%dma_start3A_236, %dma_start3A_237] : memref<1000000x64xf32, #tpu.memory_space<hbm>> -> memref<1000000x64xf32, #tpu.memory_space<hbm>>
    tpu.enqueue_indirect_dma source(%dma_start3A_238 : memref<1000000x64xf32, #tpu.memory_space<hbm>>) target(%dma_start3A_232 : memref<72x64xf32, #tpu.memory_space<vmem>>) offsets(%dma_start3A_235 : memref<72xi32, #tpu.memory_space<vmem>>) semaphore(%arg18 : memref<!tpu.dma_semaphore, #tpu.memory_space<semaphore_mem>>)
    %add3A_239 = arith.constant 200 : i32
    %add3A_240 = arith.addi %mul3A_2, %add3A_239 : i32
    %dma_wait3A_241 = arith.constant 1 : i32
    %dma_wait3A_242 = arith.constant 0 : i32
    %dma_wait3A_243 = arith.constant 0 : i32
    %dma_wait3A_244 = tpu.memref_slice %arg8[%dma_wait3A_241, %dma_wait3A_242, %dma_wait3A_243] : memref<4x2x128xi32, #tpu.memory_space<vmem>> -> memref<1x1x128xi32, #tpu.memory_space<vmem>>
    %dma_wait3A_245 = tpu.memref_squeeze %dma_wait3A_244 : memref<1x1x128xi32, #tpu.memory_space<vmem>> -> memref<128xi32, #tpu.memory_space<vmem>>
    %dma_wait3A_246 = tpu.memref_slice %arg2[%add3A_240] : memref<819200xi32, #tpu.memory_space<hbm>> -> memref<128xi32, #tpu.memory_space<hbm>>
    %dma_wait3A_247 = arith.constant 0 : i32
    %dma_wait3A_248 = tpu.memref_slice %arg8[%dma_wait3A_241, %dma_wait3A_242, %dma_wait3A_247] : memref<4x2x128xi32, #tpu.memory_space<vmem>> -> memref<1x1x128xi32, #tpu.memory_space<vmem>>
    %dma_wait3A_249 = tpu.memref_squeeze %dma_wait3A_248 : memref<1x1x128xi32, #tpu.memory_space<vmem>> -> memref<128xi32, #tpu.memory_space<vmem>>
    %dma_wait3A_250 = tpu.memref_slice %arg2[%add3A_240] : memref<819200xi32, #tpu.memory_space<hbm>> -> memref<128xi32, #tpu.memory_space<hbm>>
    tpu.wait_dma2 semaphore(%arg15 : memref<!tpu.dma_semaphore, #tpu.memory_space<semaphore_mem>>) src(%dma_wait3A_250 : memref<128xi32, #tpu.memory_space<hbm>>) dst(%dma_wait3A_249 : memref<128xi32, #tpu.memory_space<vmem>>)
    %add3A_251 = arith.constant 128 : i32
    %add3A_252 = arith.addi %add3A_240, %add3A_251 : i32
    %dma_wait3A_253 = arith.constant 1 : i32
    %dma_wait3A_254 = arith.constant 1 : i32
    %dma_wait3A_255 = arith.constant 0 : i32
    %dma_wait3A_256 = tpu.memref_slice %arg8[%dma_wait3A_253, %dma_wait3A_254, %dma_wait3A_255] : memref<4x2x128xi32, #tpu.memory_space<vmem>> -> memref<1x1x72xi32, #tpu.memory_space<vmem>>
    %dma_wait3A_257 = tpu.memref_squeeze %dma_wait3A_256 : memref<1x1x72xi32, #tpu.memory_space<vmem>> -> memref<72xi32, #tpu.memory_space<vmem>>
    %dma_wait3A_258 = tpu.memref_slice %arg2[%add3A_252] : memref<819200xi32, #tpu.memory_space<hbm>> -> memref<72xi32, #tpu.memory_space<hbm>>
    %dma_wait3A_259 = arith.constant 0 : i32
    %dma_wait3A_260 = tpu.memref_slice %arg8[%dma_wait3A_253, %dma_wait3A_254, %dma_wait3A_259] : memref<4x2x128xi32, #tpu.memory_space<vmem>> -> memref<1x1x72xi32, #tpu.memory_space<vmem>>
    %dma_wait3A_261 = tpu.memref_squeeze %dma_wait3A_260 : memref<1x1x72xi32, #tpu.memory_space<vmem>> -> memref<72xi32, #tpu.memory_space<vmem>>
    %dma_wait3A_262 = tpu.memref_slice %arg2[%add3A_252] : memref<819200xi32, #tpu.memory_space<hbm>> -> memref<72xi32, #tpu.memory_space<hbm>>
    tpu.wait_dma2 semaphore(%arg15 : memref<!tpu.dma_semaphore, #tpu.memory_space<semaphore_mem>>) src(%dma_wait3A_262 : memref<72xi32, #tpu.memory_space<hbm>>) dst(%dma_wait3A_261 : memref<72xi32, #tpu.memory_space<vmem>>)
    %dma_wait3A_263 = arith.constant 1 : i32
    %dma_wait3A_264 = arith.constant 0 : i32
    %dma_wait3A_265 = tpu.memref_slice %arg9[%dma_wait3A_263, %dma_wait3A_264] : memref<4x200xi32, #tpu.memory_space<vmem>> -> memref<1x200xi32, #tpu.memory_space<vmem>>
    %dma_wait3A_266 = tpu.memref_squeeze %dma_wait3A_265 : memref<1x200xi32, #tpu.memory_space<vmem>> -> memref<200xi32, #tpu.memory_space<vmem>>
    %dma_wait3A_267 = tpu.memref_slice %arg3[%add3A_240] : memref<819200xi32, #tpu.memory_space<hbm>> -> memref<200xi32, #tpu.memory_space<hbm>>
    %dma_wait3A_268 = arith.constant 0 : i32
    %dma_wait3A_269 = tpu.memref_slice %arg9[%dma_wait3A_263, %dma_wait3A_268] : memref<4x200xi32, #tpu.memory_space<vmem>> -> memref<1x200xi32, #tpu.memory_space<vmem>>
    %dma_wait3A_270 = tpu.memref_squeeze %dma_wait3A_269 : memref<1x200xi32, #tpu.memory_space<vmem>> -> memref<200xi32, #tpu.memory_space<vmem>>
    %dma_wait3A_271 = tpu.memref_slice %arg3[%add3A_240] : memref<819200xi32, #tpu.memory_space<hbm>> -> memref<200xi32, #tpu.memory_space<hbm>>
    tpu.wait_dma2 semaphore(%arg15 : memref<!tpu.dma_semaphore, #tpu.memory_space<semaphore_mem>>) src(%dma_wait3A_271 : memref<200xi32, #tpu.memory_space<hbm>>) dst(%dma_wait3A_270 : memref<200xi32, #tpu.memory_space<vmem>>)
    %dma_start3A_272 = arith.constant 1 : i32
    %dma_start3A_273 = arith.constant 0 : i32
    %dma_start3A_274 = arith.constant 1 : i32
    %dma_start3A_275 = arith.constant 0 : i32
    %dma_start3A_276 = arith.constant 0 : i32
    %dma_start3A_277 = tpu.memref_slice %arg10[%dma_start3A_274, %dma_start3A_275, %dma_start3A_276] : memref<4x200x64xf32, #tpu.memory_space<vmem>> -> memref<1x128x64xf32, #tpu.memory_space<vmem>>
    %dma_start3A_278 = tpu.memref_squeeze %dma_start3A_277 : memref<1x128x64xf32, #tpu.memory_space<vmem>> -> memref<128x64xf32, #tpu.memory_space<vmem>>
    %dma_start3A_279 = arith.constant 0 : i32
    %dma_start3A_280 = tpu.memref_slice %arg8[%dma_start3A_272, %dma_start3A_273, %dma_start3A_279] : memref<4x2x128xi32, #tpu.memory_space<vmem>> -> memref<1x1x128xi32, #tpu.memory_space<vmem>>
    %dma_start3A_281 = tpu.memref_squeeze %dma_start3A_280 : memref<1x1x128xi32, #tpu.memory_space<vmem>> -> memref<128xi32, #tpu.memory_space<vmem>>
    %dma_start3A_282 = arith.constant 0 : i32
    %dma_start3A_283 = arith.constant 0 : i32
    %dma_start3A_284 = tpu.memref_slice %arg4[%dma_start3A_282, %dma_start3A_283] : memref<1000000x64xf32, #tpu.memory_space<hbm>> -> memref<1000000x64xf32, #tpu.memory_space<hbm>>
    tpu.enqueue_indirect_dma source(%dma_start3A_284 : memref<1000000x64xf32, #tpu.memory_space<hbm>>) target(%dma_start3A_278 : memref<128x64xf32, #tpu.memory_space<vmem>>) offsets(%dma_start3A_281 : memref<128xi32, #tpu.memory_space<vmem>>) semaphore(%arg19 : memref<!tpu.dma_semaphore, #tpu.memory_space<semaphore_mem>>)
    %dma_start3A_285 = arith.constant 1 : i32
    %dma_start3A_286 = arith.constant 1 : i32
    %dma_start3A_287 = arith.constant 1 : i32
    %dma_start3A_288 = arith.constant 128 : i32
    %dma_start3A_289 = arith.constant 0 : i32
    %dma_start3A_290 = tpu.memref_slice %arg10[%dma_start3A_287, %dma_start3A_288, %dma_start3A_289] : memref<4x200x64xf32, #tpu.memory_space<vmem>> -> memref<1x72x64xf32, #tpu.memory_space<vmem>>
    %dma_start3A_291 = tpu.memref_squeeze %dma_start3A_290 : memref<1x72x64xf32, #tpu.memory_space<vmem>> -> memref<72x64xf32, #tpu.memory_space<vmem>>
    %dma_start3A_292 = arith.constant 0 : i32
    %dma_start3A_293 = tpu.memref_slice %arg8[%dma_start3A_285, %dma_start3A_286, %dma_start3A_292] : memref<4x2x128xi32, #tpu.memory_space<vmem>> -> memref<1x1x72xi32, #tpu.memory_space<vmem>>
    %dma_start3A_294 = tpu.memref_squeeze %dma_start3A_293 : memref<1x1x72xi32, #tpu.memory_space<vmem>> -> memref<72xi32, #tpu.memory_space<vmem>>
    %dma_start3A_295 = arith.constant 0 : i32
    %dma_start3A_296 = arith.constant 0 : i32
    %dma_start3A_297 = tpu.memref_slice %arg4[%dma_start3A_295, %dma_start3A_296] : memref<1000000x64xf32, #tpu.memory_space<hbm>> -> memref<1000000x64xf32, #tpu.memory_space<hbm>>
    tpu.enqueue_indirect_dma source(%dma_start3A_297 : memref<1000000x64xf32, #tpu.memory_space<hbm>>) target(%dma_start3A_291 : memref<72x64xf32, #tpu.memory_space<vmem>>) offsets(%dma_start3A_294 : memref<72xi32, #tpu.memory_space<vmem>>) semaphore(%arg19 : memref<!tpu.dma_semaphore, #tpu.memory_space<semaphore_mem>>)
    %add3A_298 = arith.constant 400 : i32
    %add3A_299 = arith.addi %mul3A_2, %add3A_298 : i32
    %dma_wait3A_300 = arith.constant 2 : i32
    %dma_wait3A_301 = arith.constant 0 : i32
    %dma_wait3A_302 = arith.constant 0 : i32
    %dma_wait3A_303 = tpu.memref_slice %arg8[%dma_wait3A_300, %dma_wait3A_301, %dma_wait3A_302] : memref<4x2x128xi32, #tpu.memory_space<vmem>> -> memref<1x1x128xi32, #tpu.memory_space<vmem>>
    %dma_wait3A_304 = tpu.memref_squeeze %dma_wait3A_303 : memref<1x1x128xi32, #tpu.memory_space<vmem>> -> memref<128xi32, #tpu.memory_space<vmem>>
    %dma_wait3A_305 = tpu.memref_slice %arg2[%add3A_299] : memref<819200xi32, #tpu.memory_space<hbm>> -> memref<128xi32, #tpu.memory_space<hbm>>
    %dma_wait3A_306 = arith.constant 0 : i32
    %dma_wait3A_307 = tpu.memref_slice %arg8[%dma_wait3A_300, %dma_wait3A_301, %dma_wait3A_306] : memref<4x2x128xi32, #tpu.memory_space<vmem>> -> memref<1x1x128xi32, #tpu.memory_space<vmem>>
    %dma_wait3A_308 = tpu.memref_squeeze %dma_wait3A_307 : memref<1x1x128xi32, #tpu.memory_space<vmem>> -> memref<128xi32, #tpu.memory_space<vmem>>
    %dma_wait3A_309 = tpu.memref_slice %arg2[%add3A_299] : memref<819200xi32, #tpu.memory_space<hbm>> -> memref<128xi32, #tpu.memory_space<hbm>>
    tpu.wait_dma2 semaphore(%arg16 : memref<!tpu.dma_semaphore, #tpu.memory_space<semaphore_mem>>) src(%dma_wait3A_309 : memref<128xi32, #tpu.memory_space<hbm>>) dst(%dma_wait3A_308 : memref<128xi32, #tpu.memory_space<vmem>>)
    %add3A_310 = arith.constant 128 : i32
    %add3A_311 = arith.addi %add3A_299, %add3A_310 : i32
    %dma_wait3A_312 = arith.constant 2 : i32
    %dma_wait3A_313 = arith.constant 1 : i32
    %dma_wait3A_314 = arith.constant 0 : i32
    %dma_wait3A_315 = tpu.memref_slice %arg8[%dma_wait3A_312, %dma_wait3A_313, %dma_wait3A_314] : memref<4x2x128xi32, #tpu.memory_space<vmem>> -> memref<1x1x72xi32, #tpu.memory_space<vmem>>
    %dma_wait3A_316 = tpu.memref_squeeze %dma_wait3A_315 : memref<1x1x72xi32, #tpu.memory_space<vmem>> -> memref<72xi32, #tpu.memory_space<vmem>>
    %dma_wait3A_317 = tpu.memref_slice %arg2[%add3A_311] : memref<819200xi32, #tpu.memory_space<hbm>> -> memref<72xi32, #tpu.memory_space<hbm>>
    %dma_wait3A_318 = arith.constant 0 : i32
    %dma_wait3A_319 = tpu.memref_slice %arg8[%dma_wait3A_312, %dma_wait3A_313, %dma_wait3A_318] : memref<4x2x128xi32, #tpu.memory_space<vmem>> -> memref<1x1x72xi32, #tpu.memory_space<vmem>>
    %dma_wait3A_320 = tpu.memref_squeeze %dma_wait3A_319 : memref<1x1x72xi32, #tpu.memory_space<vmem>> -> memref<72xi32, #tpu.memory_space<vmem>>
    %dma_wait3A_321 = tpu.memref_slice %arg2[%add3A_311] : memref<819200xi32, #tpu.memory_space<hbm>> -> memref<72xi32, #tpu.memory_space<hbm>>
    tpu.wait_dma2 semaphore(%arg16 : memref<!tpu.dma_semaphore, #tpu.memory_space<semaphore_mem>>) src(%dma_wait3A_321 : memref<72xi32, #tpu.memory_space<hbm>>) dst(%dma_wait3A_320 : memref<72xi32, #tpu.memory_space<vmem>>)
    %dma_wait3A_322 = arith.constant 2 : i32
    %dma_wait3A_323 = arith.constant 0 : i32
    %dma_wait3A_324 = tpu.memref_slice %arg9[%dma_wait3A_322, %dma_wait3A_323] : memref<4x200xi32, #tpu.memory_space<vmem>> -> memref<1x200xi32, #tpu.memory_space<vmem>>
    %dma_wait3A_325 = tpu.memref_squeeze %dma_wait3A_324 : memref<1x200xi32, #tpu.memory_space<vmem>> -> memref<200xi32, #tpu.memory_space<vmem>>
    %dma_wait3A_326 = tpu.memref_slice %arg3[%add3A_299] : memref<819200xi32, #tpu.memory_space<hbm>> -> memref<200xi32, #tpu.memory_space<hbm>>
    %dma_wait3A_327 = arith.constant 0 : i32
    %dma_wait3A_328 = tpu.memref_slice %arg9[%dma_wait3A_322, %dma_wait3A_327] : memref<4x200xi32, #tpu.memory_space<vmem>> -> memref<1x200xi32, #tpu.memory_space<vmem>>
    %dma_wait3A_329 = tpu.memref_squeeze %dma_wait3A_328 : memref<1x200xi32, #tpu.memory_space<vmem>> -> memref<200xi32, #tpu.memory_space<vmem>>
    %dma_wait3A_330 = tpu.memref_slice %arg3[%add3A_299] : memref<819200xi32, #tpu.memory_space<hbm>> -> memref<200xi32, #tpu.memory_space<hbm>>
    tpu.wait_dma2 semaphore(%arg16 : memref<!tpu.dma_semaphore, #tpu.memory_space<semaphore_mem>>) src(%dma_wait3A_330 : memref<200xi32, #tpu.memory_space<hbm>>) dst(%dma_wait3A_329 : memref<200xi32, #tpu.memory_space<vmem>>)
    %dma_start3A_331 = arith.constant 2 : i32
    %dma_start3A_332 = arith.constant 0 : i32
    %dma_start3A_333 = arith.constant 2 : i32
    %dma_start3A_334 = arith.constant 0 : i32
    %dma_start3A_335 = arith.constant 0 : i32
    %dma_start3A_336 = tpu.memref_slice %arg10[%dma_start3A_333, %dma_start3A_334, %dma_start3A_335] : memref<4x200x64xf32, #tpu.memory_space<vmem>> -> memref<1x128x64xf32, #tpu.memory_space<vmem>>
    %dma_start3A_337 = tpu.memref_squeeze %dma_start3A_336 : memref<1x128x64xf32, #tpu.memory_space<vmem>> -> memref<128x64xf32, #tpu.memory_space<vmem>>
    %dma_start3A_338 = arith.constant 0 : i32
    %dma_start3A_339 = tpu.memref_slice %arg8[%dma_start3A_331, %dma_start3A_332, %dma_start3A_338] : memref<4x2x128xi32, #tpu.memory_space<vmem>> -> memref<1x1x128xi32, #tpu.memory_space<vmem>>
    %dma_start3A_340 = tpu.memref_squeeze %dma_start3A_339 : memref<1x1x128xi32, #tpu.memory_space<vmem>> -> memref<128xi32, #tpu.memory_space<vmem>>
    %dma_start3A_341 = arith.constant 0 : i32
    %dma_start3A_342 = arith.constant 0 : i32
    %dma_start3A_343 = tpu.memref_slice %arg4[%dma_start3A_341, %dma_start3A_342] : memref<1000000x64xf32, #tpu.memory_space<hbm>> -> memref<1000000x64xf32, #tpu.memory_space<hbm>>
    tpu.enqueue_indirect_dma source(%dma_start3A_343 : memref<1000000x64xf32, #tpu.memory_space<hbm>>) target(%dma_start3A_337 : memref<128x64xf32, #tpu.memory_space<vmem>>) offsets(%dma_start3A_340 : memref<128xi32, #tpu.memory_space<vmem>>) semaphore(%arg20 : memref<!tpu.dma_semaphore, #tpu.memory_space<semaphore_mem>>)
    %dma_start3A_344 = arith.constant 2 : i32
    %dma_start3A_345 = arith.constant 1 : i32
    %dma_start3A_346 = arith.constant 2 : i32
    %dma_start3A_347 = arith.constant 128 : i32
    %dma_start3A_348 = arith.constant 0 : i32
    %dma_start3A_349 = tpu.memref_slice %arg10[%dma_start3A_346, %dma_start3A_347, %dma_start3A_348] : memref<4x200x64xf32, #tpu.memory_space<vmem>> -> memref<1x72x64xf32, #tpu.memory_space<vmem>>
    %dma_start3A_350 = tpu.memref_squeeze %dma_start3A_349 : memref<1x72x64xf32, #tpu.memory_space<vmem>> -> memref<72x64xf32, #tpu.memory_space<vmem>>
    %dma_start3A_351 = arith.constant 0 : i32
    %dma_start3A_352 = tpu.memref_slice %arg8[%dma_start3A_344, %dma_start3A_345, %dma_start3A_351] : memref<4x2x128xi32, #tpu.memory_space<vmem>> -> memref<1x1x72xi32, #tpu.memory_space<vmem>>
    %dma_start3A_353 = tpu.memref_squeeze %dma_start3A_352 : memref<1x1x72xi32, #tpu.memory_space<vmem>> -> memref<72xi32, #tpu.memory_space<vmem>>
    %dma_start3A_354 = arith.constant 0 : i32
    %dma_start3A_355 = arith.constant 0 : i32
    %dma_start3A_356 = tpu.memref_slice %arg4[%dma_start3A_354, %dma_start3A_355] : memref<1000000x64xf32, #tpu.memory_space<hbm>> -> memref<1000000x64xf32, #tpu.memory_space<hbm>>
    tpu.enqueue_indirect_dma source(%dma_start3A_356 : memref<1000000x64xf32, #tpu.memory_space<hbm>>) target(%dma_start3A_350 : memref<72x64xf32, #tpu.memory_space<vmem>>) offsets(%dma_start3A_353 : memref<72xi32, #tpu.memory_space<vmem>>) semaphore(%arg20 : memref<!tpu.dma_semaphore, #tpu.memory_space<semaphore_mem>>)
    %scan3A_357 = arith.constant 0 : i32
    %scan3A_358 = arith.constant 0 : i32
    %scan3A_359 = arith.constant 128 : i32
    %scan3A_360 = arith.addi %scan3A_358, %scan3A_359 : i32
    %scan3A_361 = arith.constant 1 : i32
    scf.for %scan3A_423 = %scan3A_358 to %scan3A_360 step %scan3A_361  : i32 {
      %rem3A = arith.constant 4 : i32
      %rem3A_424 = arith.remsi %scan3A_423, %rem3A : i32
      %eq3A = arith.constant 0 : i32
      %eq3A_425 = arith.cmpi eq, %rem3A_424, %eq3A : i32
      %convert_element_type3A = arith.extui %eq3A_425 : i1 to i32
      %cond3A = arith.constant 0 : i32
      %cond3A_426 = arith.cmpi ne, %convert_element_type3A, %cond3A : i32
      scf.if %cond3A_426 {
        %dma_wait3A_448 = arith.constant 0 : i32
        %dma_wait3A_449 = arith.constant 0 : i32
        %dma_wait3A_450 = arith.constant 0 : i32
        %dma_wait3A_451 = arith.constant 0 : i32
        %dma_wait3A_452 = arith.constant 0 : i32
        %dma_wait3A_453 = tpu.memref_slice %arg10[%dma_wait3A_450, %dma_wait3A_451, %dma_wait3A_452] : memref<4x200x64xf32, #tpu.memory_space<vmem>> -> memref<1x128x64xf32, #tpu.memory_space<vmem>>
        %dma_wait3A_454 = tpu.memref_squeeze %dma_wait3A_453 : memref<1x128x64xf32, #tpu.memory_space<vmem>> -> memref<128x64xf32, #tpu.memory_space<vmem>>
        %dma_wait3A_455 = arith.constant 0 : i32
        %dma_wait3A_456 = tpu.memref_slice %arg8[%dma_wait3A_448, %dma_wait3A_449, %dma_wait3A_455] : memref<4x2x128xi32, #tpu.memory_space<vmem>> -> memref<1x1x128xi32, #tpu.memory_space<vmem>>
        %dma_wait3A_457 = tpu.memref_squeeze %dma_wait3A_456 : memref<1x1x128xi32, #tpu.memory_space<vmem>> -> memref<128xi32, #tpu.memory_space<vmem>>
        %dma_wait3A_458 = arith.constant 0 : i32
        %dma_wait3A_459 = arith.constant 0 : i32
        %dma_wait3A_460 = tpu.memref_slice %arg4[%dma_wait3A_458, %dma_wait3A_459] : memref<1000000x64xf32, #tpu.memory_space<hbm>> -> memref<1000000x64xf32, #tpu.memory_space<hbm>>
        tpu.wait_indirect_dma semaphore(%arg18 : memref<!tpu.dma_semaphore, #tpu.memory_space<semaphore_mem>>) src(%dma_wait3A_460 : memref<1000000x64xf32, #tpu.memory_space<hbm>>) dst(%dma_wait3A_454 : memref<128x64xf32, #tpu.memory_space<vmem>>)
        %dma_wait3A_461 = arith.constant 0 : i32
        %dma_wait3A_462 = arith.constant 1 : i32
        %dma_wait3A_463 = arith.constant 0 : i32
        %dma_wait3A_464 = arith.constant 128 : i32
        %dma_wait3A_465 = arith.constant 0 : i32
        %dma_wait3A_466 = tpu.memref_slice %arg10[%dma_wait3A_463, %dma_wait3A_464, %dma_wait3A_465] : memref<4x200x64xf32, #tpu.memory_space<vmem>> -> memref<1x72x64xf32, #tpu.memory_space<vmem>>
        %dma_wait3A_467 = tpu.memref_squeeze %dma_wait3A_466 : memref<1x72x64xf32, #tpu.memory_space<vmem>> -> memref<72x64xf32, #tpu.memory_space<vmem>>
        %dma_wait3A_468 = arith.constant 0 : i32
        %dma_wait3A_469 = tpu.memref_slice %arg8[%dma_wait3A_461, %dma_wait3A_462, %dma_wait3A_468] : memref<4x2x128xi32, #tpu.memory_space<vmem>> -> memref<1x1x72xi32, #tpu.memory_space<vmem>>
        %dma_wait3A_470 = tpu.memref_squeeze %dma_wait3A_469 : memref<1x1x72xi32, #tpu.memory_space<vmem>> -> memref<72xi32, #tpu.memory_space<vmem>>
        %dma_wait3A_471 = arith.constant 0 : i32
        %dma_wait3A_472 = arith.constant 0 : i32
        %dma_wait3A_473 = tpu.memref_slice %arg4[%dma_wait3A_471, %dma_wait3A_472] : memref<1000000x64xf32, #tpu.memory_space<hbm>> -> memref<1000000x64xf32, #tpu.memory_space<hbm>>
        tpu.wait_indirect_dma semaphore(%arg18 : memref<!tpu.dma_semaphore, #tpu.memory_space<semaphore_mem>>) src(%dma_wait3A_473 : memref<1000000x64xf32, #tpu.memory_space<hbm>>) dst(%dma_wait3A_467 : memref<72x64xf32, #tpu.memory_space<vmem>>)
        %mul3A_474 = arith.constant 0 : i32
        %mul3A_475 = vector.broadcast %mul3A_474 : i32 to vector<16xi32>
        %mul3A_476 = arith.muli %iota3A, %mul3A_475 : vector<16xi32>
        %parallel_loop3A = arith.constant 0 : i32
        %parallel_loop3A_477 = arith.constant 200 : i32
        %parallel_loop3A_478 = arith.constant 1 : i32
        %parallel_loop3A_479 = scf.for %parallel_loop3A_510 = %parallel_loop3A to %parallel_loop3A_477 step %parallel_loop3A_478 iter_args(%parallel_loop3A_511 = %mul3A_476) -> (vector<16xi32>)  : i32 {
          %parallel_loop3A_512 = arith.constant 0 : i32
          %parallel_loop3A_513 = arith.constant 0 : i32
          %parallel_loop3A_514 = tpu.memref_slice %arg9[%parallel_loop3A_512, %parallel_loop3A_513] : memref<4x200xi32, #tpu.memory_space<vmem>> -> memref<1x200xi32, #tpu.memory_space<vmem>>
          %parallel_loop3A_515 = tpu.memref_squeeze %parallel_loop3A_514 : memref<1x200xi32, #tpu.memory_space<vmem>> -> memref<200xi32, #tpu.memory_space<vmem>>
          %parallel_loop3A_516 = tpu.vector_load_idx %parallel_loop3A_515[%parallel_loop3A_511] : memref<200xi32, #tpu.memory_space<vmem>>[vector<16xi32>], vector<16xi32>,
          %parallel_loop3A_517 = arith.constant 12800 : i32
          %parallel_loop3A_518 = vector.broadcast %parallel_loop3A_517 : i32 to vector<16xi32>
          %parallel_loop3A_519 = arith.muli %parallel_loop3A_516, %parallel_loop3A_518 : vector<16xi32>
          %parallel_loop3A_520 = arith.constant 64 : i32
          %parallel_loop3A_521 = vector.broadcast %parallel_loop3A_520 : i32 to vector<16xi32>
          %parallel_loop3A_522 = arith.muli %parallel_loop3A_511, %parallel_loop3A_521 : vector<16xi32>
          %parallel_loop3A_523 = arith.addi %parallel_loop3A_519, %parallel_loop3A_522 : vector<16xi32>
          %parallel_loop3A_524 = arith.constant 0 : i32
          %parallel_loop3A_525 = vector.broadcast %parallel_loop3A_524 : i32 to vector<16xi32>
          %parallel_loop3A_526 = arith.addi %parallel_loop3A_525, %iota3A : vector<16xi32>
          %parallel_loop3A_527 = arith.addi %parallel_loop3A_523, %parallel_loop3A_526 : vector<16xi32>
          %parallel_loop3A_528 = tpu.vector_load_idx %arg13[%parallel_loop3A_527] : memref<25600xf32, #tpu.memory_space<vmem>>[vector<16xi32>], vector<16xf32>,
          %parallel_loop3A_529 = arith.constant 0 : i32
          %parallel_loop3A_530 = arith.index_cast %parallel_loop3A_529 : i32 to index
          %parallel_loop3A_531 = arith.index_cast %parallel_loop3A_510 : i32 to index
          %parallel_loop3A_532 = arith.constant 0 : index
          %parallel_loop3A_533 = tpu.vector_load %arg10[%parallel_loop3A_530, %parallel_loop3A_531, %parallel_loop3A_532] {strides = array<i32>} : memref<4x200x64xf32, #tpu.memory_space<vmem>>, vector<16xf32>,
          %parallel_loop3A_534 = arith.addf %parallel_loop3A_533, %parallel_loop3A_528 : vector<16xf32>
          %parallel_loop3A_535 = arith.constant 0 : i32
          %parallel_loop3A_536 = arith.index_cast %parallel_loop3A_535 : i32 to index
          %parallel_loop3A_537 = arith.index_cast %parallel_loop3A_510 : i32 to index
          %parallel_loop3A_538 = arith.constant 0 : index
          %parallel_loop3A_539 = tpu.vector_load %arg10[%parallel_loop3A_536, %parallel_loop3A_537, %parallel_loop3A_538] {strides = array<i32>} : memref<4x200x64xf32, #tpu.memory_space<vmem>>, vector<16xf32>,
          tpu.vector_store %arg10[%parallel_loop3A_536, %parallel_loop3A_537, %parallel_loop3A_538], %parallel_loop3A_534 {strides = array<i32>} : memref<4x200x64xf32, #tpu.memory_space<vmem>>, vector<16xf32>,
          %parallel_loop3A_540 = arith.constant 16 : i32
          %parallel_loop3A_541 = vector.broadcast %parallel_loop3A_540 : i32 to vector<16xi32>
          %parallel_loop3A_542 = arith.addi %parallel_loop3A_541, %iota3A : vector<16xi32>
          %parallel_loop3A_543 = arith.addi %parallel_loop3A_523, %parallel_loop3A_542 : vector<16xi32>
          %parallel_loop3A_544 = tpu.vector_load_idx %arg13[%parallel_loop3A_543] : memref<25600xf32, #tpu.memory_space<vmem>>[vector<16xi32>], vector<16xf32>,
          %parallel_loop3A_545 = arith.constant 0 : i32
          %parallel_loop3A_546 = arith.index_cast %parallel_loop3A_545 : i32 to index
          %parallel_loop3A_547 = arith.index_cast %parallel_loop3A_510 : i32 to index
          %parallel_loop3A_548 = arith.constant 16 : index
          %parallel_loop3A_549 = tpu.vector_load %arg10[%parallel_loop3A_546, %parallel_loop3A_547, %parallel_loop3A_548] {strides = array<i32>} : memref<4x200x64xf32, #tpu.memory_space<vmem>>, vector<16xf32>,
          %parallel_loop3A_550 = arith.addf %parallel_loop3A_549, %parallel_loop3A_544 : vector<16xf32>
          %parallel_loop3A_551 = arith.constant 0 : i32
          %parallel_loop3A_552 = arith.index_cast %parallel_loop3A_551 : i32 to index
          %parallel_loop3A_553 = arith.index_cast %parallel_loop3A_510 : i32 to index
          %parallel_loop3A_554 = arith.constant 16 : index
          %parallel_loop3A_555 = tpu.vector_load %arg10[%parallel_loop3A_552, %parallel_loop3A_553, %parallel_loop3A_554] {strides = array<i32>} : memref<4x200x64xf32, #tpu.memory_space<vmem>>, vector<16xf32>,
          tpu.vector_store %arg10[%parallel_loop3A_552, %parallel_loop3A_553, %parallel_loop3A_554], %parallel_loop3A_550 {strides = array<i32>} : memref<4x200x64xf32, #tpu.memory_space<vmem>>, vector<16xf32>,
          %parallel_loop3A_556 = arith.constant 32 : i32
          %parallel_loop3A_557 = vector.broadcast %parallel_loop3A_556 : i32 to vector<16xi32>
          %parallel_loop3A_558 = arith.addi %parallel_loop3A_557, %iota3A : vector<16xi32>
          %parallel_loop3A_559 = arith.addi %parallel_loop3A_523, %parallel_loop3A_558 : vector<16xi32>
          %parallel_loop3A_560 = tpu.vector_load_idx %arg13[%parallel_loop3A_559] : memref<25600xf32, #tpu.memory_space<vmem>>[vector<16xi32>], vector<16xf32>,
          %parallel_loop3A_561 = arith.constant 0 : i32
          %parallel_loop3A_562 = arith.index_cast %parallel_loop3A_561 : i32 to index
          %parallel_loop3A_563 = arith.index_cast %parallel_loop3A_510 : i32 to index
          %parallel_loop3A_564 = arith.constant 32 : index
          %parallel_loop3A_565 = tpu.vector_load %arg10[%parallel_loop3A_562, %parallel_loop3A_563, %parallel_loop3A_564] {strides = array<i32>} : memref<4x200x64xf32, #tpu.memory_space<vmem>>, vector<16xf32>,
          %parallel_loop3A_566 = arith.addf %parallel_loop3A_565, %parallel_loop3A_560 : vector<16xf32>
          %parallel_loop3A_567 = arith.constant 0 : i32
          %parallel_loop3A_568 = arith.index_cast %parallel_loop3A_567 : i32 to index
          %parallel_loop3A_569 = arith.index_cast %parallel_loop3A_510 : i32 to index
          %parallel_loop3A_570 = arith.constant 32 : index
          %parallel_loop3A_571 = tpu.vector_load %arg10[%parallel_loop3A_568, %parallel_loop3A_569, %parallel_loop3A_570] {strides = array<i32>} : memref<4x200x64xf32, #tpu.memory_space<vmem>>, vector<16xf32>,
          tpu.vector_store %arg10[%parallel_loop3A_568, %parallel_loop3A_569, %parallel_loop3A_570], %parallel_loop3A_566 {strides = array<i32>} : memref<4x200x64xf32, #tpu.memory_space<vmem>>, vector<16xf32>,
          %parallel_loop3A_572 = arith.constant 48 : i32
          %parallel_loop3A_573 = vector.broadcast %parallel_loop3A_572 : i32 to vector<16xi32>
          %parallel_loop3A_574 = arith.addi %parallel_loop3A_573, %iota3A : vector<16xi32>
          %parallel_loop3A_575 = arith.addi %parallel_loop3A_523, %parallel_loop3A_574 : vector<16xi32>
          %parallel_loop3A_576 = tpu.vector_load_idx %arg13[%parallel_loop3A_575] : memref<25600xf32, #tpu.memory_space<vmem>>[vector<16xi32>], vector<16xf32>,
          %parallel_loop3A_577 = arith.constant 0 : i32
          %parallel_loop3A_578 = arith.index_cast %parallel_loop3A_577 : i32 to index
          %parallel_loop3A_579 = arith.index_cast %parallel_loop3A_510 : i32 to index
          %parallel_loop3A_580 = arith.constant 48 : index
          %parallel_loop3A_581 = tpu.vector_load %arg10[%parallel_loop3A_578, %parallel_loop3A_579, %parallel_loop3A_580] {strides = array<i32>} : memref<4x200x64xf32, #tpu.memory_space<vmem>>, vector<16xf32>,
          %parallel_loop3A_582 = arith.addf %parallel_loop3A_581, %parallel_loop3A_576 : vector<16xf32>
          %parallel_loop3A_583 = arith.constant 0 : i32
          %parallel_loop3A_584 = arith.index_cast %parallel_loop3A_583 : i32 to index
          %parallel_loop3A_585 = arith.index_cast %parallel_loop3A_510 : i32 to index
          %parallel_loop3A_586 = arith.constant 48 : index
          %parallel_loop3A_587 = tpu.vector_load %arg10[%parallel_loop3A_584, %parallel_loop3A_585, %parallel_loop3A_586] {strides = array<i32>} : memref<4x200x64xf32, #tpu.memory_space<vmem>>, vector<16xf32>,
          tpu.vector_store %arg10[%parallel_loop3A_584, %parallel_loop3A_585, %parallel_loop3A_586], %parallel_loop3A_582 {strides = array<i32>} : memref<4x200x64xf32, #tpu.memory_space<vmem>>, vector<16xf32>,
          %parallel_loop3A_588 = arith.constant 1 : i32
          %parallel_loop3A_589 = vector.broadcast %parallel_loop3A_588 : i32 to vector<16xi32>
          %parallel_loop3A_590 = arith.addi %parallel_loop3A_511, %parallel_loop3A_589 : vector<16xi32>
          scf.yield %parallel_loop3A_590 : vector<16xi32>
        } {sc.loop_unroll_factor = 4 : i64, sc.parallel_access}
        %mul3A_480 = arith.constant 200 : i32
        %mul3A_481 = arith.muli %scan3A_423, %mul3A_480 : i32
        %add3A_482 = arith.addi %mul3A_2, %mul3A_481 : i32
        %dma_start3A_483 = arith.constant 0 : i32
        %dma_start3A_484 = arith.constant 0 : i32
        %dma_start3A_485 = arith.constant 0 : i32
        %dma_start3A_486 = tpu.memref_slice %arg10[%dma_start3A_483, %dma_start3A_484, %dma_start3A_485] : memref<4x200x64xf32, #tpu.memory_space<vmem>> -> memref<1x200x64xf32, #tpu.memory_space<vmem>>
        %dma_start3A_487 = tpu.memref_squeeze %dma_start3A_486 : memref<1x200x64xf32, #tpu.memory_space<vmem>> -> memref<200x64xf32, #tpu.memory_space<vmem>>
        %dma_start3A_488 = arith.constant 0 : i32
        %dma_start3A_489 = tpu.memref_slice %arg7[%add3A_482, %dma_start3A_488] : memref<819200x64xf32, #tpu.memory_space<hbm>> -> memref<200x64xf32, #tpu.memory_space<hbm>>
        %dma_start3A_490 = arith.constant 0 : i32
        %dma_start3A_491 = tpu.memref_slice %arg7[%add3A_482, %dma_start3A_490] : memref<819200x64xf32, #tpu.memory_space<hbm>> -> memref<200x64xf32, #tpu.memory_space<hbm>>
        %dma_start3A_492 = arith.constant 0 : i32
        %dma_start3A_493 = arith.constant 0 : i32
        %dma_start3A_494 = tpu.memref_slice %arg10[%dma_start3A_483, %dma_start3A_492, %dma_start3A_493] : memref<4x200x64xf32, #tpu.memory_space<vmem>> -> memref<1x200x64xf32, #tpu.memory_space<vmem>>
        %dma_start3A_495 = tpu.memref_squeeze %dma_start3A_494 : memref<1x200x64xf32, #tpu.memory_space<vmem>> -> memref<200x64xf32, #tpu.memory_space<vmem>>
        tpu.enqueue_dma source(%dma_start3A_495 : memref<200x64xf32, #tpu.memory_space<vmem>>) target(%dma_start3A_491 : memref<200x64xf32, #tpu.memory_space<hbm>>) target_semaphore(%arg22 : memref<!tpu.dma_semaphore, #tpu.memory_space<semaphore_mem>>)
        %add3A_496 = arith.constant 4 : i32
        %add3A_497 = arith.addi %scan3A_423, %add3A_496 : i32
        %lt3A = arith.constant 128 : i32
        %lt3A_498 = arith.cmpi slt, %add3A_497, %lt3A : i32
        %convert_element_type3A_499 = arith.extui %lt3A_498 : i1 to i32
        %cond3A_500 = arith.constant 0 : i32
        %cond3A_501 = arith.cmpi ne, %convert_element_type3A_499, %cond3A_500 : i32
        scf.if %cond3A_501 {
          %add3A_510 = arith.constant 4 : i32
          %add3A_511 = arith.addi %scan3A_423, %add3A_510 : i32
          %mul3A_512 = arith.constant 200 : i32
          %mul3A_513 = arith.muli %add3A_511, %mul3A_512 : i32
          %add3A_514 = arith.addi %mul3A_2, %mul3A_513 : i32
          %dma_start3A_515 = arith.constant 0 : i32
          %dma_start3A_516 = arith.constant 0 : i32
          %dma_start3A_517 = arith.constant 0 : i32
          %dma_start3A_518 = tpu.memref_slice %arg8[%dma_start3A_515, %dma_start3A_516, %dma_start3A_517] : memref<4x2x128xi32, #tpu.memory_space<vmem>> -> memref<1x1x128xi32, #tpu.memory_space<vmem>>
          %dma_start3A_519 = tpu.memref_squeeze %dma_start3A_518 : memref<1x1x128xi32, #tpu.memory_space<vmem>> -> memref<128xi32, #tpu.memory_space<vmem>>
          %dma_start3A_520 = tpu.memref_slice %arg2[%add3A_514] : memref<819200xi32, #tpu.memory_space<hbm>> -> memref<128xi32, #tpu.memory_space<hbm>>
          %dma_start3A_521 = arith.constant 0 : i32
          %dma_start3A_522 = tpu.memref_slice %arg8[%dma_start3A_515, %dma_start3A_516, %dma_start3A_521] : memref<4x2x128xi32, #tpu.memory_space<vmem>> -> memref<1x1x128xi32, #tpu.memory_space<vmem>>
          %dma_start3A_523 = tpu.memref_squeeze %dma_start3A_522 : memref<1x1x128xi32, #tpu.memory_space<vmem>> -> memref<128xi32, #tpu.memory_space<vmem>>
          %dma_start3A_524 = tpu.memref_slice %arg2[%add3A_514] : memref<819200xi32, #tpu.memory_space<hbm>> -> memref<128xi32, #tpu.memory_space<hbm>>
          tpu.enqueue_dma source(%dma_start3A_524 : memref<128xi32, #tpu.memory_space<hbm>>) target(%dma_start3A_523 : memref<128xi32, #tpu.memory_space<vmem>>) target_semaphore(%arg14 : memref<!tpu.dma_semaphore, #tpu.memory_space<semaphore_mem>>)
          %add3A_525 = arith.constant 128 : i32
          %add3A_526 = arith.addi %add3A_514, %add3A_525 : i32
          %dma_start3A_527 = arith.constant 0 : i32
          %dma_start3A_528 = arith.constant 1 : i32
          %dma_start3A_529 = arith.constant 0 : i32
          %dma_start3A_530 = tpu.memref_slice %arg8[%dma_start3A_527, %dma_start3A_528, %dma_start3A_529] : memref<4x2x128xi32, #tpu.memory_space<vmem>> -> memref<1x1x72xi32, #tpu.memory_space<vmem>>
          %dma_start3A_531 = tpu.memref_squeeze %dma_start3A_530 : memref<1x1x72xi32, #tpu.memory_space<vmem>> -> memref<72xi32, #tpu.memory_space<vmem>>
          %dma_start3A_532 = tpu.memref_slice %arg2[%add3A_526] : memref<819200xi32, #tpu.memory_space<hbm>> -> memref<72xi32, #tpu.memory_space<hbm>>
          %dma_start3A_533 = arith.constant 0 : i32
          %dma_start3A_534 = tpu.memref_slice %arg8[%dma_start3A_527, %dma_start3A_528, %dma_start3A_533] : memref<4x2x128xi32, #tpu.memory_space<vmem>> -> memref<1x1x72xi32, #tpu.memory_space<vmem>>
          %dma_start3A_535 = tpu.memref_squeeze %dma_start3A_534 : memref<1x1x72xi32, #tpu.memory_space<vmem>> -> memref<72xi32, #tpu.memory_space<vmem>>
          %dma_start3A_536 = tpu.memref_slice %arg2[%add3A_526] : memref<819200xi32, #tpu.memory_space<hbm>> -> memref<72xi32, #tpu.memory_space<hbm>>
          tpu.enqueue_dma source(%dma_start3A_536 : memref<72xi32, #tpu.memory_space<hbm>>) target(%dma_start3A_535 : memref<72xi32, #tpu.memory_space<vmem>>) target_semaphore(%arg14 : memref<!tpu.dma_semaphore, #tpu.memory_space<semaphore_mem>>)
          %dma_start3A_537 = arith.constant 0 : i32
          %dma_start3A_538 = arith.constant 0 : i32
          %dma_start3A_539 = tpu.memref_slice %arg9[%dma_start3A_537, %dma_start3A_538] : memref<4x200xi32, #tpu.memory_space<vmem>> -> memref<1x200xi32, #tpu.memory_space<vmem>>
          %dma_start3A_540 = tpu.memref_squeeze %dma_start3A_539 : memref<1x200xi32, #tpu.memory_space<vmem>> -> memref<200xi32, #tpu.memory_space<vmem>>
          %dma_start3A_541 = tpu.memref_slice %arg3[%add3A_514] : memref<819200xi32, #tpu.memory_space<hbm>> -> memref<200xi32, #tpu.memory_space<hbm>>
          %dma_start3A_542 = arith.constant 0 : i32
          %dma_start3A_543 = tpu.memref_slice %arg9[%dma_start3A_537, %dma_start3A_542] : memref<4x200xi32, #tpu.memory_space<vmem>> -> memref<1x200xi32, #tpu.memory_space<vmem>>
          %dma_start3A_544 = tpu.memref_squeeze %dma_start3A_543 : memref<1x200xi32, #tpu.memory_space<vmem>> -> memref<200xi32, #tpu.memory_space<vmem>>
          %dma_start3A_545 = tpu.memref_slice %arg3[%add3A_514] : memref<819200xi32, #tpu.memory_space<hbm>> -> memref<200xi32, #tpu.memory_space<hbm>>
          tpu.enqueue_dma source(%dma_start3A_545 : memref<200xi32, #tpu.memory_space<hbm>>) target(%dma_start3A_544 : memref<200xi32, #tpu.memory_space<vmem>>) target_semaphore(%arg14 : memref<!tpu.dma_semaphore, #tpu.memory_space<semaphore_mem>>)
        } else {
        }
        %add3A_502 = arith.constant 4 : i32
        %add3A_503 = arith.addi %scan3A_423, %add3A_502 : i32
        %sub3A = arith.constant 1 : i32
        %sub3A_504 = arith.subi %add3A_503, %sub3A : i32
        %lt3A_505 = arith.constant 128 : i32
        %lt3A_506 = arith.cmpi slt, %sub3A_504, %lt3A_505 : i32
        %convert_element_type3A_507 = arith.extui %lt3A_506 : i1 to i32
        %cond3A_508 = arith.constant 0 : i32
        %cond3A_509 = arith.cmpi ne, %convert_element_type3A_507, %cond3A_508 : i32
        scf.if %cond3A_509 {
          %add3A_510 = arith.constant 4 : i32
          %add3A_511 = arith.addi %scan3A_423, %add3A_510 : i32
          %sub3A_512 = arith.constant 1 : i32
          %sub3A_513 = arith.subi %add3A_511, %sub3A_512 : i32
          %mul3A_514 = arith.constant 200 : i32
          %mul3A_515 = arith.muli %sub3A_513, %mul3A_514 : i32
          %add3A_516 = arith.addi %mul3A_2, %mul3A_515 : i32
          %dma_wait3A_517 = arith.constant 3 : i32
          %dma_wait3A_518 = arith.constant 0 : i32
          %dma_wait3A_519 = arith.constant 0 : i32
          %dma_wait3A_520 = tpu.memref_slice %arg8[%dma_wait3A_517, %dma_wait3A_518, %dma_wait3A_519] : memref<4x2x128xi32, #tpu.memory_space<vmem>> -> memref<1x1x128xi32, #tpu.memory_space<vmem>>
          %dma_wait3A_521 = tpu.memref_squeeze %dma_wait3A_520 : memref<1x1x128xi32, #tpu.memory_space<vmem>> -> memref<128xi32, #tpu.memory_space<vmem>>
          %dma_wait3A_522 = tpu.memref_slice %arg2[%add3A_516] : memref<819200xi32, #tpu.memory_space<hbm>> -> memref<128xi32, #tpu.memory_space<hbm>>
          %dma_wait3A_523 = arith.constant 0 : i32
          %dma_wait3A_524 = tpu.memref_slice %arg8[%dma_wait3A_517, %dma_wait3A_518, %dma_wait3A_523] : memref<4x2x128xi32, #tpu.memory_space<vmem>> -> memref<1x1x128xi32, #tpu.memory_space<vmem>>
          %dma_wait3A_525 = tpu.memref_squeeze %dma_wait3A_524 : memref<1x1x128xi32, #tpu.memory_space<vmem>> -> memref<128xi32, #tpu.memory_space<vmem>>
          %dma_wait3A_526 = tpu.memref_slice %arg2[%add3A_516] : memref<819200xi32, #tpu.memory_space<hbm>> -> memref<128xi32, #tpu.memory_space<hbm>>
          tpu.wait_dma2 semaphore(%arg17 : memref<!tpu.dma_semaphore, #tpu.memory_space<semaphore_mem>>) src(%dma_wait3A_526 : memref<128xi32, #tpu.memory_space<hbm>>) dst(%dma_wait3A_525 : memref<128xi32, #tpu.memory_space<vmem>>)
          %add3A_527 = arith.constant 128 : i32
          %add3A_528 = arith.addi %add3A_516, %add3A_527 : i32
          %dma_wait3A_529 = arith.constant 3 : i32
          %dma_wait3A_530 = arith.constant 1 : i32
          %dma_wait3A_531 = arith.constant 0 : i32
          %dma_wait3A_532 = tpu.memref_slice %arg8[%dma_wait3A_529, %dma_wait3A_530, %dma_wait3A_531] : memref<4x2x128xi32, #tpu.memory_space<vmem>> -> memref<1x1x72xi32, #tpu.memory_space<vmem>>
          %dma_wait3A_533 = tpu.memref_squeeze %dma_wait3A_532 : memref<1x1x72xi32, #tpu.memory_space<vmem>> -> memref<72xi32, #tpu.memory_space<vmem>>
          %dma_wait3A_534 = tpu.memref_slice %arg2[%add3A_528] : memref<819200xi32, #tpu.memory_space<hbm>> -> memref<72xi32, #tpu.memory_space<hbm>>
          %dma_wait3A_535 = arith.constant 0 : i32
          %dma_wait3A_536 = tpu.memref_slice %arg8[%dma_wait3A_529, %dma_wait3A_530, %dma_wait3A_535] : memref<4x2x128xi32, #tpu.memory_space<vmem>> -> memref<1x1x72xi32, #tpu.memory_space<vmem>>
          %dma_wait3A_537 = tpu.memref_squeeze %dma_wait3A_536 : memref<1x1x72xi32, #tpu.memory_space<vmem>> -> memref<72xi32, #tpu.memory_space<vmem>>
          %dma_wait3A_538 = tpu.memref_slice %arg2[%add3A_528] : memref<819200xi32, #tpu.memory_space<hbm>> -> memref<72xi32, #tpu.memory_space<hbm>>
          tpu.wait_dma2 semaphore(%arg17 : memref<!tpu.dma_semaphore, #tpu.memory_space<semaphore_mem>>) src(%dma_wait3A_538 : memref<72xi32, #tpu.memory_space<hbm>>) dst(%dma_wait3A_537 : memref<72xi32, #tpu.memory_space<vmem>>)
          %dma_wait3A_539 = arith.constant 3 : i32
          %dma_wait3A_540 = arith.constant 0 : i32
          %dma_wait3A_541 = tpu.memref_slice %arg9[%dma_wait3A_539, %dma_wait3A_540] : memref<4x200xi32, #tpu.memory_space<vmem>> -> memref<1x200xi32, #tpu.memory_space<vmem>>
          %dma_wait3A_542 = tpu.memref_squeeze %dma_wait3A_541 : memref<1x200xi32, #tpu.memory_space<vmem>> -> memref<200xi32, #tpu.memory_space<vmem>>
          %dma_wait3A_543 = tpu.memref_slice %arg3[%add3A_516] : memref<819200xi32, #tpu.memory_space<hbm>> -> memref<200xi32, #tpu.memory_space<hbm>>
          %dma_wait3A_544 = arith.constant 0 : i32
          %dma_wait3A_545 = tpu.memref_slice %arg9[%dma_wait3A_539, %dma_wait3A_544] : memref<4x200xi32, #tpu.memory_space<vmem>> -> memref<1x200xi32, #tpu.memory_space<vmem>>
          %dma_wait3A_546 = tpu.memref_squeeze %dma_wait3A_545 : memref<1x200xi32, #tpu.memory_space<vmem>> -> memref<200xi32, #tpu.memory_space<vmem>>
          %dma_wait3A_547 = tpu.memref_slice %arg3[%add3A_516] : memref<819200xi32, #tpu.memory_space<hbm>> -> memref<200xi32, #tpu.memory_space<hbm>>
          tpu.wait_dma2 semaphore(%arg17 : memref<!tpu.dma_semaphore, #tpu.memory_space<semaphore_mem>>) src(%dma_wait3A_547 : memref<200xi32, #tpu.memory_space<hbm>>) dst(%dma_wait3A_546 : memref<200xi32, #tpu.memory_space<vmem>>)
          %ge3A = arith.constant 1 : i32
          %ge3A_548 = arith.cmpi sge, %scan3A_423, %ge3A : i32
          %convert_element_type3A_549 = arith.extui %ge3A_548 : i1 to i32
          %cond3A_550 = arith.constant 0 : i32
          %cond3A_551 = arith.cmpi ne, %convert_element_type3A_549, %cond3A_550 : i32
          scf.if %cond3A_551 {
            %sub3A_578 = arith.constant 1 : i32
            %sub3A_579 = arith.subi %scan3A_423, %sub3A_578 : i32
            %mul3A_580 = arith.constant 200 : i32
            %mul3A_581 = arith.muli %sub3A_579, %mul3A_580 : i32
            %add3A_582 = arith.addi %mul3A_2, %mul3A_581 : i32
            %dma_wait3A_583 = arith.constant 3 : i32
            %dma_wait3A_584 = arith.constant 0 : i32
            %dma_wait3A_585 = arith.constant 0 : i32
            %dma_wait3A_586 = tpu.memref_slice %arg10[%dma_wait3A_583, %dma_wait3A_584, %dma_wait3A_585] : memref<4x200x64xf32, #tpu.memory_space<vmem>> -> memref<1x200x64xf32, #tpu.memory_space<vmem>>
            %dma_wait3A_587 = tpu.memref_squeeze %dma_wait3A_586 : memref<1x200x64xf32, #tpu.memory_space<vmem>> -> memref<200x64xf32, #tpu.memory_space<vmem>>
            %dma_wait3A_588 = arith.constant 0 : i32
            %dma_wait3A_589 = tpu.memref_slice %arg7[%add3A_582, %dma_wait3A_588] : memref<819200x64xf32, #tpu.memory_space<hbm>> -> memref<200x64xf32, #tpu.memory_space<hbm>>
            %dma_wait3A_590 = arith.constant 0 : i32
            %dma_wait3A_591 = tpu.memref_slice %arg7[%add3A_582, %dma_wait3A_590] : memref<819200x64xf32, #tpu.memory_space<hbm>> -> memref<200x64xf32, #tpu.memory_space<hbm>>
            %dma_wait3A_592 = arith.constant 0 : i32
            %dma_wait3A_593 = arith.constant 0 : i32
            %dma_wait3A_594 = tpu.memref_slice %arg10[%dma_wait3A_583, %dma_wait3A_592, %dma_wait3A_593] : memref<4x200x64xf32, #tpu.memory_space<vmem>> -> memref<1x200x64xf32, #tpu.memory_space<vmem>>
            %dma_wait3A_595 = tpu.memref_squeeze %dma_wait3A_594 : memref<1x200x64xf32, #tpu.memory_space<vmem>> -> memref<200x64xf32, #tpu.memory_space<vmem>>
            tpu.wait_dma2 semaphore(%arg25 : memref<!tpu.dma_semaphore, #tpu.memory_space<semaphore_mem>>) src(%dma_wait3A_595 : memref<200x64xf32, #tpu.memory_space<vmem>>) dst(%dma_wait3A_591 : memref<200x64xf32, #tpu.memory_space<hbm>>)
          } else {
          }
          %dma_start3A_552 = arith.constant 3 : i32
          %dma_start3A_553 = arith.constant 0 : i32
          %dma_start3A_554 = arith.constant 3 : i32
          %dma_start3A_555 = arith.constant 0 : i32
          %dma_start3A_556 = arith.constant 0 : i32
          %dma_start3A_557 = tpu.memref_slice %arg10[%dma_start3A_554, %dma_start3A_555, %dma_start3A_556] : memref<4x200x64xf32, #tpu.memory_space<vmem>> -> memref<1x128x64xf32, #tpu.memory_space<vmem>>
          %dma_start3A_558 = tpu.memref_squeeze %dma_start3A_557 : memref<1x128x64xf32, #tpu.memory_space<vmem>> -> memref<128x64xf32, #tpu.memory_space<vmem>>
          %dma_start3A_559 = arith.constant 0 : i32
          %dma_start3A_560 = tpu.memref_slice %arg8[%dma_start3A_552, %dma_start3A_553, %dma_start3A_559] : memref<4x2x128xi32, #tpu.memory_space<vmem>> -> memref<1x1x128xi32, #tpu.memory_space<vmem>>
          %dma_start3A_561 = tpu.memref_squeeze %dma_start3A_560 : memref<1x1x128xi32, #tpu.memory_space<vmem>> -> memref<128xi32, #tpu.memory_space<vmem>>
          %dma_start3A_562 = arith.constant 0 : i32
          %dma_start3A_563 = arith.constant 0 : i32
          %dma_start3A_564 = tpu.memref_slice %arg4[%dma_start3A_562, %dma_start3A_563] : memref<1000000x64xf32, #tpu.memory_space<hbm>> -> memref<1000000x64xf32, #tpu.memory_space<hbm>>
          tpu.enqueue_indirect_dma source(%dma_start3A_564 : memref<1000000x64xf32, #tpu.memory_space<hbm>>) target(%dma_start3A_558 : memref<128x64xf32, #tpu.memory_space<vmem>>) offsets(%dma_start3A_561 : memref<128xi32, #tpu.memory_space<vmem>>) semaphore(%arg21 : memref<!tpu.dma_semaphore, #tpu.memory_space<semaphore_mem>>)
          %dma_start3A_565 = arith.constant 3 : i32
          %dma_start3A_566 = arith.constant 1 : i32
          %dma_start3A_567 = arith.constant 3 : i32
          %dma_start3A_568 = arith.constant 128 : i32
          %dma_start3A_569 = arith.constant 0 : i32
          %dma_start3A_570 = tpu.memref_slice %arg10[%dma_start3A_567, %dma_start3A_568, %dma_start3A_569] : memref<4x200x64xf32, #tpu.memory_space<vmem>> -> memref<1x72x64xf32, #tpu.memory_space<vmem>>
          %dma_start3A_571 = tpu.memref_squeeze %dma_start3A_570 : memref<1x72x64xf32, #tpu.memory_space<vmem>> -> memref<72x64xf32, #tpu.memory_space<vmem>>
          %dma_start3A_572 = arith.constant 0 : i32
          %dma_start3A_573 = tpu.memref_slice %arg8[%dma_start3A_565, %dma_start3A_566, %dma_start3A_572] : memref<4x2x128xi32, #tpu.memory_space<vmem>> -> memref<1x1x72xi32, #tpu.memory_space<vmem>>
          %dma_start3A_574 = tpu.memref_squeeze %dma_start3A_573 : memref<1x1x72xi32, #tpu.memory_space<vmem>> -> memref<72xi32, #tpu.memory_space<vmem>>
          %dma_start3A_575 = arith.constant 0 : i32
          %dma_start3A_576 = arith.constant 0 : i32
          %dma_start3A_577 = tpu.memref_slice %arg4[%dma_start3A_575, %dma_start3A_576] : memref<1000000x64xf32, #tpu.memory_space<hbm>> -> memref<1000000x64xf32, #tpu.memory_space<hbm>>
          tpu.enqueue_indirect_dma source(%dma_start3A_577 : memref<1000000x64xf32, #tpu.memory_space<hbm>>) target(%dma_start3A_571 : memref<72x64xf32, #tpu.memory_space<vmem>>) offsets(%dma_start3A_574 : memref<72xi32, #tpu.memory_space<vmem>>) semaphore(%arg21 : memref<!tpu.dma_semaphore, #tpu.memory_space<semaphore_mem>>)
        } else {
        }
      } else {
      }
      %rem3A_427 = arith.constant 4 : i32
      %rem3A_428 = arith.remsi %scan3A_423, %rem3A_427 : i32
      %eq3A_429 = arith.constant 1 : i32
      %eq3A_430 = arith.cmpi eq, %rem3A_428, %eq3A_429 : i32
      %convert_element_type3A_431 = arith.extui %eq3A_430 : i1 to i32
      %cond3A_432 = arith.constant 0 : i32
      %cond3A_433 = arith.cmpi ne, %convert_element_type3A_431, %cond3A_432 : i32
      scf.if %cond3A_433 {
        %dma_wait3A_448 = arith.constant 1 : i32
        %dma_wait3A_449 = arith.constant 0 : i32
        %dma_wait3A_450 = arith.constant 1 : i32
        %dma_wait3A_451 = arith.constant 0 : i32
        %dma_wait3A_452 = arith.constant 0 : i32
        %dma_wait3A_453 = tpu.memref_slice %arg10[%dma_wait3A_450, %dma_wait3A_451, %dma_wait3A_452] : memref<4x200x64xf32, #tpu.memory_space<vmem>> -> memref<1x128x64xf32, #tpu.memory_space<vmem>>
        %dma_wait3A_454 = tpu.memref_squeeze %dma_wait3A_453 : memref<1x128x64xf32, #tpu.memory_space<vmem>> -> memref<128x64xf32, #tpu.memory_space<vmem>>
        %dma_wait3A_455 = arith.constant 0 : i32
        %dma_wait3A_456 = tpu.memref_slice %arg8[%dma_wait3A_448, %dma_wait3A_449, %dma_wait3A_455] : memref<4x2x128xi32, #tpu.memory_space<vmem>> -> memref<1x1x128xi32, #tpu.memory_space<vmem>>
        %dma_wait3A_457 = tpu.memref_squeeze %dma_wait3A_456 : memref<1x1x128xi32, #tpu.memory_space<vmem>> -> memref<128xi32, #tpu.memory_space<vmem>>
        %dma_wait3A_458 = arith.constant 0 : i32
        %dma_wait3A_459 = arith.constant 0 : i32
        %dma_wait3A_460 = tpu.memref_slice %arg4[%dma_wait3A_458, %dma_wait3A_459] : memref<1000000x64xf32, #tpu.memory_space<hbm>> -> memref<1000000x64xf32, #tpu.memory_space<hbm>>
        tpu.wait_indirect_dma semaphore(%arg19 : memref<!tpu.dma_semaphore, #tpu.memory_space<semaphore_mem>>) src(%dma_wait3A_460 : memref<1000000x64xf32, #tpu.memory_space<hbm>>) dst(%dma_wait3A_454 : memref<128x64xf32, #tpu.memory_space<vmem>>)
        %dma_wait3A_461 = arith.constant 1 : i32
        %dma_wait3A_462 = arith.constant 1 : i32
        %dma_wait3A_463 = arith.constant 1 : i32
        %dma_wait3A_464 = arith.constant 128 : i32
        %dma_wait3A_465 = arith.constant 0 : i32
        %dma_wait3A_466 = tpu.memref_slice %arg10[%dma_wait3A_463, %dma_wait3A_464, %dma_wait3A_465] : memref<4x200x64xf32, #tpu.memory_space<vmem>> -> memref<1x72x64xf32, #tpu.memory_space<vmem>>
        %dma_wait3A_467 = tpu.memref_squeeze %dma_wait3A_466 : memref<1x72x64xf32, #tpu.memory_space<vmem>> -> memref<72x64xf32, #tpu.memory_space<vmem>>
        %dma_wait3A_468 = arith.constant 0 : i32
        %dma_wait3A_469 = tpu.memref_slice %arg8[%dma_wait3A_461, %dma_wait3A_462, %dma_wait3A_468] : memref<4x2x128xi32, #tpu.memory_space<vmem>> -> memref<1x1x72xi32, #tpu.memory_space<vmem>>
        %dma_wait3A_470 = tpu.memref_squeeze %dma_wait3A_469 : memref<1x1x72xi32, #tpu.memory_space<vmem>> -> memref<72xi32, #tpu.memory_space<vmem>>
        %dma_wait3A_471 = arith.constant 0 : i32
        %dma_wait3A_472 = arith.constant 0 : i32
        %dma_wait3A_473 = tpu.memref_slice %arg4[%dma_wait3A_471, %dma_wait3A_472] : memref<1000000x64xf32, #tpu.memory_space<hbm>> -> memref<1000000x64xf32, #tpu.memory_space<hbm>>
        tpu.wait_indirect_dma semaphore(%arg19 : memref<!tpu.dma_semaphore, #tpu.memory_space<semaphore_mem>>) src(%dma_wait3A_473 : memref<1000000x64xf32, #tpu.memory_space<hbm>>) dst(%dma_wait3A_467 : memref<72x64xf32, #tpu.memory_space<vmem>>)
        %mul3A_474 = arith.constant 0 : i32
        %mul3A_475 = vector.broadcast %mul3A_474 : i32 to vector<16xi32>
        %mul3A_476 = arith.muli %iota3A, %mul3A_475 : vector<16xi32>
        %parallel_loop3A = arith.constant 0 : i32
        %parallel_loop3A_477 = arith.constant 200 : i32
        %parallel_loop3A_478 = arith.constant 1 : i32
        %parallel_loop3A_479 = scf.for %parallel_loop3A_510 = %parallel_loop3A to %parallel_loop3A_477 step %parallel_loop3A_478 iter_args(%parallel_loop3A_511 = %mul3A_476) -> (vector<16xi32>)  : i32 {
          %parallel_loop3A_512 = arith.constant 1 : i32
          %parallel_loop3A_513 = arith.constant 0 : i32
          %parallel_loop3A_514 = tpu.memref_slice %arg9[%parallel_loop3A_512, %parallel_loop3A_513] : memref<4x200xi32, #tpu.memory_space<vmem>> -> memref<1x200xi32, #tpu.memory_space<vmem>>
          %parallel_loop3A_515 = tpu.memref_squeeze %parallel_loop3A_514 : memref<1x200xi32, #tpu.memory_space<vmem>> -> memref<200xi32, #tpu.memory_space<vmem>>
          %parallel_loop3A_516 = tpu.vector_load_idx %parallel_loop3A_515[%parallel_loop3A_511] : memref<200xi32, #tpu.memory_space<vmem>>[vector<16xi32>], vector<16xi32>,
          %parallel_loop3A_517 = arith.constant 12800 : i32
          %parallel_loop3A_518 = vector.broadcast %parallel_loop3A_517 : i32 to vector<16xi32>
          %parallel_loop3A_519 = arith.muli %parallel_loop3A_516, %parallel_loop3A_518 : vector<16xi32>
          %parallel_loop3A_520 = arith.constant 64 : i32
          %parallel_loop3A_521 = vector.broadcast %parallel_loop3A_520 : i32 to vector<16xi32>
          %parallel_loop3A_522 = arith.muli %parallel_loop3A_511, %parallel_loop3A_521 : vector<16xi32>
          %parallel_loop3A_523 = arith.addi %parallel_loop3A_519, %parallel_loop3A_522 : vector<16xi32>
          %parallel_loop3A_524 = arith.constant 0 : i32
          %parallel_loop3A_525 = vector.broadcast %parallel_loop3A_524 : i32 to vector<16xi32>
          %parallel_loop3A_526 = arith.addi %parallel_loop3A_525, %iota3A : vector<16xi32>
          %parallel_loop3A_527 = arith.addi %parallel_loop3A_523, %parallel_loop3A_526 : vector<16xi32>
          %parallel_loop3A_528 = tpu.vector_load_idx %arg13[%parallel_loop3A_527] : memref<25600xf32, #tpu.memory_space<vmem>>[vector<16xi32>], vector<16xf32>,
          %parallel_loop3A_529 = arith.constant 1 : i32
          %parallel_loop3A_530 = arith.index_cast %parallel_loop3A_529 : i32 to index
          %parallel_loop3A_531 = arith.index_cast %parallel_loop3A_510 : i32 to index
          %parallel_loop3A_532 = arith.constant 0 : index
          %parallel_loop3A_533 = tpu.vector_load %arg10[%parallel_loop3A_530, %parallel_loop3A_531, %parallel_loop3A_532] {strides = array<i32>} : memref<4x200x64xf32, #tpu.memory_space<vmem>>, vector<16xf32>,
          %parallel_loop3A_534 = arith.addf %parallel_loop3A_533, %parallel_loop3A_528 : vector<16xf32>
          %parallel_loop3A_535 = arith.constant 1 : i32
          %parallel_loop3A_536 = arith.index_cast %parallel_loop3A_535 : i32 to index
          %parallel_loop3A_537 = arith.index_cast %parallel_loop3A_510 : i32 to index
          %parallel_loop3A_538 = arith.constant 0 : index
          %parallel_loop3A_539 = tpu.vector_load %arg10[%parallel_loop3A_536, %parallel_loop3A_537, %parallel_loop3A_538] {strides = array<i32>} : memref<4x200x64xf32, #tpu.memory_space<vmem>>, vector<16xf32>,
          tpu.vector_store %arg10[%parallel_loop3A_536, %parallel_loop3A_537, %parallel_loop3A_538], %parallel_loop3A_534 {strides = array<i32>} : memref<4x200x64xf32, #tpu.memory_space<vmem>>, vector<16xf32>,
          %parallel_loop3A_540 = arith.constant 16 : i32
          %parallel_loop3A_541 = vector.broadcast %parallel_loop3A_540 : i32 to vector<16xi32>
          %parallel_loop3A_542 = arith.addi %parallel_loop3A_541, %iota3A : vector<16xi32>
          %parallel_loop3A_543 = arith.addi %parallel_loop3A_523, %parallel_loop3A_542 : vector<16xi32>
          %parallel_loop3A_544 = tpu.vector_load_idx %arg13[%parallel_loop3A_543] : memref<25600xf32, #tpu.memory_space<vmem>>[vector<16xi32>], vector<16xf32>,
          %parallel_loop3A_545 = arith.constant 1 : i32
          %parallel_loop3A_546 = arith.index_cast %parallel_loop3A_545 : i32 to index
          %parallel_loop3A_547 = arith.index_cast %parallel_loop3A_510 : i32 to index
          %parallel_loop3A_548 = arith.constant 16 : index
          %parallel_loop3A_549 = tpu.vector_load %arg10[%parallel_loop3A_546, %parallel_loop3A_547, %parallel_loop3A_548] {strides = array<i32>} : memref<4x200x64xf32, #tpu.memory_space<vmem>>, vector<16xf32>,
          %parallel_loop3A_550 = arith.addf %parallel_loop3A_549, %parallel_loop3A_544 : vector<16xf32>
          %parallel_loop3A_551 = arith.constant 1 : i32
          %parallel_loop3A_552 = arith.index_cast %parallel_loop3A_551 : i32 to index
          %parallel_loop3A_553 = arith.index_cast %parallel_loop3A_510 : i32 to index
          %parallel_loop3A_554 = arith.constant 16 : index
          %parallel_loop3A_555 = tpu.vector_load %arg10[%parallel_loop3A_552, %parallel_loop3A_553, %parallel_loop3A_554] {strides = array<i32>} : memref<4x200x64xf32, #tpu.memory_space<vmem>>, vector<16xf32>,
          tpu.vector_store %arg10[%parallel_loop3A_552, %parallel_loop3A_553, %parallel_loop3A_554], %parallel_loop3A_550 {strides = array<i32>} : memref<4x200x64xf32, #tpu.memory_space<vmem>>, vector<16xf32>,
          %parallel_loop3A_556 = arith.constant 32 : i32
          %parallel_loop3A_557 = vector.broadcast %parallel_loop3A_556 : i32 to vector<16xi32>
          %parallel_loop3A_558 = arith.addi %parallel_loop3A_557, %iota3A : vector<16xi32>
          %parallel_loop3A_559 = arith.addi %parallel_loop3A_523, %parallel_loop3A_558 : vector<16xi32>
          %parallel_loop3A_560 = tpu.vector_load_idx %arg13[%parallel_loop3A_559] : memref<25600xf32, #tpu.memory_space<vmem>>[vector<16xi32>], vector<16xf32>,
          %parallel_loop3A_561 = arith.constant 1 : i32
          %parallel_loop3A_562 = arith.index_cast %parallel_loop3A_561 : i32 to index
          %parallel_loop3A_563 = arith.index_cast %parallel_loop3A_510 : i32 to index
          %parallel_loop3A_564 = arith.constant 32 : index
          %parallel_loop3A_565 = tpu.vector_load %arg10[%parallel_loop3A_562, %parallel_loop3A_563, %parallel_loop3A_564] {strides = array<i32>} : memref<4x200x64xf32, #tpu.memory_space<vmem>>, vector<16xf32>,
          %parallel_loop3A_566 = arith.addf %parallel_loop3A_565, %parallel_loop3A_560 : vector<16xf32>
          %parallel_loop3A_567 = arith.constant 1 : i32
          %parallel_loop3A_568 = arith.index_cast %parallel_loop3A_567 : i32 to index
          %parallel_loop3A_569 = arith.index_cast %parallel_loop3A_510 : i32 to index
          %parallel_loop3A_570 = arith.constant 32 : index
          %parallel_loop3A_571 = tpu.vector_load %arg10[%parallel_loop3A_568, %parallel_loop3A_569, %parallel_loop3A_570] {strides = array<i32>} : memref<4x200x64xf32, #tpu.memory_space<vmem>>, vector<16xf32>,
          tpu.vector_store %arg10[%parallel_loop3A_568, %parallel_loop3A_569, %parallel_loop3A_570], %parallel_loop3A_566 {strides = array<i32>} : memref<4x200x64xf32, #tpu.memory_space<vmem>>, vector<16xf32>,
          %parallel_loop3A_572 = arith.constant 48 : i32
          %parallel_loop3A_573 = vector.broadcast %parallel_loop3A_572 : i32 to vector<16xi32>
          %parallel_loop3A_574 = arith.addi %parallel_loop3A_573, %iota3A : vector<16xi32>
          %parallel_loop3A_575 = arith.addi %parallel_loop3A_523, %parallel_loop3A_574 : vector<16xi32>
          %parallel_loop3A_576 = tpu.vector_load_idx %arg13[%parallel_loop3A_575] : memref<25600xf32, #tpu.memory_space<vmem>>[vector<16xi32>], vector<16xf32>,
          %parallel_loop3A_577 = arith.constant 1 : i32
          %parallel_loop3A_578 = arith.index_cast %parallel_loop3A_577 : i32 to index
          %parallel_loop3A_579 = arith.index_cast %parallel_loop3A_510 : i32 to index
          %parallel_loop3A_580 = arith.constant 48 : index
          %parallel_loop3A_581 = tpu.vector_load %arg10[%parallel_loop3A_578, %parallel_loop3A_579, %parallel_loop3A_580] {strides = array<i32>} : memref<4x200x64xf32, #tpu.memory_space<vmem>>, vector<16xf32>,
          %parallel_loop3A_582 = arith.addf %parallel_loop3A_581, %parallel_loop3A_576 : vector<16xf32>
          %parallel_loop3A_583 = arith.constant 1 : i32
          %parallel_loop3A_584 = arith.index_cast %parallel_loop3A_583 : i32 to index
          %parallel_loop3A_585 = arith.index_cast %parallel_loop3A_510 : i32 to index
          %parallel_loop3A_586 = arith.constant 48 : index
          %parallel_loop3A_587 = tpu.vector_load %arg10[%parallel_loop3A_584, %parallel_loop3A_585, %parallel_loop3A_586] {strides = array<i32>} : memref<4x200x64xf32, #tpu.memory_space<vmem>>, vector<16xf32>,
          tpu.vector_store %arg10[%parallel_loop3A_584, %parallel_loop3A_585, %parallel_loop3A_586], %parallel_loop3A_582 {strides = array<i32>} : memref<4x200x64xf32, #tpu.memory_space<vmem>>, vector<16xf32>,
          %parallel_loop3A_588 = arith.constant 1 : i32
          %parallel_loop3A_589 = vector.broadcast %parallel_loop3A_588 : i32 to vector<16xi32>
          %parallel_loop3A_590 = arith.addi %parallel_loop3A_511, %parallel_loop3A_589 : vector<16xi32>
          scf.yield %parallel_loop3A_590 : vector<16xi32>
        } {sc.loop_unroll_factor = 4 : i64, sc.parallel_access}
        %mul3A_480 = arith.constant 200 : i32
        %mul3A_481 = arith.muli %scan3A_423, %mul3A_480 : i32
        %add3A_482 = arith.addi %mul3A_2, %mul3A_481 : i32
        %dma_start3A_483 = arith.constant 1 : i32
        %dma_start3A_484 = arith.constant 0 : i32
        %dma_start3A_485 = arith.constant 0 : i32
        %dma_start3A_486 = tpu.memref_slice %arg10[%dma_start3A_483, %dma_start3A_484, %dma_start3A_485] : memref<4x200x64xf32, #tpu.memory_space<vmem>> -> memref<1x200x64xf32, #tpu.memory_space<vmem>>
        %dma_start3A_487 = tpu.memref_squeeze %dma_start3A_486 : memref<1x200x64xf32, #tpu.memory_space<vmem>> -> memref<200x64xf32, #tpu.memory_space<vmem>>
        %dma_start3A_488 = arith.constant 0 : i32
        %dma_start3A_489 = tpu.memref_slice %arg7[%add3A_482, %dma_start3A_488] : memref<819200x64xf32, #tpu.memory_space<hbm>> -> memref<200x64xf32, #tpu.memory_space<hbm>>
        %dma_start3A_490 = arith.constant 0 : i32
        %dma_start3A_491 = tpu.memref_slice %arg7[%add3A_482, %dma_start3A_490] : memref<819200x64xf32, #tpu.memory_space<hbm>> -> memref<200x64xf32, #tpu.memory_space<hbm>>
        %dma_start3A_492 = arith.constant 0 : i32
        %dma_start3A_493 = arith.constant 0 : i32
        %dma_start3A_494 = tpu.memref_slice %arg10[%dma_start3A_483, %dma_start3A_492, %dma_start3A_493] : memref<4x200x64xf32, #tpu.memory_space<vmem>> -> memref<1x200x64xf32, #tpu.memory_space<vmem>>
        %dma_start3A_495 = tpu.memref_squeeze %dma_start3A_494 : memref<1x200x64xf32, #tpu.memory_space<vmem>> -> memref<200x64xf32, #tpu.memory_space<vmem>>
        tpu.enqueue_dma source(%dma_start3A_495 : memref<200x64xf32, #tpu.memory_space<vmem>>) target(%dma_start3A_491 : memref<200x64xf32, #tpu.memory_space<hbm>>) target_semaphore(%arg23 : memref<!tpu.dma_semaphore, #tpu.memory_space<semaphore_mem>>)
        %add3A_496 = arith.constant 4 : i32
        %add3A_497 = arith.addi %scan3A_423, %add3A_496 : i32
        %lt3A = arith.constant 128 : i32
        %lt3A_498 = arith.cmpi slt, %add3A_497, %lt3A : i32
        %convert_element_type3A_499 = arith.extui %lt3A_498 : i1 to i32
        %cond3A_500 = arith.constant 0 : i32
        %cond3A_501 = arith.cmpi ne, %convert_element_type3A_499, %cond3A_500 : i32
        scf.if %cond3A_501 {
          %add3A_510 = arith.constant 4 : i32
          %add3A_511 = arith.addi %scan3A_423, %add3A_510 : i32
          %mul3A_512 = arith.constant 200 : i32
          %mul3A_513 = arith.muli %add3A_511, %mul3A_512 : i32
          %add3A_514 = arith.addi %mul3A_2, %mul3A_513 : i32
          %dma_start3A_515 = arith.constant 1 : i32
          %dma_start3A_516 = arith.constant 0 : i32
          %dma_start3A_517 = arith.constant 0 : i32
          %dma_start3A_518 = tpu.memref_slice %arg8[%dma_start3A_515, %dma_start3A_516, %dma_start3A_517] : memref<4x2x128xi32, #tpu.memory_space<vmem>> -> memref<1x1x128xi32, #tpu.memory_space<vmem>>
          %dma_start3A_519 = tpu.memref_squeeze %dma_start3A_518 : memref<1x1x128xi32, #tpu.memory_space<vmem>> -> memref<128xi32, #tpu.memory_space<vmem>>
          %dma_start3A_520 = tpu.memref_slice %arg2[%add3A_514] : memref<819200xi32, #tpu.memory_space<hbm>> -> memref<128xi32, #tpu.memory_space<hbm>>
          %dma_start3A_521 = arith.constant 0 : i32
          %dma_start3A_522 = tpu.memref_slice %arg8[%dma_start3A_515, %dma_start3A_516, %dma_start3A_521] : memref<4x2x128xi32, #tpu.memory_space<vmem>> -> memref<1x1x128xi32, #tpu.memory_space<vmem>>
          %dma_start3A_523 = tpu.memref_squeeze %dma_start3A_522 : memref<1x1x128xi32, #tpu.memory_space<vmem>> -> memref<128xi32, #tpu.memory_space<vmem>>
          %dma_start3A_524 = tpu.memref_slice %arg2[%add3A_514] : memref<819200xi32, #tpu.memory_space<hbm>> -> memref<128xi32, #tpu.memory_space<hbm>>
          tpu.enqueue_dma source(%dma_start3A_524 : memref<128xi32, #tpu.memory_space<hbm>>) target(%dma_start3A_523 : memref<128xi32, #tpu.memory_space<vmem>>) target_semaphore(%arg15 : memref<!tpu.dma_semaphore, #tpu.memory_space<semaphore_mem>>)
          %add3A_525 = arith.constant 128 : i32
          %add3A_526 = arith.addi %add3A_514, %add3A_525 : i32
          %dma_start3A_527 = arith.constant 1 : i32
          %dma_start3A_528 = arith.constant 1 : i32
          %dma_start3A_529 = arith.constant 0 : i32
          %dma_start3A_530 = tpu.memref_slice %arg8[%dma_start3A_527, %dma_start3A_528, %dma_start3A_529] : memref<4x2x128xi32, #tpu.memory_space<vmem>> -> memref<1x1x72xi32, #tpu.memory_space<vmem>>
          %dma_start3A_531 = tpu.memref_squeeze %dma_start3A_530 : memref<1x1x72xi32, #tpu.memory_space<vmem>> -> memref<72xi32, #tpu.memory_space<vmem>>
          %dma_start3A_532 = tpu.memref_slice %arg2[%add3A_526] : memref<819200xi32, #tpu.memory_space<hbm>> -> memref<72xi32, #tpu.memory_space<hbm>>
          %dma_start3A_533 = arith.constant 0 : i32
          %dma_start3A_534 = tpu.memref_slice %arg8[%dma_start3A_527, %dma_start3A_528, %dma_start3A_533] : memref<4x2x128xi32, #tpu.memory_space<vmem>> -> memref<1x1x72xi32, #tpu.memory_space<vmem>>
          %dma_start3A_535 = tpu.memref_squeeze %dma_start3A_534 : memref<1x1x72xi32, #tpu.memory_space<vmem>> -> memref<72xi32, #tpu.memory_space<vmem>>
          %dma_start3A_536 = tpu.memref_slice %arg2[%add3A_526] : memref<819200xi32, #tpu.memory_space<hbm>> -> memref<72xi32, #tpu.memory_space<hbm>>
          tpu.enqueue_dma source(%dma_start3A_536 : memref<72xi32, #tpu.memory_space<hbm>>) target(%dma_start3A_535 : memref<72xi32, #tpu.memory_space<vmem>>) target_semaphore(%arg15 : memref<!tpu.dma_semaphore, #tpu.memory_space<semaphore_mem>>)
          %dma_start3A_537 = arith.constant 1 : i32
          %dma_start3A_538 = arith.constant 0 : i32
          %dma_start3A_539 = tpu.memref_slice %arg9[%dma_start3A_537, %dma_start3A_538] : memref<4x200xi32, #tpu.memory_space<vmem>> -> memref<1x200xi32, #tpu.memory_space<vmem>>
          %dma_start3A_540 = tpu.memref_squeeze %dma_start3A_539 : memref<1x200xi32, #tpu.memory_space<vmem>> -> memref<200xi32, #tpu.memory_space<vmem>>
          %dma_start3A_541 = tpu.memref_slice %arg3[%add3A_514] : memref<819200xi32, #tpu.memory_space<hbm>> -> memref<200xi32, #tpu.memory_space<hbm>>
          %dma_start3A_542 = arith.constant 0 : i32
          %dma_start3A_543 = tpu.memref_slice %arg9[%dma_start3A_537, %dma_start3A_542] : memref<4x200xi32, #tpu.memory_space<vmem>> -> memref<1x200xi32, #tpu.memory_space<vmem>>
          %dma_start3A_544 = tpu.memref_squeeze %dma_start3A_543 : memref<1x200xi32, #tpu.memory_space<vmem>> -> memref<200xi32, #tpu.memory_space<vmem>>
          %dma_start3A_545 = tpu.memref_slice %arg3[%add3A_514] : memref<819200xi32, #tpu.memory_space<hbm>> -> memref<200xi32, #tpu.memory_space<hbm>>
          tpu.enqueue_dma source(%dma_start3A_545 : memref<200xi32, #tpu.memory_space<hbm>>) target(%dma_start3A_544 : memref<200xi32, #tpu.memory_space<vmem>>) target_semaphore(%arg15 : memref<!tpu.dma_semaphore, #tpu.memory_space<semaphore_mem>>)
        } else {
        }
        %add3A_502 = arith.constant 4 : i32
        %add3A_503 = arith.addi %scan3A_423, %add3A_502 : i32
        %sub3A = arith.constant 1 : i32
        %sub3A_504 = arith.subi %add3A_503, %sub3A : i32
        %lt3A_505 = arith.constant 128 : i32
        %lt3A_506 = arith.cmpi slt, %sub3A_504, %lt3A_505 : i32
        %convert_element_type3A_507 = arith.extui %lt3A_506 : i1 to i32
        %cond3A_508 = arith.constant 0 : i32
        %cond3A_509 = arith.cmpi ne, %convert_element_type3A_507, %cond3A_508 : i32
        scf.if %cond3A_509 {
          %add3A_510 = arith.constant 4 : i32
          %add3A_511 = arith.addi %scan3A_423, %add3A_510 : i32
          %sub3A_512 = arith.constant 1 : i32
          %sub3A_513 = arith.subi %add3A_511, %sub3A_512 : i32
          %mul3A_514 = arith.constant 200 : i32
          %mul3A_515 = arith.muli %sub3A_513, %mul3A_514 : i32
          %add3A_516 = arith.addi %mul3A_2, %mul3A_515 : i32
          %dma_wait3A_517 = arith.constant 0 : i32
          %dma_wait3A_518 = arith.constant 0 : i32
          %dma_wait3A_519 = arith.constant 0 : i32
          %dma_wait3A_520 = tpu.memref_slice %arg8[%dma_wait3A_517, %dma_wait3A_518, %dma_wait3A_519] : memref<4x2x128xi32, #tpu.memory_space<vmem>> -> memref<1x1x128xi32, #tpu.memory_space<vmem>>
          %dma_wait3A_521 = tpu.memref_squeeze %dma_wait3A_520 : memref<1x1x128xi32, #tpu.memory_space<vmem>> -> memref<128xi32, #tpu.memory_space<vmem>>
          %dma_wait3A_522 = tpu.memref_slice %arg2[%add3A_516] : memref<819200xi32, #tpu.memory_space<hbm>> -> memref<128xi32, #tpu.memory_space<hbm>>
          %dma_wait3A_523 = arith.constant 0 : i32
          %dma_wait3A_524 = tpu.memref_slice %arg8[%dma_wait3A_517, %dma_wait3A_518, %dma_wait3A_523] : memref<4x2x128xi32, #tpu.memory_space<vmem>> -> memref<1x1x128xi32, #tpu.memory_space<vmem>>
          %dma_wait3A_525 = tpu.memref_squeeze %dma_wait3A_524 : memref<1x1x128xi32, #tpu.memory_space<vmem>> -> memref<128xi32, #tpu.memory_space<vmem>>
          %dma_wait3A_526 = tpu.memref_slice %arg2[%add3A_516] : memref<819200xi32, #tpu.memory_space<hbm>> -> memref<128xi32, #tpu.memory_space<hbm>>
          tpu.wait_dma2 semaphore(%arg14 : memref<!tpu.dma_semaphore, #tpu.memory_space<semaphore_mem>>) src(%dma_wait3A_526 : memref<128xi32, #tpu.memory_space<hbm>>) dst(%dma_wait3A_525 : memref<128xi32, #tpu.memory_space<vmem>>)
          %add3A_527 = arith.constant 128 : i32
          %add3A_528 = arith.addi %add3A_516, %add3A_527 : i32
          %dma_wait3A_529 = arith.constant 0 : i32
          %dma_wait3A_530 = arith.constant 1 : i32
          %dma_wait3A_531 = arith.constant 0 : i32
          %dma_wait3A_532 = tpu.memref_slice %arg8[%dma_wait3A_529, %dma_wait3A_530, %dma_wait3A_531] : memref<4x2x128xi32, #tpu.memory_space<vmem>> -> memref<1x1x72xi32, #tpu.memory_space<vmem>>
          %dma_wait3A_533 = tpu.memref_squeeze %dma_wait3A_532 : memref<1x1x72xi32, #tpu.memory_space<vmem>> -> memref<72xi32, #tpu.memory_space<vmem>>
          %dma_wait3A_534 = tpu.memref_slice %arg2[%add3A_528] : memref<819200xi32, #tpu.memory_space<hbm>> -> memref<72xi32, #tpu.memory_space<hbm>>
          %dma_wait3A_535 = arith.constant 0 : i32
          %dma_wait3A_536 = tpu.memref_slice %arg8[%dma_wait3A_529, %dma_wait3A_530, %dma_wait3A_535] : memref<4x2x128xi32, #tpu.memory_space<vmem>> -> memref<1x1x72xi32, #tpu.memory_space<vmem>>
          %dma_wait3A_537 = tpu.memref_squeeze %dma_wait3A_536 : memref<1x1x72xi32, #tpu.memory_space<vmem>> -> memref<72xi32, #tpu.memory_space<vmem>>
          %dma_wait3A_538 = tpu.memref_slice %arg2[%add3A_528] : memref<819200xi32, #tpu.memory_space<hbm>> -> memref<72xi32, #tpu.memory_space<hbm>>
          tpu.wait_dma2 semaphore(%arg14 : memref<!tpu.dma_semaphore, #tpu.memory_space<semaphore_mem>>) src(%dma_wait3A_538 : memref<72xi32, #tpu.memory_space<hbm>>) dst(%dma_wait3A_537 : memref<72xi32, #tpu.memory_space<vmem>>)
          %dma_wait3A_539 = arith.constant 0 : i32
          %dma_wait3A_540 = arith.constant 0 : i32
          %dma_wait3A_541 = tpu.memref_slice %arg9[%dma_wait3A_539, %dma_wait3A_540] : memref<4x200xi32, #tpu.memory_space<vmem>> -> memref<1x200xi32, #tpu.memory_space<vmem>>
          %dma_wait3A_542 = tpu.memref_squeeze %dma_wait3A_541 : memref<1x200xi32, #tpu.memory_space<vmem>> -> memref<200xi32, #tpu.memory_space<vmem>>
          %dma_wait3A_543 = tpu.memref_slice %arg3[%add3A_516] : memref<819200xi32, #tpu.memory_space<hbm>> -> memref<200xi32, #tpu.memory_space<hbm>>
          %dma_wait3A_544 = arith.constant 0 : i32
          %dma_wait3A_545 = tpu.memref_slice %arg9[%dma_wait3A_539, %dma_wait3A_544] : memref<4x200xi32, #tpu.memory_space<vmem>> -> memref<1x200xi32, #tpu.memory_space<vmem>>
          %dma_wait3A_546 = tpu.memref_squeeze %dma_wait3A_545 : memref<1x200xi32, #tpu.memory_space<vmem>> -> memref<200xi32, #tpu.memory_space<vmem>>
          %dma_wait3A_547 = tpu.memref_slice %arg3[%add3A_516] : memref<819200xi32, #tpu.memory_space<hbm>> -> memref<200xi32, #tpu.memory_space<hbm>>
          tpu.wait_dma2 semaphore(%arg14 : memref<!tpu.dma_semaphore, #tpu.memory_space<semaphore_mem>>) src(%dma_wait3A_547 : memref<200xi32, #tpu.memory_space<hbm>>) dst(%dma_wait3A_546 : memref<200xi32, #tpu.memory_space<vmem>>)
          %ge3A = arith.constant 1 : i32
          %ge3A_548 = arith.cmpi sge, %scan3A_423, %ge3A : i32
          %convert_element_type3A_549 = arith.extui %ge3A_548 : i1 to i32
          %cond3A_550 = arith.constant 0 : i32
          %cond3A_551 = arith.cmpi ne, %convert_element_type3A_549, %cond3A_550 : i32
          scf.if %cond3A_551 {
            %sub3A_578 = arith.constant 1 : i32
            %sub3A_579 = arith.subi %scan3A_423, %sub3A_578 : i32
            %mul3A_580 = arith.constant 200 : i32
            %mul3A_581 = arith.muli %sub3A_579, %mul3A_580 : i32
            %add3A_582 = arith.addi %mul3A_2, %mul3A_581 : i32
            %dma_wait3A_583 = arith.constant 0 : i32
            %dma_wait3A_584 = arith.constant 0 : i32
            %dma_wait3A_585 = arith.constant 0 : i32
            %dma_wait3A_586 = tpu.memref_slice %arg10[%dma_wait3A_583, %dma_wait3A_584, %dma_wait3A_585] : memref<4x200x64xf32, #tpu.memory_space<vmem>> -> memref<1x200x64xf32, #tpu.memory_space<vmem>>
            %dma_wait3A_587 = tpu.memref_squeeze %dma_wait3A_586 : memref<1x200x64xf32, #tpu.memory_space<vmem>> -> memref<200x64xf32, #tpu.memory_space<vmem>>
            %dma_wait3A_588 = arith.constant 0 : i32
            %dma_wait3A_589 = tpu.memref_slice %arg7[%add3A_582, %dma_wait3A_588] : memref<819200x64xf32, #tpu.memory_space<hbm>> -> memref<200x64xf32, #tpu.memory_space<hbm>>
            %dma_wait3A_590 = arith.constant 0 : i32
            %dma_wait3A_591 = tpu.memref_slice %arg7[%add3A_582, %dma_wait3A_590] : memref<819200x64xf32, #tpu.memory_space<hbm>> -> memref<200x64xf32, #tpu.memory_space<hbm>>
            %dma_wait3A_592 = arith.constant 0 : i32
            %dma_wait3A_593 = arith.constant 0 : i32
            %dma_wait3A_594 = tpu.memref_slice %arg10[%dma_wait3A_583, %dma_wait3A_592, %dma_wait3A_593] : memref<4x200x64xf32, #tpu.memory_space<vmem>> -> memref<1x200x64xf32, #tpu.memory_space<vmem>>
            %dma_wait3A_595 = tpu.memref_squeeze %dma_wait3A_594 : memref<1x200x64xf32, #tpu.memory_space<vmem>> -> memref<200x64xf32, #tpu.memory_space<vmem>>
            tpu.wait_dma2 semaphore(%arg22 : memref<!tpu.dma_semaphore, #tpu.memory_space<semaphore_mem>>) src(%dma_wait3A_595 : memref<200x64xf32, #tpu.memory_space<vmem>>) dst(%dma_wait3A_591 : memref<200x64xf32, #tpu.memory_space<hbm>>)
          } else {
          }
          %dma_start3A_552 = arith.constant 0 : i32
          %dma_start3A_553 = arith.constant 0 : i32
          %dma_start3A_554 = arith.constant 0 : i32
          %dma_start3A_555 = arith.constant 0 : i32
          %dma_start3A_556 = arith.constant 0 : i32
          %dma_start3A_557 = tpu.memref_slice %arg10[%dma_start3A_554, %dma_start3A_555, %dma_start3A_556] : memref<4x200x64xf32, #tpu.memory_space<vmem>> -> memref<1x128x64xf32, #tpu.memory_space<vmem>>
          %dma_start3A_558 = tpu.memref_squeeze %dma_start3A_557 : memref<1x128x64xf32, #tpu.memory_space<vmem>> -> memref<128x64xf32, #tpu.memory_space<vmem>>
          %dma_start3A_559 = arith.constant 0 : i32
          %dma_start3A_560 = tpu.memref_slice %arg8[%dma_start3A_552, %dma_start3A_553, %dma_start3A_559] : memref<4x2x128xi32, #tpu.memory_space<vmem>> -> memref<1x1x128xi32, #tpu.memory_space<vmem>>
          %dma_start3A_561 = tpu.memref_squeeze %dma_start3A_560 : memref<1x1x128xi32, #tpu.memory_space<vmem>> -> memref<128xi32, #tpu.memory_space<vmem>>
          %dma_start3A_562 = arith.constant 0 : i32
          %dma_start3A_563 = arith.constant 0 : i32
          %dma_start3A_564 = tpu.memref_slice %arg4[%dma_start3A_562, %dma_start3A_563] : memref<1000000x64xf32, #tpu.memory_space<hbm>> -> memref<1000000x64xf32, #tpu.memory_space<hbm>>
          tpu.enqueue_indirect_dma source(%dma_start3A_564 : memref<1000000x64xf32, #tpu.memory_space<hbm>>) target(%dma_start3A_558 : memref<128x64xf32, #tpu.memory_space<vmem>>) offsets(%dma_start3A_561 : memref<128xi32, #tpu.memory_space<vmem>>) semaphore(%arg18 : memref<!tpu.dma_semaphore, #tpu.memory_space<semaphore_mem>>)
          %dma_start3A_565 = arith.constant 0 : i32
          %dma_start3A_566 = arith.constant 1 : i32
          %dma_start3A_567 = arith.constant 0 : i32
          %dma_start3A_568 = arith.constant 128 : i32
          %dma_start3A_569 = arith.constant 0 : i32
          %dma_start3A_570 = tpu.memref_slice %arg10[%dma_start3A_567, %dma_start3A_568, %dma_start3A_569] : memref<4x200x64xf32, #tpu.memory_space<vmem>> -> memref<1x72x64xf32, #tpu.memory_space<vmem>>
          %dma_start3A_571 = tpu.memref_squeeze %dma_start3A_570 : memref<1x72x64xf32, #tpu.memory_space<vmem>> -> memref<72x64xf32, #tpu.memory_space<vmem>>
          %dma_start3A_572 = arith.constant 0 : i32
          %dma_start3A_573 = tpu.memref_slice %arg8[%dma_start3A_565, %dma_start3A_566, %dma_start3A_572] : memref<4x2x128xi32, #tpu.memory_space<vmem>> -> memref<1x1x72xi32, #tpu.memory_space<vmem>>
          %dma_start3A_574 = tpu.memref_squeeze %dma_start3A_573 : memref<1x1x72xi32, #tpu.memory_space<vmem>> -> memref<72xi32, #tpu.memory_space<vmem>>
          %dma_start3A_575 = arith.constant 0 : i32
          %dma_start3A_576 = arith.constant 0 : i32
          %dma_start3A_577 = tpu.memref_slice %arg4[%dma_start3A_575, %dma_start3A_576] : memref<1000000x64xf32, #tpu.memory_space<hbm>> -> memref<1000000x64xf32, #tpu.memory_space<hbm>>
          tpu.enqueue_indirect_dma source(%dma_start3A_577 : memref<1000000x64xf32, #tpu.memory_space<hbm>>) target(%dma_start3A_571 : memref<72x64xf32, #tpu.memory_space<vmem>>) offsets(%dma_start3A_574 : memref<72xi32, #tpu.memory_space<vmem>>) semaphore(%arg18 : memref<!tpu.dma_semaphore, #tpu.memory_space<semaphore_mem>>)
        } else {
        }
      } else {
      }
      %rem3A_434 = arith.constant 4 : i32
      %rem3A_435 = arith.remsi %scan3A_423, %rem3A_434 : i32
      %eq3A_436 = arith.constant 2 : i32
      %eq3A_437 = arith.cmpi eq, %rem3A_435, %eq3A_436 : i32
      %convert_element_type3A_438 = arith.extui %eq3A_437 : i1 to i32
      %cond3A_439 = arith.constant 0 : i32
      %cond3A_440 = arith.cmpi ne, %convert_element_type3A_438, %cond3A_439 : i32
      scf.if %cond3A_440 {
        %dma_wait3A_448 = arith.constant 2 : i32
        %dma_wait3A_449 = arith.constant 0 : i32
        %dma_wait3A_450 = arith.constant 2 : i32
        %dma_wait3A_451 = arith.constant 0 : i32
        %dma_wait3A_452 = arith.constant 0 : i32
        %dma_wait3A_453 = tpu.memref_slice %arg10[%dma_wait3A_450, %dma_wait3A_451, %dma_wait3A_452] : memref<4x200x64xf32, #tpu.memory_space<vmem>> -> memref<1x128x64xf32, #tpu.memory_space<vmem>>
        %dma_wait3A_454 = tpu.memref_squeeze %dma_wait3A_453 : memref<1x128x64xf32, #tpu.memory_space<vmem>> -> memref<128x64xf32, #tpu.memory_space<vmem>>
        %dma_wait3A_455 = arith.constant 0 : i32
        %dma_wait3A_456 = tpu.memref_slice %arg8[%dma_wait3A_448, %dma_wait3A_449, %dma_wait3A_455] : memref<4x2x128xi32, #tpu.memory_space<vmem>> -> memref<1x1x128xi32, #tpu.memory_space<vmem>>
        %dma_wait3A_457 = tpu.memref_squeeze %dma_wait3A_456 : memref<1x1x128xi32, #tpu.memory_space<vmem>> -> memref<128xi32, #tpu.memory_space<vmem>>
        %dma_wait3A_458 = arith.constant 0 : i32
        %dma_wait3A_459 = arith.constant 0 : i32
        %dma_wait3A_460 = tpu.memref_slice %arg4[%dma_wait3A_458, %dma_wait3A_459] : memref<1000000x64xf32, #tpu.memory_space<hbm>> -> memref<1000000x64xf32, #tpu.memory_space<hbm>>
        tpu.wait_indirect_dma semaphore(%arg20 : memref<!tpu.dma_semaphore, #tpu.memory_space<semaphore_mem>>) src(%dma_wait3A_460 : memref<1000000x64xf32, #tpu.memory_space<hbm>>) dst(%dma_wait3A_454 : memref<128x64xf32, #tpu.memory_space<vmem>>)
        %dma_wait3A_461 = arith.constant 2 : i32
        %dma_wait3A_462 = arith.constant 1 : i32
        %dma_wait3A_463 = arith.constant 2 : i32
        %dma_wait3A_464 = arith.constant 128 : i32
        %dma_wait3A_465 = arith.constant 0 : i32
        %dma_wait3A_466 = tpu.memref_slice %arg10[%dma_wait3A_463, %dma_wait3A_464, %dma_wait3A_465] : memref<4x200x64xf32, #tpu.memory_space<vmem>> -> memref<1x72x64xf32, #tpu.memory_space<vmem>>
        %dma_wait3A_467 = tpu.memref_squeeze %dma_wait3A_466 : memref<1x72x64xf32, #tpu.memory_space<vmem>> -> memref<72x64xf32, #tpu.memory_space<vmem>>
        %dma_wait3A_468 = arith.constant 0 : i32
        %dma_wait3A_469 = tpu.memref_slice %arg8[%dma_wait3A_461, %dma_wait3A_462, %dma_wait3A_468] : memref<4x2x128xi32, #tpu.memory_space<vmem>> -> memref<1x1x72xi32, #tpu.memory_space<vmem>>
        %dma_wait3A_470 = tpu.memref_squeeze %dma_wait3A_469 : memref<1x1x72xi32, #tpu.memory_space<vmem>> -> memref<72xi32, #tpu.memory_space<vmem>>
        %dma_wait3A_471 = arith.constant 0 : i32
        %dma_wait3A_472 = arith.constant 0 : i32
        %dma_wait3A_473 = tpu.memref_slice %arg4[%dma_wait3A_471, %dma_wait3A_472] : memref<1000000x64xf32, #tpu.memory_space<hbm>> -> memref<1000000x64xf32, #tpu.memory_space<hbm>>
        tpu.wait_indirect_dma semaphore(%arg20 : memref<!tpu.dma_semaphore, #tpu.memory_space<semaphore_mem>>) src(%dma_wait3A_473 : memref<1000000x64xf32, #tpu.memory_space<hbm>>) dst(%dma_wait3A_467 : memref<72x64xf32, #tpu.memory_space<vmem>>)
        %mul3A_474 = arith.constant 0 : i32
        %mul3A_475 = vector.broadcast %mul3A_474 : i32 to vector<16xi32>
        %mul3A_476 = arith.muli %iota3A, %mul3A_475 : vector<16xi32>
        %parallel_loop3A = arith.constant 0 : i32
        %parallel_loop3A_477 = arith.constant 200 : i32
        %parallel_loop3A_478 = arith.constant 1 : i32
        %parallel_loop3A_479 = scf.for %parallel_loop3A_510 = %parallel_loop3A to %parallel_loop3A_477 step %parallel_loop3A_478 iter_args(%parallel_loop3A_511 = %mul3A_476) -> (vector<16xi32>)  : i32 {
          %parallel_loop3A_512 = arith.constant 2 : i32
          %parallel_loop3A_513 = arith.constant 0 : i32
          %parallel_loop3A_514 = tpu.memref_slice %arg9[%parallel_loop3A_512, %parallel_loop3A_513] : memref<4x200xi32, #tpu.memory_space<vmem>> -> memref<1x200xi32, #tpu.memory_space<vmem>>
          %parallel_loop3A_515 = tpu.memref_squeeze %parallel_loop3A_514 : memref<1x200xi32, #tpu.memory_space<vmem>> -> memref<200xi32, #tpu.memory_space<vmem>>
          %parallel_loop3A_516 = tpu.vector_load_idx %parallel_loop3A_515[%parallel_loop3A_511] : memref<200xi32, #tpu.memory_space<vmem>>[vector<16xi32>], vector<16xi32>,
          %parallel_loop3A_517 = arith.constant 12800 : i32
          %parallel_loop3A_518 = vector.broadcast %parallel_loop3A_517 : i32 to vector<16xi32>
          %parallel_loop3A_519 = arith.muli %parallel_loop3A_516, %parallel_loop3A_518 : vector<16xi32>
          %parallel_loop3A_520 = arith.constant 64 : i32
          %parallel_loop3A_521 = vector.broadcast %parallel_loop3A_520 : i32 to vector<16xi32>
          %parallel_loop3A_522 = arith.muli %parallel_loop3A_511, %parallel_loop3A_521 : vector<16xi32>
          %parallel_loop3A_523 = arith.addi %parallel_loop3A_519, %parallel_loop3A_522 : vector<16xi32>
          %parallel_loop3A_524 = arith.constant 0 : i32
          %parallel_loop3A_525 = vector.broadcast %parallel_loop3A_524 : i32 to vector<16xi32>
          %parallel_loop3A_526 = arith.addi %parallel_loop3A_525, %iota3A : vector<16xi32>
          %parallel_loop3A_527 = arith.addi %parallel_loop3A_523, %parallel_loop3A_526 : vector<16xi32>
          %parallel_loop3A_528 = tpu.vector_load_idx %arg13[%parallel_loop3A_527] : memref<25600xf32, #tpu.memory_space<vmem>>[vector<16xi32>], vector<16xf32>,
          %parallel_loop3A_529 = arith.constant 2 : i32
          %parallel_loop3A_530 = arith.index_cast %parallel_loop3A_529 : i32 to index
          %parallel_loop3A_531 = arith.index_cast %parallel_loop3A_510 : i32 to index
          %parallel_loop3A_532 = arith.constant 0 : index
          %parallel_loop3A_533 = tpu.vector_load %arg10[%parallel_loop3A_530, %parallel_loop3A_531, %parallel_loop3A_532] {strides = array<i32>} : memref<4x200x64xf32, #tpu.memory_space<vmem>>, vector<16xf32>,
          %parallel_loop3A_534 = arith.addf %parallel_loop3A_533, %parallel_loop3A_528 : vector<16xf32>
          %parallel_loop3A_535 = arith.constant 2 : i32
          %parallel_loop3A_536 = arith.index_cast %parallel_loop3A_535 : i32 to index
          %parallel_loop3A_537 = arith.index_cast %parallel_loop3A_510 : i32 to index
          %parallel_loop3A_538 = arith.constant 0 : index
          %parallel_loop3A_539 = tpu.vector_load %arg10[%parallel_loop3A_536, %parallel_loop3A_537, %parallel_loop3A_538] {strides = array<i32>} : memref<4x200x64xf32, #tpu.memory_space<vmem>>, vector<16xf32>,
          tpu.vector_store %arg10[%parallel_loop3A_536, %parallel_loop3A_537, %parallel_loop3A_538], %parallel_loop3A_534 {strides = array<i32>} : memref<4x200x64xf32, #tpu.memory_space<vmem>>, vector<16xf32>,
          %parallel_loop3A_540 = arith.constant 16 : i32
          %parallel_loop3A_541 = vector.broadcast %parallel_loop3A_540 : i32 to vector<16xi32>
          %parallel_loop3A_542 = arith.addi %parallel_loop3A_541, %iota3A : vector<16xi32>
          %parallel_loop3A_543 = arith.addi %parallel_loop3A_523, %parallel_loop3A_542 : vector<16xi32>
          %parallel_loop3A_544 = tpu.vector_load_idx %arg13[%parallel_loop3A_543] : memref<25600xf32, #tpu.memory_space<vmem>>[vector<16xi32>], vector<16xf32>,
          %parallel_loop3A_545 = arith.constant 2 : i32
          %parallel_loop3A_546 = arith.index_cast %parallel_loop3A_545 : i32 to index
          %parallel_loop3A_547 = arith.index_cast %parallel_loop3A_510 : i32 to index
          %parallel_loop3A_548 = arith.constant 16 : index
          %parallel_loop3A_549 = tpu.vector_load %arg10[%parallel_loop3A_546, %parallel_loop3A_547, %parallel_loop3A_548] {strides = array<i32>} : memref<4x200x64xf32, #tpu.memory_space<vmem>>, vector<16xf32>,
          %parallel_loop3A_550 = arith.addf %parallel_loop3A_549, %parallel_loop3A_544 : vector<16xf32>
          %parallel_loop3A_551 = arith.constant 2 : i32
          %parallel_loop3A_552 = arith.index_cast %parallel_loop3A_551 : i32 to index
          %parallel_loop3A_553 = arith.index_cast %parallel_loop3A_510 : i32 to index
          %parallel_loop3A_554 = arith.constant 16 : index
          %parallel_loop3A_555 = tpu.vector_load %arg10[%parallel_loop3A_552, %parallel_loop3A_553, %parallel_loop3A_554] {strides = array<i32>} : memref<4x200x64xf32, #tpu.memory_space<vmem>>, vector<16xf32>,
          tpu.vector_store %arg10[%parallel_loop3A_552, %parallel_loop3A_553, %parallel_loop3A_554], %parallel_loop3A_550 {strides = array<i32>} : memref<4x200x64xf32, #tpu.memory_space<vmem>>, vector<16xf32>,
          %parallel_loop3A_556 = arith.constant 32 : i32
          %parallel_loop3A_557 = vector.broadcast %parallel_loop3A_556 : i32 to vector<16xi32>
          %parallel_loop3A_558 = arith.addi %parallel_loop3A_557, %iota3A : vector<16xi32>
          %parallel_loop3A_559 = arith.addi %parallel_loop3A_523, %parallel_loop3A_558 : vector<16xi32>
          %parallel_loop3A_560 = tpu.vector_load_idx %arg13[%parallel_loop3A_559] : memref<25600xf32, #tpu.memory_space<vmem>>[vector<16xi32>], vector<16xf32>,
          %parallel_loop3A_561 = arith.constant 2 : i32
          %parallel_loop3A_562 = arith.index_cast %parallel_loop3A_561 : i32 to index
          %parallel_loop3A_563 = arith.index_cast %parallel_loop3A_510 : i32 to index
          %parallel_loop3A_564 = arith.constant 32 : index
          %parallel_loop3A_565 = tpu.vector_load %arg10[%parallel_loop3A_562, %parallel_loop3A_563, %parallel_loop3A_564] {strides = array<i32>} : memref<4x200x64xf32, #tpu.memory_space<vmem>>, vector<16xf32>,
          %parallel_loop3A_566 = arith.addf %parallel_loop3A_565, %parallel_loop3A_560 : vector<16xf32>
          %parallel_loop3A_567 = arith.constant 2 : i32
          %parallel_loop3A_568 = arith.index_cast %parallel_loop3A_567 : i32 to index
          %parallel_loop3A_569 = arith.index_cast %parallel_loop3A_510 : i32 to index
          %parallel_loop3A_570 = arith.constant 32 : index
          %parallel_loop3A_571 = tpu.vector_load %arg10[%parallel_loop3A_568, %parallel_loop3A_569, %parallel_loop3A_570] {strides = array<i32>} : memref<4x200x64xf32, #tpu.memory_space<vmem>>, vector<16xf32>,
          tpu.vector_store %arg10[%parallel_loop3A_568, %parallel_loop3A_569, %parallel_loop3A_570], %parallel_loop3A_566 {strides = array<i32>} : memref<4x200x64xf32, #tpu.memory_space<vmem>>, vector<16xf32>,
          %parallel_loop3A_572 = arith.constant 48 : i32
          %parallel_loop3A_573 = vector.broadcast %parallel_loop3A_572 : i32 to vector<16xi32>
          %parallel_loop3A_574 = arith.addi %parallel_loop3A_573, %iota3A : vector<16xi32>
          %parallel_loop3A_575 = arith.addi %parallel_loop3A_523, %parallel_loop3A_574 : vector<16xi32>
          %parallel_loop3A_576 = tpu.vector_load_idx %arg13[%parallel_loop3A_575] : memref<25600xf32, #tpu.memory_space<vmem>>[vector<16xi32>], vector<16xf32>,
          %parallel_loop3A_577 = arith.constant 2 : i32
          %parallel_loop3A_578 = arith.index_cast %parallel_loop3A_577 : i32 to index
          %parallel_loop3A_579 = arith.index_cast %parallel_loop3A_510 : i32 to index
          %parallel_loop3A_580 = arith.constant 48 : index
          %parallel_loop3A_581 = tpu.vector_load %arg10[%parallel_loop3A_578, %parallel_loop3A_579, %parallel_loop3A_580] {strides = array<i32>} : memref<4x200x64xf32, #tpu.memory_space<vmem>>, vector<16xf32>,
          %parallel_loop3A_582 = arith.addf %parallel_loop3A_581, %parallel_loop3A_576 : vector<16xf32>
          %parallel_loop3A_583 = arith.constant 2 : i32
          %parallel_loop3A_584 = arith.index_cast %parallel_loop3A_583 : i32 to index
          %parallel_loop3A_585 = arith.index_cast %parallel_loop3A_510 : i32 to index
          %parallel_loop3A_586 = arith.constant 48 : index
          %parallel_loop3A_587 = tpu.vector_load %arg10[%parallel_loop3A_584, %parallel_loop3A_585, %parallel_loop3A_586] {strides = array<i32>} : memref<4x200x64xf32, #tpu.memory_space<vmem>>, vector<16xf32>,
          tpu.vector_store %arg10[%parallel_loop3A_584, %parallel_loop3A_585, %parallel_loop3A_586], %parallel_loop3A_582 {strides = array<i32>} : memref<4x200x64xf32, #tpu.memory_space<vmem>>, vector<16xf32>,
          %parallel_loop3A_588 = arith.constant 1 : i32
          %parallel_loop3A_589 = vector.broadcast %parallel_loop3A_588 : i32 to vector<16xi32>
          %parallel_loop3A_590 = arith.addi %parallel_loop3A_511, %parallel_loop3A_589 : vector<16xi32>
          scf.yield %parallel_loop3A_590 : vector<16xi32>
        } {sc.loop_unroll_factor = 4 : i64, sc.parallel_access}
        %mul3A_480 = arith.constant 200 : i32
        %mul3A_481 = arith.muli %scan3A_423, %mul3A_480 : i32
        %add3A_482 = arith.addi %mul3A_2, %mul3A_481 : i32
        %dma_start3A_483 = arith.constant 2 : i32
        %dma_start3A_484 = arith.constant 0 : i32
        %dma_start3A_485 = arith.constant 0 : i32
        %dma_start3A_486 = tpu.memref_slice %arg10[%dma_start3A_483, %dma_start3A_484, %dma_start3A_485] : memref<4x200x64xf32, #tpu.memory_space<vmem>> -> memref<1x200x64xf32, #tpu.memory_space<vmem>>
        %dma_start3A_487 = tpu.memref_squeeze %dma_start3A_486 : memref<1x200x64xf32, #tpu.memory_space<vmem>> -> memref<200x64xf32, #tpu.memory_space<vmem>>
        %dma_start3A_488 = arith.constant 0 : i32
        %dma_start3A_489 = tpu.memref_slice %arg7[%add3A_482, %dma_start3A_488] : memref<819200x64xf32, #tpu.memory_space<hbm>> -> memref<200x64xf32, #tpu.memory_space<hbm>>
        %dma_start3A_490 = arith.constant 0 : i32
        %dma_start3A_491 = tpu.memref_slice %arg7[%add3A_482, %dma_start3A_490] : memref<819200x64xf32, #tpu.memory_space<hbm>> -> memref<200x64xf32, #tpu.memory_space<hbm>>
        %dma_start3A_492 = arith.constant 0 : i32
        %dma_start3A_493 = arith.constant 0 : i32
        %dma_start3A_494 = tpu.memref_slice %arg10[%dma_start3A_483, %dma_start3A_492, %dma_start3A_493] : memref<4x200x64xf32, #tpu.memory_space<vmem>> -> memref<1x200x64xf32, #tpu.memory_space<vmem>>
        %dma_start3A_495 = tpu.memref_squeeze %dma_start3A_494 : memref<1x200x64xf32, #tpu.memory_space<vmem>> -> memref<200x64xf32, #tpu.memory_space<vmem>>
        tpu.enqueue_dma source(%dma_start3A_495 : memref<200x64xf32, #tpu.memory_space<vmem>>) target(%dma_start3A_491 : memref<200x64xf32, #tpu.memory_space<hbm>>) target_semaphore(%arg24 : memref<!tpu.dma_semaphore, #tpu.memory_space<semaphore_mem>>)
        %add3A_496 = arith.constant 4 : i32
        %add3A_497 = arith.addi %scan3A_423, %add3A_496 : i32
        %lt3A = arith.constant 128 : i32
        %lt3A_498 = arith.cmpi slt, %add3A_497, %lt3A : i32
        %convert_element_type3A_499 = arith.extui %lt3A_498 : i1 to i32
        %cond3A_500 = arith.constant 0 : i32
        %cond3A_501 = arith.cmpi ne, %convert_element_type3A_499, %cond3A_500 : i32
        scf.if %cond3A_501 {
          %add3A_510 = arith.constant 4 : i32
          %add3A_511 = arith.addi %scan3A_423, %add3A_510 : i32
          %mul3A_512 = arith.constant 200 : i32
          %mul3A_513 = arith.muli %add3A_511, %mul3A_512 : i32
          %add3A_514 = arith.addi %mul3A_2, %mul3A_513 : i32
          %dma_start3A_515 = arith.constant 2 : i32
          %dma_start3A_516 = arith.constant 0 : i32
          %dma_start3A_517 = arith.constant 0 : i32
          %dma_start3A_518 = tpu.memref_slice %arg8[%dma_start3A_515, %dma_start3A_516, %dma_start3A_517] : memref<4x2x128xi32, #tpu.memory_space<vmem>> -> memref<1x1x128xi32, #tpu.memory_space<vmem>>
          %dma_start3A_519 = tpu.memref_squeeze %dma_start3A_518 : memref<1x1x128xi32, #tpu.memory_space<vmem>> -> memref<128xi32, #tpu.memory_space<vmem>>
          %dma_start3A_520 = tpu.memref_slice %arg2[%add3A_514] : memref<819200xi32, #tpu.memory_space<hbm>> -> memref<128xi32, #tpu.memory_space<hbm>>
          %dma_start3A_521 = arith.constant 0 : i32
          %dma_start3A_522 = tpu.memref_slice %arg8[%dma_start3A_515, %dma_start3A_516, %dma_start3A_521] : memref<4x2x128xi32, #tpu.memory_space<vmem>> -> memref<1x1x128xi32, #tpu.memory_space<vmem>>
          %dma_start3A_523 = tpu.memref_squeeze %dma_start3A_522 : memref<1x1x128xi32, #tpu.memory_space<vmem>> -> memref<128xi32, #tpu.memory_space<vmem>>
          %dma_start3A_524 = tpu.memref_slice %arg2[%add3A_514] : memref<819200xi32, #tpu.memory_space<hbm>> -> memref<128xi32, #tpu.memory_space<hbm>>
          tpu.enqueue_dma source(%dma_start3A_524 : memref<128xi32, #tpu.memory_space<hbm>>) target(%dma_start3A_523 : memref<128xi32, #tpu.memory_space<vmem>>) target_semaphore(%arg16 : memref<!tpu.dma_semaphore, #tpu.memory_space<semaphore_mem>>)
          %add3A_525 = arith.constant 128 : i32
          %add3A_526 = arith.addi %add3A_514, %add3A_525 : i32
          %dma_start3A_527 = arith.constant 2 : i32
          %dma_start3A_528 = arith.constant 1 : i32
          %dma_start3A_529 = arith.constant 0 : i32
          %dma_start3A_530 = tpu.memref_slice %arg8[%dma_start3A_527, %dma_start3A_528, %dma_start3A_529] : memref<4x2x128xi32, #tpu.memory_space<vmem>> -> memref<1x1x72xi32, #tpu.memory_space<vmem>>
          %dma_start3A_531 = tpu.memref_squeeze %dma_start3A_530 : memref<1x1x72xi32, #tpu.memory_space<vmem>> -> memref<72xi32, #tpu.memory_space<vmem>>
          %dma_start3A_532 = tpu.memref_slice %arg2[%add3A_526] : memref<819200xi32, #tpu.memory_space<hbm>> -> memref<72xi32, #tpu.memory_space<hbm>>
          %dma_start3A_533 = arith.constant 0 : i32
          %dma_start3A_534 = tpu.memref_slice %arg8[%dma_start3A_527, %dma_start3A_528, %dma_start3A_533] : memref<4x2x128xi32, #tpu.memory_space<vmem>> -> memref<1x1x72xi32, #tpu.memory_space<vmem>>
          %dma_start3A_535 = tpu.memref_squeeze %dma_start3A_534 : memref<1x1x72xi32, #tpu.memory_space<vmem>> -> memref<72xi32, #tpu.memory_space<vmem>>
          %dma_start3A_536 = tpu.memref_slice %arg2[%add3A_526] : memref<819200xi32, #tpu.memory_space<hbm>> -> memref<72xi32, #tpu.memory_space<hbm>>
          tpu.enqueue_dma source(%dma_start3A_536 : memref<72xi32, #tpu.memory_space<hbm>>) target(%dma_start3A_535 : memref<72xi32, #tpu.memory_space<vmem>>) target_semaphore(%arg16 : memref<!tpu.dma_semaphore, #tpu.memory_space<semaphore_mem>>)
          %dma_start3A_537 = arith.constant 2 : i32
          %dma_start3A_538 = arith.constant 0 : i32
          %dma_start3A_539 = tpu.memref_slice %arg9[%dma_start3A_537, %dma_start3A_538] : memref<4x200xi32, #tpu.memory_space<vmem>> -> memref<1x200xi32, #tpu.memory_space<vmem>>
          %dma_start3A_540 = tpu.memref_squeeze %dma_start3A_539 : memref<1x200xi32, #tpu.memory_space<vmem>> -> memref<200xi32, #tpu.memory_space<vmem>>
          %dma_start3A_541 = tpu.memref_slice %arg3[%add3A_514] : memref<819200xi32, #tpu.memory_space<hbm>> -> memref<200xi32, #tpu.memory_space<hbm>>
          %dma_start3A_542 = arith.constant 0 : i32
          %dma_start3A_543 = tpu.memref_slice %arg9[%dma_start3A_537, %dma_start3A_542] : memref<4x200xi32, #tpu.memory_space<vmem>> -> memref<1x200xi32, #tpu.memory_space<vmem>>
          %dma_start3A_544 = tpu.memref_squeeze %dma_start3A_543 : memref<1x200xi32, #tpu.memory_space<vmem>> -> memref<200xi32, #tpu.memory_space<vmem>>
          %dma_start3A_545 = tpu.memref_slice %arg3[%add3A_514] : memref<819200xi32, #tpu.memory_space<hbm>> -> memref<200xi32, #tpu.memory_space<hbm>>
          tpu.enqueue_dma source(%dma_start3A_545 : memref<200xi32, #tpu.memory_space<hbm>>) target(%dma_start3A_544 : memref<200xi32, #tpu.memory_space<vmem>>) target_semaphore(%arg16 : memref<!tpu.dma_semaphore, #tpu.memory_space<semaphore_mem>>)
        } else {
        }
        %add3A_502 = arith.constant 4 : i32
        %add3A_503 = arith.addi %scan3A_423, %add3A_502 : i32
        %sub3A = arith.constant 1 : i32
        %sub3A_504 = arith.subi %add3A_503, %sub3A : i32
        %lt3A_505 = arith.constant 128 : i32
        %lt3A_506 = arith.cmpi slt, %sub3A_504, %lt3A_505 : i32
        %convert_element_type3A_507 = arith.extui %lt3A_506 : i1 to i32
        %cond3A_508 = arith.constant 0 : i32
        %cond3A_509 = arith.cmpi ne, %convert_element_type3A_507, %cond3A_508 : i32
        scf.if %cond3A_509 {
          %add3A_510 = arith.constant 4 : i32
          %add3A_511 = arith.addi %scan3A_423, %add3A_510 : i32
          %sub3A_512 = arith.constant 1 : i32
          %sub3A_513 = arith.subi %add3A_511, %sub3A_512 : i32
          %mul3A_514 = arith.constant 200 : i32
          %mul3A_515 = arith.muli %sub3A_513, %mul3A_514 : i32
          %add3A_516 = arith.addi %mul3A_2, %mul3A_515 : i32
          %dma_wait3A_517 = arith.constant 1 : i32
          %dma_wait3A_518 = arith.constant 0 : i32
          %dma_wait3A_519 = arith.constant 0 : i32
          %dma_wait3A_520 = tpu.memref_slice %arg8[%dma_wait3A_517, %dma_wait3A_518, %dma_wait3A_519] : memref<4x2x128xi32, #tpu.memory_space<vmem>> -> memref<1x1x128xi32, #tpu.memory_space<vmem>>
          %dma_wait3A_521 = tpu.memref_squeeze %dma_wait3A_520 : memref<1x1x128xi32, #tpu.memory_space<vmem>> -> memref<128xi32, #tpu.memory_space<vmem>>
          %dma_wait3A_522 = tpu.memref_slice %arg2[%add3A_516] : memref<819200xi32, #tpu.memory_space<hbm>> -> memref<128xi32, #tpu.memory_space<hbm>>
          %dma_wait3A_523 = arith.constant 0 : i32
          %dma_wait3A_524 = tpu.memref_slice %arg8[%dma_wait3A_517, %dma_wait3A_518, %dma_wait3A_523] : memref<4x2x128xi32, #tpu.memory_space<vmem>> -> memref<1x1x128xi32, #tpu.memory_space<vmem>>
          %dma_wait3A_525 = tpu.memref_squeeze %dma_wait3A_524 : memref<1x1x128xi32, #tpu.memory_space<vmem>> -> memref<128xi32, #tpu.memory_space<vmem>>
          %dma_wait3A_526 = tpu.memref_slice %arg2[%add3A_516] : memref<819200xi32, #tpu.memory_space<hbm>> -> memref<128xi32, #tpu.memory_space<hbm>>
          tpu.wait_dma2 semaphore(%arg15 : memref<!tpu.dma_semaphore, #tpu.memory_space<semaphore_mem>>) src(%dma_wait3A_526 : memref<128xi32, #tpu.memory_space<hbm>>) dst(%dma_wait3A_525 : memref<128xi32, #tpu.memory_space<vmem>>)
          %add3A_527 = arith.constant 128 : i32
          %add3A_528 = arith.addi %add3A_516, %add3A_527 : i32
          %dma_wait3A_529 = arith.constant 1 : i32
          %dma_wait3A_530 = arith.constant 1 : i32
          %dma_wait3A_531 = arith.constant 0 : i32
          %dma_wait3A_532 = tpu.memref_slice %arg8[%dma_wait3A_529, %dma_wait3A_530, %dma_wait3A_531] : memref<4x2x128xi32, #tpu.memory_space<vmem>> -> memref<1x1x72xi32, #tpu.memory_space<vmem>>
          %dma_wait3A_533 = tpu.memref_squeeze %dma_wait3A_532 : memref<1x1x72xi32, #tpu.memory_space<vmem>> -> memref<72xi32, #tpu.memory_space<vmem>>
          %dma_wait3A_534 = tpu.memref_slice %arg2[%add3A_528] : memref<819200xi32, #tpu.memory_space<hbm>> -> memref<72xi32, #tpu.memory_space<hbm>>
          %dma_wait3A_535 = arith.constant 0 : i32
          %dma_wait3A_536 = tpu.memref_slice %arg8[%dma_wait3A_529, %dma_wait3A_530, %dma_wait3A_535] : memref<4x2x128xi32, #tpu.memory_space<vmem>> -> memref<1x1x72xi32, #tpu.memory_space<vmem>>
          %dma_wait3A_537 = tpu.memref_squeeze %dma_wait3A_536 : memref<1x1x72xi32, #tpu.memory_space<vmem>> -> memref<72xi32, #tpu.memory_space<vmem>>
          %dma_wait3A_538 = tpu.memref_slice %arg2[%add3A_528] : memref<819200xi32, #tpu.memory_space<hbm>> -> memref<72xi32, #tpu.memory_space<hbm>>
          tpu.wait_dma2 semaphore(%arg15 : memref<!tpu.dma_semaphore, #tpu.memory_space<semaphore_mem>>) src(%dma_wait3A_538 : memref<72xi32, #tpu.memory_space<hbm>>) dst(%dma_wait3A_537 : memref<72xi32, #tpu.memory_space<vmem>>)
          %dma_wait3A_539 = arith.constant 1 : i32
          %dma_wait3A_540 = arith.constant 0 : i32
          %dma_wait3A_541 = tpu.memref_slice %arg9[%dma_wait3A_539, %dma_wait3A_540] : memref<4x200xi32, #tpu.memory_space<vmem>> -> memref<1x200xi32, #tpu.memory_space<vmem>>
          %dma_wait3A_542 = tpu.memref_squeeze %dma_wait3A_541 : memref<1x200xi32, #tpu.memory_space<vmem>> -> memref<200xi32, #tpu.memory_space<vmem>>
          %dma_wait3A_543 = tpu.memref_slice %arg3[%add3A_516] : memref<819200xi32, #tpu.memory_space<hbm>> -> memref<200xi32, #tpu.memory_space<hbm>>
          %dma_wait3A_544 = arith.constant 0 : i32
          %dma_wait3A_545 = tpu.memref_slice %arg9[%dma_wait3A_539, %dma_wait3A_544] : memref<4x200xi32, #tpu.memory_space<vmem>> -> memref<1x200xi32, #tpu.memory_space<vmem>>
          %dma_wait3A_546 = tpu.memref_squeeze %dma_wait3A_545 : memref<1x200xi32, #tpu.memory_space<vmem>> -> memref<200xi32, #tpu.memory_space<vmem>>
          %dma_wait3A_547 = tpu.memref_slice %arg3[%add3A_516] : memref<819200xi32, #tpu.memory_space<hbm>> -> memref<200xi32, #tpu.memory_space<hbm>>
          tpu.wait_dma2 semaphore(%arg15 : memref<!tpu.dma_semaphore, #tpu.memory_space<semaphore_mem>>) src(%dma_wait3A_547 : memref<200xi32, #tpu.memory_space<hbm>>) dst(%dma_wait3A_546 : memref<200xi32, #tpu.memory_space<vmem>>)
          %ge3A = arith.constant 1 : i32
          %ge3A_548 = arith.cmpi sge, %scan3A_423, %ge3A : i32
          %convert_element_type3A_549 = arith.extui %ge3A_548 : i1 to i32
          %cond3A_550 = arith.constant 0 : i32
          %cond3A_551 = arith.cmpi ne, %convert_element_type3A_549, %cond3A_550 : i32
          scf.if %cond3A_551 {
            %sub3A_578 = arith.constant 1 : i32
            %sub3A_579 = arith.subi %scan3A_423, %sub3A_578 : i32
            %mul3A_580 = arith.constant 200 : i32
            %mul3A_581 = arith.muli %sub3A_579, %mul3A_580 : i32
            %add3A_582 = arith.addi %mul3A_2, %mul3A_581 : i32
            %dma_wait3A_583 = arith.constant 1 : i32
            %dma_wait3A_584 = arith.constant 0 : i32
            %dma_wait3A_585 = arith.constant 0 : i32
            %dma_wait3A_586 = tpu.memref_slice %arg10[%dma_wait3A_583, %dma_wait3A_584, %dma_wait3A_585] : memref<4x200x64xf32, #tpu.memory_space<vmem>> -> memref<1x200x64xf32, #tpu.memory_space<vmem>>
            %dma_wait3A_587 = tpu.memref_squeeze %dma_wait3A_586 : memref<1x200x64xf32, #tpu.memory_space<vmem>> -> memref<200x64xf32, #tpu.memory_space<vmem>>
            %dma_wait3A_588 = arith.constant 0 : i32
            %dma_wait3A_589 = tpu.memref_slice %arg7[%add3A_582, %dma_wait3A_588] : memref<819200x64xf32, #tpu.memory_space<hbm>> -> memref<200x64xf32, #tpu.memory_space<hbm>>
            %dma_wait3A_590 = arith.constant 0 : i32
            %dma_wait3A_591 = tpu.memref_slice %arg7[%add3A_582, %dma_wait3A_590] : memref<819200x64xf32, #tpu.memory_space<hbm>> -> memref<200x64xf32, #tpu.memory_space<hbm>>
            %dma_wait3A_592 = arith.constant 0 : i32
            %dma_wait3A_593 = arith.constant 0 : i32
            %dma_wait3A_594 = tpu.memref_slice %arg10[%dma_wait3A_583, %dma_wait3A_592, %dma_wait3A_593] : memref<4x200x64xf32, #tpu.memory_space<vmem>> -> memref<1x200x64xf32, #tpu.memory_space<vmem>>
            %dma_wait3A_595 = tpu.memref_squeeze %dma_wait3A_594 : memref<1x200x64xf32, #tpu.memory_space<vmem>> -> memref<200x64xf32, #tpu.memory_space<vmem>>
            tpu.wait_dma2 semaphore(%arg23 : memref<!tpu.dma_semaphore, #tpu.memory_space<semaphore_mem>>) src(%dma_wait3A_595 : memref<200x64xf32, #tpu.memory_space<vmem>>) dst(%dma_wait3A_591 : memref<200x64xf32, #tpu.memory_space<hbm>>)
          } else {
          }
          %dma_start3A_552 = arith.constant 1 : i32
          %dma_start3A_553 = arith.constant 0 : i32
          %dma_start3A_554 = arith.constant 1 : i32
          %dma_start3A_555 = arith.constant 0 : i32
          %dma_start3A_556 = arith.constant 0 : i32
          %dma_start3A_557 = tpu.memref_slice %arg10[%dma_start3A_554, %dma_start3A_555, %dma_start3A_556] : memref<4x200x64xf32, #tpu.memory_space<vmem>> -> memref<1x128x64xf32, #tpu.memory_space<vmem>>
          %dma_start3A_558 = tpu.memref_squeeze %dma_start3A_557 : memref<1x128x64xf32, #tpu.memory_space<vmem>> -> memref<128x64xf32, #tpu.memory_space<vmem>>
          %dma_start3A_559 = arith.constant 0 : i32
          %dma_start3A_560 = tpu.memref_slice %arg8[%dma_start3A_552, %dma_start3A_553, %dma_start3A_559] : memref<4x2x128xi32, #tpu.memory_space<vmem>> -> memref<1x1x128xi32, #tpu.memory_space<vmem>>
          %dma_start3A_561 = tpu.memref_squeeze %dma_start3A_560 : memref<1x1x128xi32, #tpu.memory_space<vmem>> -> memref<128xi32, #tpu.memory_space<vmem>>
          %dma_start3A_562 = arith.constant 0 : i32
          %dma_start3A_563 = arith.constant 0 : i32
          %dma_start3A_564 = tpu.memref_slice %arg4[%dma_start3A_562, %dma_start3A_563] : memref<1000000x64xf32, #tpu.memory_space<hbm>> -> memref<1000000x64xf32, #tpu.memory_space<hbm>>
          tpu.enqueue_indirect_dma source(%dma_start3A_564 : memref<1000000x64xf32, #tpu.memory_space<hbm>>) target(%dma_start3A_558 : memref<128x64xf32, #tpu.memory_space<vmem>>) offsets(%dma_start3A_561 : memref<128xi32, #tpu.memory_space<vmem>>) semaphore(%arg19 : memref<!tpu.dma_semaphore, #tpu.memory_space<semaphore_mem>>)
          %dma_start3A_565 = arith.constant 1 : i32
          %dma_start3A_566 = arith.constant 1 : i32
          %dma_start3A_567 = arith.constant 1 : i32
          %dma_start3A_568 = arith.constant 128 : i32
          %dma_start3A_569 = arith.constant 0 : i32
          %dma_start3A_570 = tpu.memref_slice %arg10[%dma_start3A_567, %dma_start3A_568, %dma_start3A_569] : memref<4x200x64xf32, #tpu.memory_space<vmem>> -> memref<1x72x64xf32, #tpu.memory_space<vmem>>
          %dma_start3A_571 = tpu.memref_squeeze %dma_start3A_570 : memref<1x72x64xf32, #tpu.memory_space<vmem>> -> memref<72x64xf32, #tpu.memory_space<vmem>>
          %dma_start3A_572 = arith.constant 0 : i32
          %dma_start3A_573 = tpu.memref_slice %arg8[%dma_start3A_565, %dma_start3A_566, %dma_start3A_572] : memref<4x2x128xi32, #tpu.memory_space<vmem>> -> memref<1x1x72xi32, #tpu.memory_space<vmem>>
          %dma_start3A_574 = tpu.memref_squeeze %dma_start3A_573 : memref<1x1x72xi32, #tpu.memory_space<vmem>> -> memref<72xi32, #tpu.memory_space<vmem>>
          %dma_start3A_575 = arith.constant 0 : i32
          %dma_start3A_576 = arith.constant 0 : i32
          %dma_start3A_577 = tpu.memref_slice %arg4[%dma_start3A_575, %dma_start3A_576] : memref<1000000x64xf32, #tpu.memory_space<hbm>> -> memref<1000000x64xf32, #tpu.memory_space<hbm>>
          tpu.enqueue_indirect_dma source(%dma_start3A_577 : memref<1000000x64xf32, #tpu.memory_space<hbm>>) target(%dma_start3A_571 : memref<72x64xf32, #tpu.memory_space<vmem>>) offsets(%dma_start3A_574 : memref<72xi32, #tpu.memory_space<vmem>>) semaphore(%arg19 : memref<!tpu.dma_semaphore, #tpu.memory_space<semaphore_mem>>)
        } else {
        }
      } else {
      }
      %rem3A_441 = arith.constant 4 : i32
      %rem3A_442 = arith.remsi %scan3A_423, %rem3A_441 : i32
      %eq3A_443 = arith.constant 3 : i32
      %eq3A_444 = arith.cmpi eq, %rem3A_442, %eq3A_443 : i32
      %convert_element_type3A_445 = arith.extui %eq3A_444 : i1 to i32
      %cond3A_446 = arith.constant 0 : i32
      %cond3A_447 = arith.cmpi ne, %convert_element_type3A_445, %cond3A_446 : i32
      scf.if %cond3A_447 {
        %dma_wait3A_448 = arith.constant 3 : i32
        %dma_wait3A_449 = arith.constant 0 : i32
        %dma_wait3A_450 = arith.constant 3 : i32
        %dma_wait3A_451 = arith.constant 0 : i32
        %dma_wait3A_452 = arith.constant 0 : i32
        %dma_wait3A_453 = tpu.memref_slice %arg10[%dma_wait3A_450, %dma_wait3A_451, %dma_wait3A_452] : memref<4x200x64xf32, #tpu.memory_space<vmem>> -> memref<1x128x64xf32, #tpu.memory_space<vmem>>
        %dma_wait3A_454 = tpu.memref_squeeze %dma_wait3A_453 : memref<1x128x64xf32, #tpu.memory_space<vmem>> -> memref<128x64xf32, #tpu.memory_space<vmem>>
        %dma_wait3A_455 = arith.constant 0 : i32
        %dma_wait3A_456 = tpu.memref_slice %arg8[%dma_wait3A_448, %dma_wait3A_449, %dma_wait3A_455] : memref<4x2x128xi32, #tpu.memory_space<vmem>> -> memref<1x1x128xi32, #tpu.memory_space<vmem>>
        %dma_wait3A_457 = tpu.memref_squeeze %dma_wait3A_456 : memref<1x1x128xi32, #tpu.memory_space<vmem>> -> memref<128xi32, #tpu.memory_space<vmem>>
        %dma_wait3A_458 = arith.constant 0 : i32
        %dma_wait3A_459 = arith.constant 0 : i32
        %dma_wait3A_460 = tpu.memref_slice %arg4[%dma_wait3A_458, %dma_wait3A_459] : memref<1000000x64xf32, #tpu.memory_space<hbm>> -> memref<1000000x64xf32, #tpu.memory_space<hbm>>
        tpu.wait_indirect_dma semaphore(%arg21 : memref<!tpu.dma_semaphore, #tpu.memory_space<semaphore_mem>>) src(%dma_wait3A_460 : memref<1000000x64xf32, #tpu.memory_space<hbm>>) dst(%dma_wait3A_454 : memref<128x64xf32, #tpu.memory_space<vmem>>)
        %dma_wait3A_461 = arith.constant 3 : i32
        %dma_wait3A_462 = arith.constant 1 : i32
        %dma_wait3A_463 = arith.constant 3 : i32
        %dma_wait3A_464 = arith.constant 128 : i32
        %dma_wait3A_465 = arith.constant 0 : i32
        %dma_wait3A_466 = tpu.memref_slice %arg10[%dma_wait3A_463, %dma_wait3A_464, %dma_wait3A_465] : memref<4x200x64xf32, #tpu.memory_space<vmem>> -> memref<1x72x64xf32, #tpu.memory_space<vmem>>
        %dma_wait3A_467 = tpu.memref_squeeze %dma_wait3A_466 : memref<1x72x64xf32, #tpu.memory_space<vmem>> -> memref<72x64xf32, #tpu.memory_space<vmem>>
        %dma_wait3A_468 = arith.constant 0 : i32
        %dma_wait3A_469 = tpu.memref_slice %arg8[%dma_wait3A_461, %dma_wait3A_462, %dma_wait3A_468] : memref<4x2x128xi32, #tpu.memory_space<vmem>> -> memref<1x1x72xi32, #tpu.memory_space<vmem>>
        %dma_wait3A_470 = tpu.memref_squeeze %dma_wait3A_469 : memref<1x1x72xi32, #tpu.memory_space<vmem>> -> memref<72xi32, #tpu.memory_space<vmem>>
        %dma_wait3A_471 = arith.constant 0 : i32
        %dma_wait3A_472 = arith.constant 0 : i32
        %dma_wait3A_473 = tpu.memref_slice %arg4[%dma_wait3A_471, %dma_wait3A_472] : memref<1000000x64xf32, #tpu.memory_space<hbm>> -> memref<1000000x64xf32, #tpu.memory_space<hbm>>
        tpu.wait_indirect_dma semaphore(%arg21 : memref<!tpu.dma_semaphore, #tpu.memory_space<semaphore_mem>>) src(%dma_wait3A_473 : memref<1000000x64xf32, #tpu.memory_space<hbm>>) dst(%dma_wait3A_467 : memref<72x64xf32, #tpu.memory_space<vmem>>)
        %mul3A_474 = arith.constant 0 : i32
        %mul3A_475 = vector.broadcast %mul3A_474 : i32 to vector<16xi32>
        %mul3A_476 = arith.muli %iota3A, %mul3A_475 : vector<16xi32>
        %parallel_loop3A = arith.constant 0 : i32
        %parallel_loop3A_477 = arith.constant 200 : i32
        %parallel_loop3A_478 = arith.constant 1 : i32
        %parallel_loop3A_479 = scf.for %parallel_loop3A_510 = %parallel_loop3A to %parallel_loop3A_477 step %parallel_loop3A_478 iter_args(%parallel_loop3A_511 = %mul3A_476) -> (vector<16xi32>)  : i32 {
          %parallel_loop3A_512 = arith.constant 3 : i32
          %parallel_loop3A_513 = arith.constant 0 : i32
          %parallel_loop3A_514 = tpu.memref_slice %arg9[%parallel_loop3A_512, %parallel_loop3A_513] : memref<4x200xi32, #tpu.memory_space<vmem>> -> memref<1x200xi32, #tpu.memory_space<vmem>>
          %parallel_loop3A_515 = tpu.memref_squeeze %parallel_loop3A_514 : memref<1x200xi32, #tpu.memory_space<vmem>> -> memref<200xi32, #tpu.memory_space<vmem>>
          %parallel_loop3A_516 = tpu.vector_load_idx %parallel_loop3A_515[%parallel_loop3A_511] : memref<200xi32, #tpu.memory_space<vmem>>[vector<16xi32>], vector<16xi32>,
          %parallel_loop3A_517 = arith.constant 12800 : i32
          %parallel_loop3A_518 = vector.broadcast %parallel_loop3A_517 : i32 to vector<16xi32>
          %parallel_loop3A_519 = arith.muli %parallel_loop3A_516, %parallel_loop3A_518 : vector<16xi32>
          %parallel_loop3A_520 = arith.constant 64 : i32
          %parallel_loop3A_521 = vector.broadcast %parallel_loop3A_520 : i32 to vector<16xi32>
          %parallel_loop3A_522 = arith.muli %parallel_loop3A_511, %parallel_loop3A_521 : vector<16xi32>
          %parallel_loop3A_523 = arith.addi %parallel_loop3A_519, %parallel_loop3A_522 : vector<16xi32>
          %parallel_loop3A_524 = arith.constant 0 : i32
          %parallel_loop3A_525 = vector.broadcast %parallel_loop3A_524 : i32 to vector<16xi32>
          %parallel_loop3A_526 = arith.addi %parallel_loop3A_525, %iota3A : vector<16xi32>
          %parallel_loop3A_527 = arith.addi %parallel_loop3A_523, %parallel_loop3A_526 : vector<16xi32>
          %parallel_loop3A_528 = tpu.vector_load_idx %arg13[%parallel_loop3A_527] : memref<25600xf32, #tpu.memory_space<vmem>>[vector<16xi32>], vector<16xf32>,
          %parallel_loop3A_529 = arith.constant 3 : i32
          %parallel_loop3A_530 = arith.index_cast %parallel_loop3A_529 : i32 to index
          %parallel_loop3A_531 = arith.index_cast %parallel_loop3A_510 : i32 to index
          %parallel_loop3A_532 = arith.constant 0 : index
          %parallel_loop3A_533 = tpu.vector_load %arg10[%parallel_loop3A_530, %parallel_loop3A_531, %parallel_loop3A_532] {strides = array<i32>} : memref<4x200x64xf32, #tpu.memory_space<vmem>>, vector<16xf32>,
          %parallel_loop3A_534 = arith.addf %parallel_loop3A_533, %parallel_loop3A_528 : vector<16xf32>
          %parallel_loop3A_535 = arith.constant 3 : i32
          %parallel_loop3A_536 = arith.index_cast %parallel_loop3A_535 : i32 to index
          %parallel_loop3A_537 = arith.index_cast %parallel_loop3A_510 : i32 to index
          %parallel_loop3A_538 = arith.constant 0 : index
          %parallel_loop3A_539 = tpu.vector_load %arg10[%parallel_loop3A_536, %parallel_loop3A_537, %parallel_loop3A_538] {strides = array<i32>} : memref<4x200x64xf32, #tpu.memory_space<vmem>>, vector<16xf32>,
          tpu.vector_store %arg10[%parallel_loop3A_536, %parallel_loop3A_537, %parallel_loop3A_538], %parallel_loop3A_534 {strides = array<i32>} : memref<4x200x64xf32, #tpu.memory_space<vmem>>, vector<16xf32>,
          %parallel_loop3A_540 = arith.constant 16 : i32
          %parallel_loop3A_541 = vector.broadcast %parallel_loop3A_540 : i32 to vector<16xi32>
          %parallel_loop3A_542 = arith.addi %parallel_loop3A_541, %iota3A : vector<16xi32>
          %parallel_loop3A_543 = arith.addi %parallel_loop3A_523, %parallel_loop3A_542 : vector<16xi32>
          %parallel_loop3A_544 = tpu.vector_load_idx %arg13[%parallel_loop3A_543] : memref<25600xf32, #tpu.memory_space<vmem>>[vector<16xi32>], vector<16xf32>,
          %parallel_loop3A_545 = arith.constant 3 : i32
          %parallel_loop3A_546 = arith.index_cast %parallel_loop3A_545 : i32 to index
          %parallel_loop3A_547 = arith.index_cast %parallel_loop3A_510 : i32 to index
          %parallel_loop3A_548 = arith.constant 16 : index
          %parallel_loop3A_549 = tpu.vector_load %arg10[%parallel_loop3A_546, %parallel_loop3A_547, %parallel_loop3A_548] {strides = array<i32>} : memref<4x200x64xf32, #tpu.memory_space<vmem>>, vector<16xf32>,
          %parallel_loop3A_550 = arith.addf %parallel_loop3A_549, %parallel_loop3A_544 : vector<16xf32>
          %parallel_loop3A_551 = arith.constant 3 : i32
          %parallel_loop3A_552 = arith.index_cast %parallel_loop3A_551 : i32 to index
          %parallel_loop3A_553 = arith.index_cast %parallel_loop3A_510 : i32 to index
          %parallel_loop3A_554 = arith.constant 16 : index
          %parallel_loop3A_555 = tpu.vector_load %arg10[%parallel_loop3A_552, %parallel_loop3A_553, %parallel_loop3A_554] {strides = array<i32>} : memref<4x200x64xf32, #tpu.memory_space<vmem>>, vector<16xf32>,
          tpu.vector_store %arg10[%parallel_loop3A_552, %parallel_loop3A_553, %parallel_loop3A_554], %parallel_loop3A_550 {strides = array<i32>} : memref<4x200x64xf32, #tpu.memory_space<vmem>>, vector<16xf32>,
          %parallel_loop3A_556 = arith.constant 32 : i32
          %parallel_loop3A_557 = vector.broadcast %parallel_loop3A_556 : i32 to vector<16xi32>
          %parallel_loop3A_558 = arith.addi %parallel_loop3A_557, %iota3A : vector<16xi32>
          %parallel_loop3A_559 = arith.addi %parallel_loop3A_523, %parallel_loop3A_558 : vector<16xi32>
          %parallel_loop3A_560 = tpu.vector_load_idx %arg13[%parallel_loop3A_559] : memref<25600xf32, #tpu.memory_space<vmem>>[vector<16xi32>], vector<16xf32>,
          %parallel_loop3A_561 = arith.constant 3 : i32
          %parallel_loop3A_562 = arith.index_cast %parallel_loop3A_561 : i32 to index
          %parallel_loop3A_563 = arith.index_cast %parallel_loop3A_510 : i32 to index
          %parallel_loop3A_564 = arith.constant 32 : index
          %parallel_loop3A_565 = tpu.vector_load %arg10[%parallel_loop3A_562, %parallel_loop3A_563, %parallel_loop3A_564] {strides = array<i32>} : memref<4x200x64xf32, #tpu.memory_space<vmem>>, vector<16xf32>,
          %parallel_loop3A_566 = arith.addf %parallel_loop3A_565, %parallel_loop3A_560 : vector<16xf32>
          %parallel_loop3A_567 = arith.constant 3 : i32
          %parallel_loop3A_568 = arith.index_cast %parallel_loop3A_567 : i32 to index
          %parallel_loop3A_569 = arith.index_cast %parallel_loop3A_510 : i32 to index
          %parallel_loop3A_570 = arith.constant 32 : index
          %parallel_loop3A_571 = tpu.vector_load %arg10[%parallel_loop3A_568, %parallel_loop3A_569, %parallel_loop3A_570] {strides = array<i32>} : memref<4x200x64xf32, #tpu.memory_space<vmem>>, vector<16xf32>,
          tpu.vector_store %arg10[%parallel_loop3A_568, %parallel_loop3A_569, %parallel_loop3A_570], %parallel_loop3A_566 {strides = array<i32>} : memref<4x200x64xf32, #tpu.memory_space<vmem>>, vector<16xf32>,
          %parallel_loop3A_572 = arith.constant 48 : i32
          %parallel_loop3A_573 = vector.broadcast %parallel_loop3A_572 : i32 to vector<16xi32>
          %parallel_loop3A_574 = arith.addi %parallel_loop3A_573, %iota3A : vector<16xi32>
          %parallel_loop3A_575 = arith.addi %parallel_loop3A_523, %parallel_loop3A_574 : vector<16xi32>
          %parallel_loop3A_576 = tpu.vector_load_idx %arg13[%parallel_loop3A_575] : memref<25600xf32, #tpu.memory_space<vmem>>[vector<16xi32>], vector<16xf32>,
          %parallel_loop3A_577 = arith.constant 3 : i32
          %parallel_loop3A_578 = arith.index_cast %parallel_loop3A_577 : i32 to index
          %parallel_loop3A_579 = arith.index_cast %parallel_loop3A_510 : i32 to index
          %parallel_loop3A_580 = arith.constant 48 : index
          %parallel_loop3A_581 = tpu.vector_load %arg10[%parallel_loop3A_578, %parallel_loop3A_579, %parallel_loop3A_580] {strides = array<i32>} : memref<4x200x64xf32, #tpu.memory_space<vmem>>, vector<16xf32>,
          %parallel_loop3A_582 = arith.addf %parallel_loop3A_581, %parallel_loop3A_576 : vector<16xf32>
          %parallel_loop3A_583 = arith.constant 3 : i32
          %parallel_loop3A_584 = arith.index_cast %parallel_loop3A_583 : i32 to index
          %parallel_loop3A_585 = arith.index_cast %parallel_loop3A_510 : i32 to index
          %parallel_loop3A_586 = arith.constant 48 : index
          %parallel_loop3A_587 = tpu.vector_load %arg10[%parallel_loop3A_584, %parallel_loop3A_585, %parallel_loop3A_586] {strides = array<i32>} : memref<4x200x64xf32, #tpu.memory_space<vmem>>, vector<16xf32>,
          tpu.vector_store %arg10[%parallel_loop3A_584, %parallel_loop3A_585, %parallel_loop3A_586], %parallel_loop3A_582 {strides = array<i32>} : memref<4x200x64xf32, #tpu.memory_space<vmem>>, vector<16xf32>,
          %parallel_loop3A_588 = arith.constant 1 : i32
          %parallel_loop3A_589 = vector.broadcast %parallel_loop3A_588 : i32 to vector<16xi32>
          %parallel_loop3A_590 = arith.addi %parallel_loop3A_511, %parallel_loop3A_589 : vector<16xi32>
          scf.yield %parallel_loop3A_590 : vector<16xi32>
        } {sc.loop_unroll_factor = 4 : i64, sc.parallel_access}
        %mul3A_480 = arith.constant 200 : i32
        %mul3A_481 = arith.muli %scan3A_423, %mul3A_480 : i32
        %add3A_482 = arith.addi %mul3A_2, %mul3A_481 : i32
        %dma_start3A_483 = arith.constant 3 : i32
        %dma_start3A_484 = arith.constant 0 : i32
        %dma_start3A_485 = arith.constant 0 : i32
        %dma_start3A_486 = tpu.memref_slice %arg10[%dma_start3A_483, %dma_start3A_484, %dma_start3A_485] : memref<4x200x64xf32, #tpu.memory_space<vmem>> -> memref<1x200x64xf32, #tpu.memory_space<vmem>>
        %dma_start3A_487 = tpu.memref_squeeze %dma_start3A_486 : memref<1x200x64xf32, #tpu.memory_space<vmem>> -> memref<200x64xf32, #tpu.memory_space<vmem>>
        %dma_start3A_488 = arith.constant 0 : i32
        %dma_start3A_489 = tpu.memref_slice %arg7[%add3A_482, %dma_start3A_488] : memref<819200x64xf32, #tpu.memory_space<hbm>> -> memref<200x64xf32, #tpu.memory_space<hbm>>
        %dma_start3A_490 = arith.constant 0 : i32
        %dma_start3A_491 = tpu.memref_slice %arg7[%add3A_482, %dma_start3A_490] : memref<819200x64xf32, #tpu.memory_space<hbm>> -> memref<200x64xf32, #tpu.memory_space<hbm>>
        %dma_start3A_492 = arith.constant 0 : i32
        %dma_start3A_493 = arith.constant 0 : i32
        %dma_start3A_494 = tpu.memref_slice %arg10[%dma_start3A_483, %dma_start3A_492, %dma_start3A_493] : memref<4x200x64xf32, #tpu.memory_space<vmem>> -> memref<1x200x64xf32, #tpu.memory_space<vmem>>
        %dma_start3A_495 = tpu.memref_squeeze %dma_start3A_494 : memref<1x200x64xf32, #tpu.memory_space<vmem>> -> memref<200x64xf32, #tpu.memory_space<vmem>>
        tpu.enqueue_dma source(%dma_start3A_495 : memref<200x64xf32, #tpu.memory_space<vmem>>) target(%dma_start3A_491 : memref<200x64xf32, #tpu.memory_space<hbm>>) target_semaphore(%arg25 : memref<!tpu.dma_semaphore, #tpu.memory_space<semaphore_mem>>)
        %add3A_496 = arith.constant 4 : i32
        %add3A_497 = arith.addi %scan3A_423, %add3A_496 : i32
        %lt3A = arith.constant 128 : i32
        %lt3A_498 = arith.cmpi slt, %add3A_497, %lt3A : i32
        %convert_element_type3A_499 = arith.extui %lt3A_498 : i1 to i32
        %cond3A_500 = arith.constant 0 : i32
        %cond3A_501 = arith.cmpi ne, %convert_element_type3A_499, %cond3A_500 : i32
        scf.if %cond3A_501 {
          %add3A_510 = arith.constant 4 : i32
          %add3A_511 = arith.addi %scan3A_423, %add3A_510 : i32
          %mul3A_512 = arith.constant 200 : i32
          %mul3A_513 = arith.muli %add3A_511, %mul3A_512 : i32
          %add3A_514 = arith.addi %mul3A_2, %mul3A_513 : i32
          %dma_start3A_515 = arith.constant 3 : i32
          %dma_start3A_516 = arith.constant 0 : i32
          %dma_start3A_517 = arith.constant 0 : i32
          %dma_start3A_518 = tpu.memref_slice %arg8[%dma_start3A_515, %dma_start3A_516, %dma_start3A_517] : memref<4x2x128xi32, #tpu.memory_space<vmem>> -> memref<1x1x128xi32, #tpu.memory_space<vmem>>
          %dma_start3A_519 = tpu.memref_squeeze %dma_start3A_518 : memref<1x1x128xi32, #tpu.memory_space<vmem>> -> memref<128xi32, #tpu.memory_space<vmem>>
          %dma_start3A_520 = tpu.memref_slice %arg2[%add3A_514] : memref<819200xi32, #tpu.memory_space<hbm>> -> memref<128xi32, #tpu.memory_space<hbm>>
          %dma_start3A_521 = arith.constant 0 : i32
          %dma_start3A_522 = tpu.memref_slice %arg8[%dma_start3A_515, %dma_start3A_516, %dma_start3A_521] : memref<4x2x128xi32, #tpu.memory_space<vmem>> -> memref<1x1x128xi32, #tpu.memory_space<vmem>>
          %dma_start3A_523 = tpu.memref_squeeze %dma_start3A_522 : memref<1x1x128xi32, #tpu.memory_space<vmem>> -> memref<128xi32, #tpu.memory_space<vmem>>
          %dma_start3A_524 = tpu.memref_slice %arg2[%add3A_514] : memref<819200xi32, #tpu.memory_space<hbm>> -> memref<128xi32, #tpu.memory_space<hbm>>
          tpu.enqueue_dma source(%dma_start3A_524 : memref<128xi32, #tpu.memory_space<hbm>>) target(%dma_start3A_523 : memref<128xi32, #tpu.memory_space<vmem>>) target_semaphore(%arg17 : memref<!tpu.dma_semaphore, #tpu.memory_space<semaphore_mem>>)
          %add3A_525 = arith.constant 128 : i32
          %add3A_526 = arith.addi %add3A_514, %add3A_525 : i32
          %dma_start3A_527 = arith.constant 3 : i32
          %dma_start3A_528 = arith.constant 1 : i32
          %dma_start3A_529 = arith.constant 0 : i32
          %dma_start3A_530 = tpu.memref_slice %arg8[%dma_start3A_527, %dma_start3A_528, %dma_start3A_529] : memref<4x2x128xi32, #tpu.memory_space<vmem>> -> memref<1x1x72xi32, #tpu.memory_space<vmem>>
          %dma_start3A_531 = tpu.memref_squeeze %dma_start3A_530 : memref<1x1x72xi32, #tpu.memory_space<vmem>> -> memref<72xi32, #tpu.memory_space<vmem>>
          %dma_start3A_532 = tpu.memref_slice %arg2[%add3A_526] : memref<819200xi32, #tpu.memory_space<hbm>> -> memref<72xi32, #tpu.memory_space<hbm>>
          %dma_start3A_533 = arith.constant 0 : i32
          %dma_start3A_534 = tpu.memref_slice %arg8[%dma_start3A_527, %dma_start3A_528, %dma_start3A_533] : memref<4x2x128xi32, #tpu.memory_space<vmem>> -> memref<1x1x72xi32, #tpu.memory_space<vmem>>
          %dma_start3A_535 = tpu.memref_squeeze %dma_start3A_534 : memref<1x1x72xi32, #tpu.memory_space<vmem>> -> memref<72xi32, #tpu.memory_space<vmem>>
          %dma_start3A_536 = tpu.memref_slice %arg2[%add3A_526] : memref<819200xi32, #tpu.memory_space<hbm>> -> memref<72xi32, #tpu.memory_space<hbm>>
          tpu.enqueue_dma source(%dma_start3A_536 : memref<72xi32, #tpu.memory_space<hbm>>) target(%dma_start3A_535 : memref<72xi32, #tpu.memory_space<vmem>>) target_semaphore(%arg17 : memref<!tpu.dma_semaphore, #tpu.memory_space<semaphore_mem>>)
          %dma_start3A_537 = arith.constant 3 : i32
          %dma_start3A_538 = arith.constant 0 : i32
          %dma_start3A_539 = tpu.memref_slice %arg9[%dma_start3A_537, %dma_start3A_538] : memref<4x200xi32, #tpu.memory_space<vmem>> -> memref<1x200xi32, #tpu.memory_space<vmem>>
          %dma_start3A_540 = tpu.memref_squeeze %dma_start3A_539 : memref<1x200xi32, #tpu.memory_space<vmem>> -> memref<200xi32, #tpu.memory_space<vmem>>
          %dma_start3A_541 = tpu.memref_slice %arg3[%add3A_514] : memref<819200xi32, #tpu.memory_space<hbm>> -> memref<200xi32, #tpu.memory_space<hbm>>
          %dma_start3A_542 = arith.constant 0 : i32
          %dma_start3A_543 = tpu.memref_slice %arg9[%dma_start3A_537, %dma_start3A_542] : memref<4x200xi32, #tpu.memory_space<vmem>> -> memref<1x200xi32, #tpu.memory_space<vmem>>
          %dma_start3A_544 = tpu.memref_squeeze %dma_start3A_543 : memref<1x200xi32, #tpu.memory_space<vmem>> -> memref<200xi32, #tpu.memory_space<vmem>>
          %dma_start3A_545 = tpu.memref_slice %arg3[%add3A_514] : memref<819200xi32, #tpu.memory_space<hbm>> -> memref<200xi32, #tpu.memory_space<hbm>>
          tpu.enqueue_dma source(%dma_start3A_545 : memref<200xi32, #tpu.memory_space<hbm>>) target(%dma_start3A_544 : memref<200xi32, #tpu.memory_space<vmem>>) target_semaphore(%arg17 : memref<!tpu.dma_semaphore, #tpu.memory_space<semaphore_mem>>)
        } else {
        }
        %add3A_502 = arith.constant 4 : i32
        %add3A_503 = arith.addi %scan3A_423, %add3A_502 : i32
        %sub3A = arith.constant 1 : i32
        %sub3A_504 = arith.subi %add3A_503, %sub3A : i32
        %lt3A_505 = arith.constant 128 : i32
        %lt3A_506 = arith.cmpi slt, %sub3A_504, %lt3A_505 : i32
        %convert_element_type3A_507 = arith.extui %lt3A_506 : i1 to i32
        %cond3A_508 = arith.constant 0 : i32
        %cond3A_509 = arith.cmpi ne, %convert_element_type3A_507, %cond3A_508 : i32
        scf.if %cond3A_509 {
          %add3A_510 = arith.constant 4 : i32
          %add3A_511 = arith.addi %scan3A_423, %add3A_510 : i32
          %sub3A_512 = arith.constant 1 : i32
          %sub3A_513 = arith.subi %add3A_511, %sub3A_512 : i32
          %mul3A_514 = arith.constant 200 : i32
          %mul3A_515 = arith.muli %sub3A_513, %mul3A_514 : i32
          %add3A_516 = arith.addi %mul3A_2, %mul3A_515 : i32
          %dma_wait3A_517 = arith.constant 2 : i32
          %dma_wait3A_518 = arith.constant 0 : i32
          %dma_wait3A_519 = arith.constant 0 : i32
          %dma_wait3A_520 = tpu.memref_slice %arg8[%dma_wait3A_517, %dma_wait3A_518, %dma_wait3A_519] : memref<4x2x128xi32, #tpu.memory_space<vmem>> -> memref<1x1x128xi32, #tpu.memory_space<vmem>>
          %dma_wait3A_521 = tpu.memref_squeeze %dma_wait3A_520 : memref<1x1x128xi32, #tpu.memory_space<vmem>> -> memref<128xi32, #tpu.memory_space<vmem>>
          %dma_wait3A_522 = tpu.memref_slice %arg2[%add3A_516] : memref<819200xi32, #tpu.memory_space<hbm>> -> memref<128xi32, #tpu.memory_space<hbm>>
          %dma_wait3A_523 = arith.constant 0 : i32
          %dma_wait3A_524 = tpu.memref_slice %arg8[%dma_wait3A_517, %dma_wait3A_518, %dma_wait3A_523] : memref<4x2x128xi32, #tpu.memory_space<vmem>> -> memref<1x1x128xi32, #tpu.memory_space<vmem>>
          %dma_wait3A_525 = tpu.memref_squeeze %dma_wait3A_524 : memref<1x1x128xi32, #tpu.memory_space<vmem>> -> memref<128xi32, #tpu.memory_space<vmem>>
          %dma_wait3A_526 = tpu.memref_slice %arg2[%add3A_516] : memref<819200xi32, #tpu.memory_space<hbm>> -> memref<128xi32, #tpu.memory_space<hbm>>
          tpu.wait_dma2 semaphore(%arg16 : memref<!tpu.dma_semaphore, #tpu.memory_space<semaphore_mem>>) src(%dma_wait3A_526 : memref<128xi32, #tpu.memory_space<hbm>>) dst(%dma_wait3A_525 : memref<128xi32, #tpu.memory_space<vmem>>)
          %add3A_527 = arith.constant 128 : i32
          %add3A_528 = arith.addi %add3A_516, %add3A_527 : i32
          %dma_wait3A_529 = arith.constant 2 : i32
          %dma_wait3A_530 = arith.constant 1 : i32
          %dma_wait3A_531 = arith.constant 0 : i32
          %dma_wait3A_532 = tpu.memref_slice %arg8[%dma_wait3A_529, %dma_wait3A_530, %dma_wait3A_531] : memref<4x2x128xi32, #tpu.memory_space<vmem>> -> memref<1x1x72xi32, #tpu.memory_space<vmem>>
          %dma_wait3A_533 = tpu.memref_squeeze %dma_wait3A_532 : memref<1x1x72xi32, #tpu.memory_space<vmem>> -> memref<72xi32, #tpu.memory_space<vmem>>
          %dma_wait3A_534 = tpu.memref_slice %arg2[%add3A_528] : memref<819200xi32, #tpu.memory_space<hbm>> -> memref<72xi32, #tpu.memory_space<hbm>>
          %dma_wait3A_535 = arith.constant 0 : i32
          %dma_wait3A_536 = tpu.memref_slice %arg8[%dma_wait3A_529, %dma_wait3A_530, %dma_wait3A_535] : memref<4x2x128xi32, #tpu.memory_space<vmem>> -> memref<1x1x72xi32, #tpu.memory_space<vmem>>
          %dma_wait3A_537 = tpu.memref_squeeze %dma_wait3A_536 : memref<1x1x72xi32, #tpu.memory_space<vmem>> -> memref<72xi32, #tpu.memory_space<vmem>>
          %dma_wait3A_538 = tpu.memref_slice %arg2[%add3A_528] : memref<819200xi32, #tpu.memory_space<hbm>> -> memref<72xi32, #tpu.memory_space<hbm>>
          tpu.wait_dma2 semaphore(%arg16 : memref<!tpu.dma_semaphore, #tpu.memory_space<semaphore_mem>>) src(%dma_wait3A_538 : memref<72xi32, #tpu.memory_space<hbm>>) dst(%dma_wait3A_537 : memref<72xi32, #tpu.memory_space<vmem>>)
          %dma_wait3A_539 = arith.constant 2 : i32
          %dma_wait3A_540 = arith.constant 0 : i32
          %dma_wait3A_541 = tpu.memref_slice %arg9[%dma_wait3A_539, %dma_wait3A_540] : memref<4x200xi32, #tpu.memory_space<vmem>> -> memref<1x200xi32, #tpu.memory_space<vmem>>
          %dma_wait3A_542 = tpu.memref_squeeze %dma_wait3A_541 : memref<1x200xi32, #tpu.memory_space<vmem>> -> memref<200xi32, #tpu.memory_space<vmem>>
          %dma_wait3A_543 = tpu.memref_slice %arg3[%add3A_516] : memref<819200xi32, #tpu.memory_space<hbm>> -> memref<200xi32, #tpu.memory_space<hbm>>
          %dma_wait3A_544 = arith.constant 0 : i32
          %dma_wait3A_545 = tpu.memref_slice %arg9[%dma_wait3A_539, %dma_wait3A_544] : memref<4x200xi32, #tpu.memory_space<vmem>> -> memref<1x200xi32, #tpu.memory_space<vmem>>
          %dma_wait3A_546 = tpu.memref_squeeze %dma_wait3A_545 : memref<1x200xi32, #tpu.memory_space<vmem>> -> memref<200xi32, #tpu.memory_space<vmem>>
          %dma_wait3A_547 = tpu.memref_slice %arg3[%add3A_516] : memref<819200xi32, #tpu.memory_space<hbm>> -> memref<200xi32, #tpu.memory_space<hbm>>
          tpu.wait_dma2 semaphore(%arg16 : memref<!tpu.dma_semaphore, #tpu.memory_space<semaphore_mem>>) src(%dma_wait3A_547 : memref<200xi32, #tpu.memory_space<hbm>>) dst(%dma_wait3A_546 : memref<200xi32, #tpu.memory_space<vmem>>)
          %ge3A = arith.constant 1 : i32
          %ge3A_548 = arith.cmpi sge, %scan3A_423, %ge3A : i32
          %convert_element_type3A_549 = arith.extui %ge3A_548 : i1 to i32
          %cond3A_550 = arith.constant 0 : i32
          %cond3A_551 = arith.cmpi ne, %convert_element_type3A_549, %cond3A_550 : i32
          scf.if %cond3A_551 {
            %sub3A_578 = arith.constant 1 : i32
            %sub3A_579 = arith.subi %scan3A_423, %sub3A_578 : i32
            %mul3A_580 = arith.constant 200 : i32
            %mul3A_581 = arith.muli %sub3A_579, %mul3A_580 : i32
            %add3A_582 = arith.addi %mul3A_2, %mul3A_581 : i32
            %dma_wait3A_583 = arith.constant 2 : i32
            %dma_wait3A_584 = arith.constant 0 : i32
            %dma_wait3A_585 = arith.constant 0 : i32
            %dma_wait3A_586 = tpu.memref_slice %arg10[%dma_wait3A_583, %dma_wait3A_584, %dma_wait3A_585] : memref<4x200x64xf32, #tpu.memory_space<vmem>> -> memref<1x200x64xf32, #tpu.memory_space<vmem>>
            %dma_wait3A_587 = tpu.memref_squeeze %dma_wait3A_586 : memref<1x200x64xf32, #tpu.memory_space<vmem>> -> memref<200x64xf32, #tpu.memory_space<vmem>>
            %dma_wait3A_588 = arith.constant 0 : i32
            %dma_wait3A_589 = tpu.memref_slice %arg7[%add3A_582, %dma_wait3A_588] : memref<819200x64xf32, #tpu.memory_space<hbm>> -> memref<200x64xf32, #tpu.memory_space<hbm>>
            %dma_wait3A_590 = arith.constant 0 : i32
            %dma_wait3A_591 = tpu.memref_slice %arg7[%add3A_582, %dma_wait3A_590] : memref<819200x64xf32, #tpu.memory_space<hbm>> -> memref<200x64xf32, #tpu.memory_space<hbm>>
            %dma_wait3A_592 = arith.constant 0 : i32
            %dma_wait3A_593 = arith.constant 0 : i32
            %dma_wait3A_594 = tpu.memref_slice %arg10[%dma_wait3A_583, %dma_wait3A_592, %dma_wait3A_593] : memref<4x200x64xf32, #tpu.memory_space<vmem>> -> memref<1x200x64xf32, #tpu.memory_space<vmem>>
            %dma_wait3A_595 = tpu.memref_squeeze %dma_wait3A_594 : memref<1x200x64xf32, #tpu.memory_space<vmem>> -> memref<200x64xf32, #tpu.memory_space<vmem>>
            tpu.wait_dma2 semaphore(%arg24 : memref<!tpu.dma_semaphore, #tpu.memory_space<semaphore_mem>>) src(%dma_wait3A_595 : memref<200x64xf32, #tpu.memory_space<vmem>>) dst(%dma_wait3A_591 : memref<200x64xf32, #tpu.memory_space<hbm>>)
          } else {
          }
          %dma_start3A_552 = arith.constant 2 : i32
          %dma_start3A_553 = arith.constant 0 : i32
          %dma_start3A_554 = arith.constant 2 : i32
          %dma_start3A_555 = arith.constant 0 : i32
          %dma_start3A_556 = arith.constant 0 : i32
          %dma_start3A_557 = tpu.memref_slice %arg10[%dma_start3A_554, %dma_start3A_555, %dma_start3A_556] : memref<4x200x64xf32, #tpu.memory_space<vmem>> -> memref<1x128x64xf32, #tpu.memory_space<vmem>>
          %dma_start3A_558 = tpu.memref_squeeze %dma_start3A_557 : memref<1x128x64xf32, #tpu.memory_space<vmem>> -> memref<128x64xf32, #tpu.memory_space<vmem>>
          %dma_start3A_559 = arith.constant 0 : i32
          %dma_start3A_560 = tpu.memref_slice %arg8[%dma_start3A_552, %dma_start3A_553, %dma_start3A_559] : memref<4x2x128xi32, #tpu.memory_space<vmem>> -> memref<1x1x128xi32, #tpu.memory_space<vmem>>
          %dma_start3A_561 = tpu.memref_squeeze %dma_start3A_560 : memref<1x1x128xi32, #tpu.memory_space<vmem>> -> memref<128xi32, #tpu.memory_space<vmem>>
          %dma_start3A_562 = arith.constant 0 : i32
          %dma_start3A_563 = arith.constant 0 : i32
          %dma_start3A_564 = tpu.memref_slice %arg4[%dma_start3A_562, %dma_start3A_563] : memref<1000000x64xf32, #tpu.memory_space<hbm>> -> memref<1000000x64xf32, #tpu.memory_space<hbm>>
          tpu.enqueue_indirect_dma source(%dma_start3A_564 : memref<1000000x64xf32, #tpu.memory_space<hbm>>) target(%dma_start3A_558 : memref<128x64xf32, #tpu.memory_space<vmem>>) offsets(%dma_start3A_561 : memref<128xi32, #tpu.memory_space<vmem>>) semaphore(%arg20 : memref<!tpu.dma_semaphore, #tpu.memory_space<semaphore_mem>>)
          %dma_start3A_565 = arith.constant 2 : i32
          %dma_start3A_566 = arith.constant 1 : i32
          %dma_start3A_567 = arith.constant 2 : i32
          %dma_start3A_568 = arith.constant 128 : i32
          %dma_start3A_569 = arith.constant 0 : i32
          %dma_start3A_570 = tpu.memref_slice %arg10[%dma_start3A_567, %dma_start3A_568, %dma_start3A_569] : memref<4x200x64xf32, #tpu.memory_space<vmem>> -> memref<1x72x64xf32, #tpu.memory_space<vmem>>
          %dma_start3A_571 = tpu.memref_squeeze %dma_start3A_570 : memref<1x72x64xf32, #tpu.memory_space<vmem>> -> memref<72x64xf32, #tpu.memory_space<vmem>>
          %dma_start3A_572 = arith.constant 0 : i32
          %dma_start3A_573 = tpu.memref_slice %arg8[%dma_start3A_565, %dma_start3A_566, %dma_start3A_572] : memref<4x2x128xi32, #tpu.memory_space<vmem>> -> memref<1x1x72xi32, #tpu.memory_space<vmem>>
          %dma_start3A_574 = tpu.memref_squeeze %dma_start3A_573 : memref<1x1x72xi32, #tpu.memory_space<vmem>> -> memref<72xi32, #tpu.memory_space<vmem>>
          %dma_start3A_575 = arith.constant 0 : i32
          %dma_start3A_576 = arith.constant 0 : i32
          %dma_start3A_577 = tpu.memref_slice %arg4[%dma_start3A_575, %dma_start3A_576] : memref<1000000x64xf32, #tpu.memory_space<hbm>> -> memref<1000000x64xf32, #tpu.memory_space<hbm>>
          tpu.enqueue_indirect_dma source(%dma_start3A_577 : memref<1000000x64xf32, #tpu.memory_space<hbm>>) target(%dma_start3A_571 : memref<72x64xf32, #tpu.memory_space<vmem>>) offsets(%dma_start3A_574 : memref<72xi32, #tpu.memory_space<vmem>>) semaphore(%arg20 : memref<!tpu.dma_semaphore, #tpu.memory_space<semaphore_mem>>)
        } else {
        }
      } else {
      }
    }
    %scan3A_362 = arith.constant 128 : i32
    %add3A_363 = arith.constant 24800 : i32
    %add3A_364 = arith.addi %mul3A_2, %add3A_363 : i32
    %dma_wait3A_365 = arith.constant 0 : i32
    %dma_wait3A_366 = arith.constant 0 : i32
    %dma_wait3A_367 = arith.constant 0 : i32
    %dma_wait3A_368 = tpu.memref_slice %arg10[%dma_wait3A_365, %dma_wait3A_366, %dma_wait3A_367] : memref<4x200x64xf32, #tpu.memory_space<vmem>> -> memref<1x200x64xf32, #tpu.memory_space<vmem>>
    %dma_wait3A_369 = tpu.memref_squeeze %dma_wait3A_368 : memref<1x200x64xf32, #tpu.memory_space<vmem>> -> memref<200x64xf32, #tpu.memory_space<vmem>>
    %dma_wait3A_370 = arith.constant 0 : i32
    %dma_wait3A_371 = tpu.memref_slice %arg7[%add3A_364, %dma_wait3A_370] : memref<819200x64xf32, #tpu.memory_space<hbm>> -> memref<200x64xf32, #tpu.memory_space<hbm>>
    %dma_wait3A_372 = arith.constant 0 : i32
    %dma_wait3A_373 = tpu.memref_slice %arg7[%add3A_364, %dma_wait3A_372] : memref<819200x64xf32, #tpu.memory_space<hbm>> -> memref<200x64xf32, #tpu.memory_space<hbm>>
    %dma_wait3A_374 = arith.constant 0 : i32
    %dma_wait3A_375 = arith.constant 0 : i32
    %dma_wait3A_376 = tpu.memref_slice %arg10[%dma_wait3A_365, %dma_wait3A_374, %dma_wait3A_375] : memref<4x200x64xf32, #tpu.memory_space<vmem>> -> memref<1x200x64xf32, #tpu.memory_space<vmem>>
    %dma_wait3A_377 = tpu.memref_squeeze %dma_wait3A_376 : memref<1x200x64xf32, #tpu.memory_space<vmem>> -> memref<200x64xf32, #tpu.memory_space<vmem>>
    tpu.wait_dma2 semaphore(%arg22 : memref<!tpu.dma_semaphore, #tpu.memory_space<semaphore_mem>>) src(%dma_wait3A_377 : memref<200x64xf32, #tpu.memory_space<vmem>>) dst(%dma_wait3A_373 : memref<200x64xf32, #tpu.memory_space<hbm>>)
    %add3A_378 = arith.constant 25000 : i32
    %add3A_379 = arith.addi %mul3A_2, %add3A_378 : i32
    %dma_wait3A_380 = arith.constant 1 : i32
    %dma_wait3A_381 = arith.constant 0 : i32
    %dma_wait3A_382 = arith.constant 0 : i32
    %dma_wait3A_383 = tpu.memref_slice %arg10[%dma_wait3A_380, %dma_wait3A_381, %dma_wait3A_382] : memref<4x200x64xf32, #tpu.memory_space<vmem>> -> memref<1x200x64xf32, #tpu.memory_space<vmem>>
    %dma_wait3A_384 = tpu.memref_squeeze %dma_wait3A_383 : memref<1x200x64xf32, #tpu.memory_space<vmem>> -> memref<200x64xf32, #tpu.memory_space<vmem>>
    %dma_wait3A_385 = arith.constant 0 : i32
    %dma_wait3A_386 = tpu.memref_slice %arg7[%add3A_379, %dma_wait3A_385] : memref<819200x64xf32, #tpu.memory_space<hbm>> -> memref<200x64xf32, #tpu.memory_space<hbm>>
    %dma_wait3A_387 = arith.constant 0 : i32
    %dma_wait3A_388 = tpu.memref_slice %arg7[%add3A_379, %dma_wait3A_387] : memref<819200x64xf32, #tpu.memory_space<hbm>> -> memref<200x64xf32, #tpu.memory_space<hbm>>
    %dma_wait3A_389 = arith.constant 0 : i32
    %dma_wait3A_390 = arith.constant 0 : i32
    %dma_wait3A_391 = tpu.memref_slice %arg10[%dma_wait3A_380, %dma_wait3A_389, %dma_wait3A_390] : memref<4x200x64xf32, #tpu.memory_space<vmem>> -> memref<1x200x64xf32, #tpu.memory_space<vmem>>
    %dma_wait3A_392 = tpu.memref_squeeze %dma_wait3A_391 : memref<1x200x64xf32, #tpu.memory_space<vmem>> -> memref<200x64xf32, #tpu.memory_space<vmem>>
    tpu.wait_dma2 semaphore(%arg23 : memref<!tpu.dma_semaphore, #tpu.memory_space<semaphore_mem>>) src(%dma_wait3A_392 : memref<200x64xf32, #tpu.memory_space<vmem>>) dst(%dma_wait3A_388 : memref<200x64xf32, #tpu.memory_space<hbm>>)
    %add3A_393 = arith.constant 25200 : i32
    %add3A_394 = arith.addi %mul3A_2, %add3A_393 : i32
    %dma_wait3A_395 = arith.constant 2 : i32
    %dma_wait3A_396 = arith.constant 0 : i32
    %dma_wait3A_397 = arith.constant 0 : i32
    %dma_wait3A_398 = tpu.memref_slice %arg10[%dma_wait3A_395, %dma_wait3A_396, %dma_wait3A_397] : memref<4x200x64xf32, #tpu.memory_space<vmem>> -> memref<1x200x64xf32, #tpu.memory_space<vmem>>
    %dma_wait3A_399 = tpu.memref_squeeze %dma_wait3A_398 : memref<1x200x64xf32, #tpu.memory_space<vmem>> -> memref<200x64xf32, #tpu.memory_space<vmem>>
    %dma_wait3A_400 = arith.constant 0 : i32
    %dma_wait3A_401 = tpu.memref_slice %arg7[%add3A_394, %dma_wait3A_400] : memref<819200x64xf32, #tpu.memory_space<hbm>> -> memref<200x64xf32, #tpu.memory_space<hbm>>
    %dma_wait3A_402 = arith.constant 0 : i32
    %dma_wait3A_403 = tpu.memref_slice %arg7[%add3A_394, %dma_wait3A_402] : memref<819200x64xf32, #tpu.memory_space<hbm>> -> memref<200x64xf32, #tpu.memory_space<hbm>>
    %dma_wait3A_404 = arith.constant 0 : i32
    %dma_wait3A_405 = arith.constant 0 : i32
    %dma_wait3A_406 = tpu.memref_slice %arg10[%dma_wait3A_395, %dma_wait3A_404, %dma_wait3A_405] : memref<4x200x64xf32, #tpu.memory_space<vmem>> -> memref<1x200x64xf32, #tpu.memory_space<vmem>>
    %dma_wait3A_407 = tpu.memref_squeeze %dma_wait3A_406 : memref<1x200x64xf32, #tpu.memory_space<vmem>> -> memref<200x64xf32, #tpu.memory_space<vmem>>
    tpu.wait_dma2 semaphore(%arg24 : memref<!tpu.dma_semaphore, #tpu.memory_space<semaphore_mem>>) src(%dma_wait3A_407 : memref<200x64xf32, #tpu.memory_space<vmem>>) dst(%dma_wait3A_403 : memref<200x64xf32, #tpu.memory_space<hbm>>)
    %add3A_408 = arith.constant 25400 : i32
    %add3A_409 = arith.addi %mul3A_2, %add3A_408 : i32
    %dma_wait3A_410 = arith.constant 3 : i32
    %dma_wait3A_411 = arith.constant 0 : i32
    %dma_wait3A_412 = arith.constant 0 : i32
    %dma_wait3A_413 = tpu.memref_slice %arg10[%dma_wait3A_410, %dma_wait3A_411, %dma_wait3A_412] : memref<4x200x64xf32, #tpu.memory_space<vmem>> -> memref<1x200x64xf32, #tpu.memory_space<vmem>>
    %dma_wait3A_414 = tpu.memref_squeeze %dma_wait3A_413 : memref<1x200x64xf32, #tpu.memory_space<vmem>> -> memref<200x64xf32, #tpu.memory_space<vmem>>
    %dma_wait3A_415 = arith.constant 0 : i32
    %dma_wait3A_416 = tpu.memref_slice %arg7[%add3A_409, %dma_wait3A_415] : memref<819200x64xf32, #tpu.memory_space<hbm>> -> memref<200x64xf32, #tpu.memory_space<hbm>>
    %dma_wait3A_417 = arith.constant 0 : i32
    %dma_wait3A_418 = tpu.memref_slice %arg7[%add3A_409, %dma_wait3A_417] : memref<819200x64xf32, #tpu.memory_space<hbm>> -> memref<200x64xf32, #tpu.memory_space<hbm>>
    %dma_wait3A_419 = arith.constant 0 : i32
    %dma_wait3A_420 = arith.constant 0 : i32
    %dma_wait3A_421 = tpu.memref_slice %arg10[%dma_wait3A_410, %dma_wait3A_419, %dma_wait3A_420] : memref<4x200x64xf32, #tpu.memory_space<vmem>> -> memref<1x200x64xf32, #tpu.memory_space<vmem>>
    %dma_wait3A_422 = tpu.memref_squeeze %dma_wait3A_421 : memref<1x200x64xf32, #tpu.memory_space<vmem>> -> memref<200x64xf32, #tpu.memory_space<vmem>>
    tpu.wait_dma2 semaphore(%arg25 : memref<!tpu.dma_semaphore, #tpu.memory_space<semaphore_mem>>) src(%dma_wait3A_422 : memref<200x64xf32, #tpu.memory_space<vmem>>) dst(%dma_wait3A_418 : memref<200x64xf32, #tpu.memory_space<hbm>>)
    return
  }
}

</mosaic_0001>

<sc_bundles>
// kernel: _lookup.3.cloned.1.call-start
scs
__scs_entry_jumppad:
0x0: {  	(pc) =	sbr.rel $0x88, $3  }
0x1: {  	(tag) =	ssettag $0x0;
	lr =	simm.s32 $0x1  }
0x2: {  	[smem:$0x3F9C] =	sst lr;
	_ =	strace $0xD0000000  }
0x3: {  	_ = 	snop  }
0x4: {  	_ = 	snop  }
0x5: {  	_ = 	snop  }
0x6: {  	_ = 	snop  }
0x7: {  	_ = 	snop  }
__scs_overlays_trampoline_lowered:
0x8: {  	[smem:$0x3FAB] =	sst s0  }
0x9: {  	[smem:$0x3FAC] =	sst s1  }
0xa: {  	[smem:$0x3FAD] =	sst s2  }
0xb: {  	[smem:$0x3FAE] =	sst s3  }
0xc: {  	[smem:$0x3FAF] =	sst s4  }
0xd: {  	[smem:$0x3FB0] =	sst s5  }
0xe: {  	[smem:$0x3FB1] =	sst s6  }
0xf: {  	[smem:$0x3FB2] =	sst s7  }
0x10: {  	[smem:$0x3FB3] =	sst s8  }
0x11: {  	[smem:$0x3FB4] =	sst s9;
	s0 =	simm.s32 @!p0 $0x0  }
0x12: {  	s1 =	sld [smem:$0x3F9A];
	s0 =	simm.s32 @p0 $0x1  }
0x13: {  	[smem:$0x3FB5] =	sst s0;
	s0 =	simm.s32 @!p1 $0x0  }
0x14: {  	s2 =	sld [smem:$0x3F99];
	s0 =	simm.s32 @p1 $0x1  }
0x15: {  	[smem:$0x3FB6] =	sst s0;
	s0 =	simm.s32 @!p2 $0x0  }
0x16: {  	s3 =	sld [smem:$0x3FDB];
	s0 =	simm.s32 @p2 $0x1  }
0x17: {  	s4 =	simm.s32 $0x1BF5;
	[smem:$0x3FB8] =	sst s0  }
0x18: {  	s0 =	sld [smem:$0x3F9B];
	_ =	swait.ge [sflag:s4], $0x0  }
0x19: {  	s7 =	sld [smem:$0x3F9C]  }
0x1a: {  	s8 =	sadd.s32 $0xFFFFE003, lr  }
0x1b: {  	s9 =	sadd.s32 $0xFFFFFEF7, lr;
	s5 =	simm.s32 $0xFFFFFFFF;
	p2 =	slt.u32 s8, $0xFFFFF086  }
0x1c: {  	p1 =	slt.u32 s9, $0xF7A;
	s5 =	simm.s32 @!p2 $0x0  }
0x1d: {  	s5 =	simm.s32 @p1 $0x1;
	p0 =	seq.s32 s7, s2  }
0x1e: {  	s7 =	smul.u32 @!p0 $0xF7A, s2;
	p2 =	seq.s32 @!p0 s5, $0x0  }
0x1f: {  	s9 =	smul.u32 $0xF7A, s1;
	s8 =	simm.s32 @!p0 $0x1BF5;
	p2 =	por !p2, p0  }
0x20: {  	[sflag:s8] =	ssyncset.s32 @!p0 $0xFFFFF086;
	s6 =	sadd.s32 @!p0 s3, s7;
	s7 =	simm.s32 @!p0 $0x108  }
0x21: {  	s3 =	sadd.s32 s3, s9;
	s6 =	sadd.s32 @!p0 $0x88, s6;
	s7 =	simm.s32 @p2 $0x1082  }
0x22: {  	[simem:s7], [sflag:s8] =	dma.local @!p0 [hbm:s6], $0xF7A  }
0x23: {  	s9 =	sor.u32 $0xD0000000, s2;
	s6 =	simm.s32 $0x108;
	_ =	swait.ge @!p0 [sflag:s8], $0x0  }
0x24: {  	s3 =	sadd.s32 $0x88, s3;
	s6 =	simm.s32 @!p1 $0x1082;
	[sflag:s4] =	ssyncset.s32 $0xFFFFF086  }
0x25: {  	[simem:s6], [sflag:s4] =	dma.local [hbm:s3], $0xF7A  }
0x26: {  	[smem:$0x3F9C] =	sst s1;
	(tag) =	ssettag s2;
	_ =	strace s9  }
0x27: {  	s1 =	sld [smem:$0x3FAC]  }
0x28: {  	s2 =	sld [smem:$0x3FAD]  }
0x29: {  	s4 =	sld [smem:$0x3FAF]  }
0x2a: {  	p0 =	seq.s32 s5, $0x0;
	s5 =	sld [smem:$0x3FB0]  }
0x2b: {  	s6 =	sld [smem:$0x3FB1]  }
0x2c: {  	s7 =	sld [smem:$0x3FB2]  }
0x2d: {  	s3 =	simm.s32 $0x108;
	s8 =	sld [smem:$0x3FB3]  }
0x2e: {  	s3 =	simm.s32 @!p0 $0x1082;
	s9 =	sld [smem:$0x3FB4]  }
0x2f: {  	lr =	sadd.s32 s0, s3;
	s0 =	sld [smem:$0x3FAB]  }
0x30: {  	s3 =	sld [smem:$0x3FAE]  }
0x31: {  	[smem:$0x3FB7] =	sst s10  }
0x32: {  	s10 =	sld [smem:$0x3FB5];
	_ =	sdelay $0x3  }
0x33: {  	p0 =	seq.s32 s10, $0x1;
	s10 =	sld [smem:$0x3FB7];
	_ =	sdelay $0x3  }
0x34: {  	[smem:$0x3FB7] =	sst s10  }
0x35: {  	s10 =	sld [smem:$0x3FB6];
	_ =	sdelay $0x3  }
0x36: {  	p1 =	seq.s32 s10, $0x1;
	s10 =	sld [smem:$0x3FB7];
	_ =	sdelay $0x3  }
0x37: {  	[smem:$0x3FB7] =	sst s10  }
0x38: {  	s10 =	sld [smem:$0x3FB8]  }
0x39: {  	_ = 	snop;
	(pc) =	sbr.ind lr, $3  }
0x3a: {  	_ = 	snop  }
0x3b: {  	_ = 	snop  }
0x3c: {  	p2 =	seq.s32 s10, $0x1;
	s10 =	sld [smem:$0x3FB7]  }
0x3d: {  	_ =	shalt  }
0x3e: {  	_ =	shalt  }
0x3f: {  	_ =	shalt  }
0x40: {  	_ =	shalt  }
0x41: {  	_ =	shalt  }
0x42: {  	_ =	shalt  }
0x43: {  	_ =	shalt  }
0x44: {  	_ =	shalt  }
0x45: {  	_ =	shalt  }
0x46: {  	_ =	shalt  }
0x47: {  	_ =	shalt  }
0x48: {  	_ =	shalt  }
0x49: {  	_ =	shalt  }
0x4a: {  	_ =	shalt  }
0x4b: {  	_ =	shalt  }
0x4c: {  	_ =	shalt  }
0x4d: {  	_ =	shalt  }
0x4e: {  	_ =	shalt  }
0x4f: {  	_ =	shalt  }
0x50: {  	_ =	shalt  }
0x51: {  	_ =	shalt  }
0x52: {  	_ =	shalt  }
0x53: {  	_ =	shalt  }
0x54: {  	_ =	shalt  }
0x55: {  	_ =	shalt  }
0x56: {  	_ =	shalt  }
0x57: {  	_ =	shalt  }
0x58: {  	_ =	shalt  }
0x59: {  	_ =	shalt  }
0x5a: {  	_ =	shalt  }
0x5b: {  	_ =	shalt  }
0x5c: {  	_ =	shalt  }
0x5d: {  	_ =	shalt  }
0x5e: {  	_ =	shalt  }
0x5f: {  	_ =	shalt  }
0x60: {  	_ =	shalt  }
0x61: {  	_ =	shalt  }
0x62: {  	_ =	shalt  }
0x63: {  	_ =	shalt  }
0x64: {  	_ =	shalt  }
0x65: {  	_ =	shalt  }
0x66: {  	_ =	shalt  }
0x67: {  	_ =	shalt  }
0x68: {  	_ =	shalt  }
0x69: {  	_ =	shalt  }
0x6a: {  	_ =	shalt  }
0x6b: {  	_ =	shalt  }
0x6c: {  	_ =	shalt  }
0x6d: {  	_ =	shalt  }
0x6e: {  	_ =	shalt  }
0x6f: {  	_ =	shalt  }
0x70: {  	_ =	shalt  }
0x71: {  	_ =	shalt  }
0x72: {  	_ =	shalt  }
0x73: {  	_ =	shalt  }
0x74: {  	_ =	shalt  }
0x75: {  	_ =	shalt  }
0x76: {  	_ =	shalt  }
0x77: {  	_ =	shalt  }
0x78: {  	_ =	shalt  }
0x79: {  	_ =	shalt  }
0x7a: {  	_ =	shalt  }
0x7b: {  	_ =	shalt  }
0x7c: {  	_ =	shalt  }
0x7d: {  	_ =	shalt  }
0x7e: {  	_ =	shalt  }
0x7f: {  	_ =	shalt  }
0x80: {  	_ =	shalt  }
0x81: {  	_ =	shalt  }
0x82: {  	_ =	shalt  }
0x83: {  	_ =	shalt  }
0x84: {  	_ =	shalt  }
0x85: {  	_ =	shalt  }
0x86: {  	_ =	shalt  }
0x87: {  	_ =	shalt  }
.Lfunc_end0:
.L_simem_size_0:
called_computation.1_lowered:
.L_overlay_start_0:
0x88: {  	s2 =	sld [smem:$0x3FD9]  }
0x89: {  	s3 =	sld [smem:$0x3FFE];
	_ =	sdelay $0x1  }
0x8a: {  	s1 =	srdreg.scid  }
0x8b: {  	s0 =	sand.u32 $0x1, s1  }
0x8c: {  	s17 =	sshll.u32 s0, $0xA;
	s2 =	sadd.s32 s3, s2  }
0x8d: {  	s2 =	sadd.s32 s2, s17  }
0x8e: {  	[smem:$0x3FC3] =	sst s2  }
0x8f: {  	_ = 	snop  }
0x90: {  	s2 =	sld [smem:$0x3FC9]  }
0x91: {  	s18 =	sld [smem:$0x3FC8]  }
0x92: {  	s4 =	sld [smem:$0x3FD0];
	(tm) =	ssettm $0x1  }
0x93: {  	s5 =	sld [smem:$0x3FFB];
	_ =	sdelay $0x3  }
0x94: {  	_ =	strace s5  }
0x95: {  	s5 =	sld [smem:$0x3FFC];
	_ =	sdelay $0x3  }
0x96: {  	_ =	strace s5  }
0x97: {  	s5 =	sld [smem:$0x3FFD];
	_ =	sdelay $0x3  }
0x98: {  	_ =	strace s5  }
0x99: {  	_ =	strace $0x8FFFFFFF  }
0x9a: {  	s19 =	sld [smem:$0x3FDB];
	_ =	sdelay $0x1  }
0x9b: {  	s6 =	simm.s32 $_scs_section_size  }
0x9c: {  	s7 =	simm.s32 $_size__tile_overlayer_lowered;
	s8 =	simm.s32 $_tile_overlayer_lowered  }
0x9d: {  	s22 =	simm.s32 $0x1BFF;
	s21 =	sshll.u32 s8, $0x1;
	s5 =	sadd.s32 s6, s19  }
0x9e: {  	s9 =	simm.s32 $0x0;
	s20 =	sshll.u32 s7, $0x1;
	s7 =	sadd.s32 s21, s5  }
0x9f: {  	[timem:s9], [sflag:s22] =	dma.local [hbm:s7], s20  }
0xa0: {  	_ =	swait.ge [sflag:s22], s20  }
0xa1: {  	s6 =	ssub.s32 $0x0, s20;
	[sflag:s22] =	ssyncset.done $0x0  }
0xa2: {  	[sflag:s22] =	ssyncadd.s32 s6;
	_ =	sdelay $0x1  }
0xa3: {  	s23 =	simm.s32 $0x1B8B  }
0xa4: {  	_ =	swait.ge [sflag:s23], $0x1  }
0xa5: {  	[sflag:s23] =	ssyncset.done $0x0  }
0xa6: {  	s25 =	simm.s32 $0x1B8E;
	s24 =	sld [smem:$0x3FFE];
	[sflag:s23] =	ssyncadd.s32 $0xFFFFFFFF  }
0xa7: {  	s26 =	simm.s32 $execute0_lowered;
	[smem:$0x3FD2] =	sst s25  }
0xa8: {  	s7 =	sshll.u32 s26, $0x1;
	_ =	strace $0x80000046;
	[dreg:$0x1] =	wrdreg $0xFFFFFFFF  }
0xa9: {  	s28 =	simm.s32 $_size_execute0_lowered;
	s5 =	sadd.s32 s5, s7;
	[dreg:$0x0] =	wrdreg $0x0  }
0xaa: {  	s7 =	sshll.u32 s28, $0x1;
	[dreg:$0x2] =	wrdreg s5  }
0xab: {  	[dreg:$0x3] =	wrdreg s7  }
0xac: {  	[dreg:$0x4] =	wrdreg $0xC0  }
0xad: {  	_ =	task [dreg:s9], $0x5FFFF  }
0xae: {  	[dreg:$0x1] =	wrdreg $0xFFFFFFFF  }
0xaf: {  	[dreg:$0x0] =	wrdreg $0x60  }
0xb0: {  	[dreg:$0x2] =	wrdreg s2  }
0xb1: {  	[dreg:$0x3] =	wrdreg s18  }
0xb2: {  	[dreg:$0x4] =	wrdreg s24  }
0xb3: {  	[dreg:$0x5] =	wrdreg s4  }
0xb4: {  	[dreg:$0x6] =	wrdreg $0x9  }
0xb5: {  	_ =	task.clear_ibuf [dreg:s9], $0x7FFFF;
	_ =	strace $0x90000046  }
0xb6: {  	s29 =	simm.s32 $0x9;
	_ =	strace $0x80000048  }
0xb7: {  	_ =	swait.ge [sflag:s29], $0x1  }
0xb8: {  	[sflag:s29] =	ssyncadd.s32 $0xFFFFFFFF  }
0xb9: {  	_ =	strace $0x90000048  }
0xba: {  	_ =	sfence  }
0xbb: {  	s30 =	sld [smem:$0x0];
	_ =	sdelay $0x2  }
0xbc: {  	s31 =	sshll.u32 s1, $0xD;
	s1 =	sshrl.u32 s1, $0x2  }
0xbd: {  	s3 =	sand.u32 $0x4000, s31;
	s1 =	sadd.s32 s1, s30  }
0xbe: {  	s0 =	sor.u32 s3, s0;
	s1 =	sshll.u32 s1, $0x11  }
0xbf: {  	s0 =	sor.u32 s1, s0  }
0xc0: {  	s0 =	sadd.s32 $0x8F2B, s0  }
0xc1: {  	[sflag:s0] =	ssyncadd.remote.s32 $0x1  }
0xc2: {  	_ =	sfence.sel $0xFFFF  }
0xc3: {  	[dreg:$0x0] =	wrdreg $0xFFFFFFFF;
	(pc) =	sbr.abs _section_cstart, $3  }
0xc4: {  	[dreg:$0x1] =	wrdreg $0xFFFFFFFF  }
0xc5: {  	_ =	task.clear_ibuf [dreg:s9], $0x2FFFF;
	_ =	strace $0x9FFFFFFF  }
0xc6: {  	(tm) =	ssettm $0x7FFFFFFF  }
0xc7: {  	_ =	shalt  }
tec
execute0_lowered:
.L_overlay_start_1:
0x0: {  	(tag) =	ssettag $0x1  }
0x1: {  	s1 =	rddreg [dreg:$0x0]  }
0x2: {  	s2 =	rddreg [dreg:$0x1]  }
0x3: {  	s0 =	rddreg [dreg:$0x2]  }
0x4: {  	s3 =	srdreg.scid;
	s5 =	stileid.u32  }
0x5: {  	s4 =	rddreg [dreg:$0x3];
	s28 =	simm.s32 $0x80;
	s29 =	simm.s32 $0x400  }
0x6: {  	s12 =	simm.s32 $0x1;
	s3 =	sand.u32 $0x1, s3;
	s6 =	sshll.u32 s5, $0x1  }
0x7: {  	s5 =	simm.s32 $0x0;
	s7 =	sadd.s32 $0xF43000, s0;
	s8 =	sadd.s32 $0xC00, s0  }
0x8: {  	s0 =	sadd.s32 $0x1400, s0;
	s6 =	sor.u32 s3, s6;
	s3 =	ssub.s32 $0x2, s3  }
0x9: {  	[smem:$0x7FF] =	sst s5;
	s6 =	smul.u32 $0x6400, s6;
	s19 =	sshrl.u32 s3, $0x1  }
0xa: {  	_ =	strace $0x80000047;
	[dreg:$0x6] =	wrdreg s0;
	s0 =	ssub.s32 s3, s19  }
0xb: {  	[dreg:$0x5] =	wrdreg s8;
	s18 =	sshrl.u32 s6, $0x3;
	s0 =	smax.u32 s0, $0x1  }
0xc: {  	s14 =	simm.s32 $0x48;
	s9 =	sadd.s32 s2, s18;
	[dreg:$0x13] =	wrdreg s0  }
0xd: {  	s16 =	simm.s32 $0x2;
	s10 =	sadd.s32 s1, s18;
	[dreg:$0x9] =	wrdreg s9  }
0xe: {  	s21 =	sor.u32 $0x19, s18;
	s20 =	sadd.s32 $0x10, s10;
	[dreg:$0x7] =	wrdreg s10  }
0xf: {  	s17 =	simm.s32 $0x3920;
	s22 =	sadd.s32 s1, s21;
	[dreg:$0x8] =	wrdreg s20  }
0x10: {  	s13 =	simm.s32 $0x0;
	s11 =	sadd.s32 $0x29, s10;
	[dreg:$0xa] =	wrdreg s22  }
0x11: {  	s23 =	sor.u32 $0x32, s18;
	s3 =	sadd.s32 s2, s21;
	[dreg:$0xb] =	wrdreg s11  }
0x12: {  	s19 =	simm.s32 $0x3;
	s24 =	sadd.s32 s1, s23;
	[dreg:$0xc] =	wrdreg s3  }
0x13: {  	s30 =	sor.u32 $0x4B, s18;
	s25 =	sadd.s32 $0x42, s10;
	[dreg:$0xd] =	wrdreg s24  }
0x14: {  	s18 =	simm.s32 $0x6;
	s26 =	sadd.s32 s2, s23;
	[dreg:$0xe] =	wrdreg s25  }
0x15: {  	s8 =	sadd.s32 s1, s30;
	s31 =	sadd.s32 $0x5B, s10;
	[dreg:$0xf] =	wrdreg s26  }
.Ltmp0:
0x16: {  	s23 =	simm.s32 $0x5;
	[dreg:$0x10] =	wrdreg s8;
	(pc) =	sbr.rel .LBB2_1-.Ltmp0, $4  }
0x17: {  	s10 =	simm.s32 $0x101A0;
	s21 =	simm.s32 $0x7;
	[dreg:$0x11] =	wrdreg s31  }
0x18: {  	s3 =	sadd.s32 s2, s30;
	s22 =	sor.u32 $0x320, s6;
	s26 =	simm.s32 $0x590  }
0x19: {  	v0 =	vlaneseq.u32;
	s11 =	simm.s32 $0x658;
	s20 =	simm.s32 $0x6B20;
	s25 =	simm.s32 $0x4  }
0x1a: {  	v1 =	vor.u32 $0x10, v0;
	v2 =	vor.u32 $0x20, v0;
	v3 =	vor.u32 $0x30, v0;
	s8 =	simm.s32 $0x8;
	[dreg:$0x12] =	wrdreg s3;
	s3 =	simm.s32 $0x4C8  }
.LBB2_46:
0x1b: {  	s0 =	simm.s32 $0x9  }
0x1c: {  	_ =	swait.ge [sflag:s0], $0x3200  }
0x1d: {  	[sflag:s0] =	ssyncset.done $0x0  }
0x1e: {  	s24 =	simm.s32 $0xA;
	[sflag:s0] =	ssyncadd.s32 $0xFFFFCE00  }
0x1f: {  	_ =	swait.ge [sflag:s24], $0x3200  }
0x20: {  	[sflag:s24] =	ssyncset.done $0x0  }
0x21: {  	s30 =	simm.s32 $0xB;
	[sflag:s24] =	ssyncadd.s32 $0xFFFFCE00  }
0x22: {  	_ =	swait.ge [sflag:s30], $0x3200  }
0x23: {  	[sflag:s30] =	ssyncset.done $0x0  }
0x24: {  	s9 =	simm.s32 $0xC;
	[sflag:s30] =	ssyncadd.s32 $0xFFFFCE00  }
0x25: {  	_ =	swait.ge [sflag:s9], $0x3200  }
0x26: {  	s13 =	rddreg [dreg:$0x14]  }
0x27: {  	s31 =	rddreg [dreg:$0x13];
	s13 =	sadd.s32 $0x1, s13  }
0x28: {  	p0 =	sne.s32 s13, s31  }
.Ltmp1:
0x29: {  	_ = 	snop;
	(pc) =	sbr.rel @!p0 .LBB2_47-.Ltmp1, $3  }
0x2a: {  	_ =	sdelay $0x1  }
0x2b: {  	[sflag:s9] =	ssyncset.done $0x0  }
0x2c: {  	[sflag:s9] =	ssyncadd.s32 $0xFFFFCE00  }
.LBB2_1:
0x2d: {  	s0 =	rddreg [dreg:$0x5];
	s15 =	simm.s32 $0xCF20;
	s30 =	simm.s32 $0xD  }
0x2e: {  	[tilespmem:s15], [sflag:$0xD] =	stream.linear.gather [hbm4b:s0+s5], $0x3200, $0x38;
	[tilespmem:$0x165A0] =	vst v63  }
0x2f: {  	_ =	swait.ge [sflag:s30], $0x3200  }
0x30: {  	[sflag:s30] =	ssyncset.done $0x0  }
0x31: {  	s24 =	simm.s32 $0x10120;
	s31 =	rddreg [dreg:$0x6];
	[sflag:s30] =	ssyncadd.s32 $0xFFFFCE00  }
0x32: {  	[tilespmem:s24], [sflag:$0xD] =	stream.linear.gather [hbm4b:s31+s5], $0x80, $0x38;
	[tilespmem:$0x165A0] =	vst v63  }
0x33: {  	_ =	swait.ge [sflag:s30], $0x80  }
0x34: {  	[sflag:s30] =	ssyncset.done $0x0  }
0x35: {  	s0 =	simm.s32 $0x0;
	[sflag:s30] =	ssyncadd.s32 $0xFFFFFF80  }
0x36: {  	s15 =	simm.s32 $0x100;
	v4 =	vld [tilespmem:s0+$0xCF20]  }
.LBB2_2:
0x37: {  	p0 =	sne.s32 s15, $0xC700;
	v5 =	vld [tilespmem:$0x10120];
	_ =	sdelay $0x2  }
.Ltmp2:
0x38: {  	(pc) =	sbr.rel @p0 .LBB2_2-.Ltmp2, $4  }
0x39: {  	_ = 	snop  }
0x3a: {  	v5 =	vadd.f32 v5, v4  }
0x3b: {  	s24 =	sshra.s32 s15, $0x2  }
0x3c: {  	s15 =	sadd.s32 $0x100, s15;
	v4 =	vld [tilespmem:s24+$0xCF20];
	[tilespmem:s0+$0x101A0] =	vst v5;
	s0 =	smov.u32 s24  }
0x3d: {  	v5 =	vld [tilespmem:$0x10120];
	_ =	sdelay $0x4  }
0x3e: {  	v4 =	vadd.f32 v5, v4;
	_ =	sdelay $0x1  }
0x3f: {  	[tilespmem:s0+$0x101A0] =	vst v4;
	s0 =	simm.s32 $0x10  }
0x40: {  	s15 =	simm.s32 $0x140;
	v4 =	vld [tilespmem:s0+$0xCF20]  }
.LBB2_4:
0x41: {  	p0 =	sne.s32 s15, $0xC740;
	v5 =	vld [tilespmem:$0x10130];
	_ =	sdelay $0x2  }
.Ltmp3:
0x42: {  	(pc) =	sbr.rel @p0 .LBB2_4-.Ltmp3, $4  }
0x43: {  	_ = 	snop  }
0x44: {  	v5 =	vadd.f32 v5, v4  }
0x45: {  	s24 =	sshra.s32 s15, $0x2  }
0x46: {  	s15 =	sadd.s32 $0x100, s15;
	v4 =	vld [tilespmem:s24+$0xCF20];
	[tilespmem:s0+$0x101A0] =	vst v5;
	s0 =	smov.u32 s24  }
0x47: {  	v5 =	vld [tilespmem:$0x10130];
	_ =	sdelay $0x4  }
0x48: {  	v4 =	vadd.f32 v5, v4;
	_ =	sdelay $0x1  }
0x49: {  	[tilespmem:s0+$0x101A0] =	vst v4;
	s0 =	simm.s32 $0x20  }
0x4a: {  	s15 =	simm.s32 $0x180;
	v4 =	vld [tilespmem:s0+$0xCF20]  }
.LBB2_6:
0x4b: {  	p0 =	sne.s32 s15, $0xC780;
	v5 =	vld [tilespmem:$0x10140];
	_ =	sdelay $0x2  }
.Ltmp4:
0x4c: {  	(pc) =	sbr.rel @p0 .LBB2_6-.Ltmp4, $4  }
0x4d: {  	_ = 	snop  }
0x4e: {  	v5 =	vadd.f32 v5, v4  }
0x4f: {  	s24 =	sshra.s32 s15, $0x2  }
0x50: {  	s15 =	sadd.s32 $0x100, s15;
	v4 =	vld [tilespmem:s24+$0xCF20];
	[tilespmem:s0+$0x101A0] =	vst v5;
	s0 =	smov.u32 s24  }
0x51: {  	v5 =	vld [tilespmem:$0x10140];
	_ =	sdelay $0x4  }
0x52: {  	v4 =	vadd.f32 v5, v4;
	_ =	sdelay $0x1  }
0x53: {  	[tilespmem:s0+$0x101A0] =	vst v4;
	s0 =	simm.s32 $0x30  }
0x54: {  	s15 =	simm.s32 $0x1C0;
	v4 =	vld [tilespmem:s0+$0xCF20]  }
.LBB2_8:
0x55: {  	p0 =	sne.s32 s15, $0xC7C0;
	v5 =	vld [tilespmem:$0x10150];
	_ =	sdelay $0x2  }
.Ltmp5:
0x56: {  	(pc) =	sbr.rel @p0 .LBB2_8-.Ltmp5, $4  }
0x57: {  	_ = 	snop  }
0x58: {  	v5 =	vadd.f32 v5, v4  }
0x59: {  	s24 =	sshra.s32 s15, $0x2  }
0x5a: {  	s15 =	sadd.s32 $0x100, s15;
	v4 =	vld [tilespmem:s24+$0xCF20];
	[tilespmem:s0+$0x101A0] =	vst v5;
	s0 =	smov.u32 s24  }
0x5b: {  	v5 =	vld [tilespmem:$0x10150];
	_ =	sdelay $0x4  }
0x5c: {  	v4 =	vadd.f32 v5, v4;
	_ =	sdelay $0x1  }
0x5d: {  	[tilespmem:s0+$0x101A0] =	vst v4;
	s0 =	simm.s32 $0x0  }
0x5e: {  	s24 =	simm.s32 $0x100;
	s15 =	simm.s32 $0x0;
	v4 =	vld [tilespmem:s0+$0xCF20]  }
.LBB2_10:
0x5f: {  	p0 =	sne.s32 s24, $0xC700;
	v5 =	vld [tilespmem:$0x10160];
	_ =	sdelay $0x2  }
.Ltmp6:
0x60: {  	(pc) =	sbr.rel @p0 .LBB2_10-.Ltmp6, $4  }
0x61: {  	_ = 	snop  }
0x62: {  	v5 =	vadd.f32 v5, v4  }
0x63: {  	s30 =	sshra.s32 s24, $0x2  }
0x64: {  	s24 =	sadd.s32 $0x100, s24;
	v4 =	vld [tilespmem:s30+$0xCF20];
	[tilespmem:s15+$0x133A0] =	vst v5;
	s15 =	smov.u32 s30  }
0x65: {  	v5 =	vld [tilespmem:$0x10160];
	_ =	sdelay $0x4  }
0x66: {  	v4 =	vadd.f32 v5, v4;
	_ =	sdelay $0x1  }
0x67: {  	[tilespmem:s15+$0x133A0] =	vst v4  }
0x68: {  	s15 =	simm.s32 $0x100;
	v4 =	vld [tilespmem:s0+$0xCF30]  }
.LBB2_12:
0x69: {  	p0 =	sne.s32 s15, $0xC700;
	v5 =	vld [tilespmem:$0x10170];
	_ =	sdelay $0x2  }
.Ltmp7:
0x6a: {  	(pc) =	sbr.rel @p0 .LBB2_12-.Ltmp7, $4  }
0x6b: {  	_ = 	snop  }
0x6c: {  	v5 =	vadd.f32 v5, v4  }
0x6d: {  	s24 =	sshra.s32 s15, $0x2  }
0x6e: {  	s15 =	sadd.s32 $0x100, s15;
	v4 =	vld [tilespmem:s24+$0xCF30];
	[tilespmem:s0+$0x133B0] =	vst v5;
	s0 =	smov.u32 s24  }
0x6f: {  	v5 =	vld [tilespmem:$0x10170];
	_ =	sdelay $0x4  }
0x70: {  	v4 =	vadd.f32 v5, v4;
	_ =	sdelay $0x1  }
0x71: {  	[tilespmem:s0+$0x133B0] =	vst v4;
	s0 =	simm.s32 $0x0  }
0x72: {  	s24 =	simm.s32 $0x100;
	s15 =	simm.s32 $0x0;
	v4 =	vld [tilespmem:s0+$0xCF40]  }
.LBB2_14:
0x73: {  	p0 =	sne.s32 s24, $0xC700;
	v5 =	vld [tilespmem:$0x10180];
	_ =	sdelay $0x2  }
.Ltmp8:
0x74: {  	(pc) =	sbr.rel @p0 .LBB2_14-.Ltmp8, $4  }
0x75: {  	_ = 	snop  }
0x76: {  	v5 =	vadd.f32 v5, v4  }
0x77: {  	s30 =	sshra.s32 s24, $0x2  }
0x78: {  	s24 =	sadd.s32 $0x100, s24;
	v4 =	vld [tilespmem:s30+$0xCF40];
	[tilespmem:s15+$0x133C0] =	vst v5;
	s15 =	smov.u32 s30  }
0x79: {  	v5 =	vld [tilespmem:$0x10180];
	_ =	sdelay $0x4  }
0x7a: {  	v4 =	vadd.f32 v5, v4;
	_ =	sdelay $0x1  }
0x7b: {  	[tilespmem:s15+$0x133C0] =	vst v4  }
0x7c: {  	[dreg:$0x14] =	wrdreg s13;
	s15 =	simm.s32 $0x100;
	v4 =	vld [tilespmem:s0+$0xCF50]  }
.LBB2_16:
0x7d: {  	p0 =	sne.s32 s15, $0xC700;
	v5 =	vld [tilespmem:$0x10190];
	_ =	sdelay $0x2  }
.Ltmp9:
0x7e: {  	(pc) =	sbr.rel @p0 .LBB2_16-.Ltmp9, $4  }
0x7f: {  	_ = 	snop  }
0x80: {  	v5 =	vadd.f32 v5, v4  }
0x81: {  	s24 =	sshra.s32 s15, $0x2  }
0x82: {  	s15 =	sadd.s32 $0x100, s15;
	v4 =	vld [tilespmem:s24+$0xCF50];
	[tilespmem:s0+$0x133D0] =	vst v5;
	s0 =	smov.u32 s24  }
0x83: {  	v5 =	vld [tilespmem:$0x10190];
	_ =	sdelay $0x4  }
0x84: {  	v4 =	vadd.f32 v5, v4;
	_ =	sdelay $0x1  }
0x85: {  	s30 =	simm.s32 $0x0;
	s15 =	rddreg [dreg:$0x7];
	[tilespmem:s0+$0x133D0] =	vst v4  }
0x86: {  	[tilespmem:s30], [sflag:$0x1] =	stream.linear.gather [hbm4b:s15+s30], $0x80, $0x38;
	[tilespmem:$0x165A0] =	vst v63  }
0x87: {  	s24 =	rddreg [dreg:$0x8]  }
0x88: {  	[tilespmem:s28], [sflag:$0x1] =	stream.linear.gather [hbm4b:s24+s30], $0x48, $0x38;
	[tilespmem:$0x165A0] =	vst v63  }
0x89: {  	s31 =	rddreg [dreg:$0x9]  }
0x8a: {  	[tilespmem:s29], [sflag:$0x1] =	stream.linear.gather [hbm4b:s31+s30], $0xC8, $0x38;
	[tilespmem:$0x165A0] =	vst v63  }
0x8b: {  	s9 =	rddreg [dreg:$0xa];
	s15 =	simm.s32 $0x100  }
0x8c: {  	[tilespmem:s15], [sflag:$0x2] =	stream.linear.gather [hbm4b:s9+s30], $0x80, $0x38;
	[tilespmem:$0x165A0] =	vst v63  }
0x8d: {  	s13 =	rddreg [dreg:$0xb];
	s24 =	simm.s32 $0x180  }
0x8e: {  	[tilespmem:s24], [sflag:$0x2] =	stream.linear.gather [hbm4b:s13+s30], $0x48, $0x38;
	[tilespmem:$0x165A0] =	vst v63  }
0x8f: {  	s31 =	rddreg [dreg:$0xc]  }
0x90: {  	[tilespmem:s3], [sflag:$0x2] =	stream.linear.gather [hbm4b:s31+s30], $0xC8, $0x38;
	[tilespmem:$0x165A0] =	vst v63  }
0x91: {  	s9 =	rddreg [dreg:$0xd];
	s31 =	simm.s32 $0x200  }
0x92: {  	[tilespmem:s31], [sflag:$0x3] =	stream.linear.gather [hbm4b:s9+s30], $0x80, $0x38;
	[tilespmem:$0x165A0] =	vst v63  }
0x93: {  	s13 =	rddreg [dreg:$0xe];
	s9 =	simm.s32 $0x280  }
0x94: {  	[tilespmem:s9], [sflag:$0x3] =	stream.linear.gather [hbm4b:s13+s30], $0x48, $0x38;
	[tilespmem:$0x165A0] =	vst v63  }
0x95: {  	s13 =	rddreg [dreg:$0xf]  }
0x96: {  	[tilespmem:s26], [sflag:$0x3] =	stream.linear.gather [hbm4b:s13+s30], $0xC8, $0x38;
	[tilespmem:$0x165A0] =	vst v63  }
0x97: {  	s0 =	rddreg [dreg:$0x10];
	s13 =	simm.s32 $0x300  }
0x98: {  	[tilespmem:s13], [sflag:$0x4] =	stream.linear.gather [hbm4b:s0+s30], $0x80, $0x38;
	[tilespmem:$0x165A0] =	vst v63  }
0x99: {  	s0 =	rddreg [dreg:$0x11];
	s13 =	simm.s32 $0x380  }
0x9a: {  	[tilespmem:s13], [sflag:$0x4] =	stream.linear.gather [hbm4b:s0+s30], $0x48, $0x38;
	[tilespmem:$0x165A0] =	vst v63  }
0x9b: {  	s0 =	rddreg [dreg:$0x12]  }
0x9c: {  	[tilespmem:s11], [sflag:$0x4] =	stream.linear.gather [hbm4b:s0+s30], $0xC8, $0x38;
	[tilespmem:$0x165A0] =	vst v63  }
0x9d: {  	_ =	swait.ge [sflag:s12], $0x80  }
0x9e: {  	[sflag:s12] =	ssyncset.done $0x0  }
0x9f: {  	[sflag:s12] =	ssyncadd.s32 $0xFFFFFF80  }
0xa0: {  	_ =	swait.ge [sflag:s12], $0x48  }
0xa1: {  	[sflag:s12] =	ssyncset.done $0x0  }
0xa2: {  	[sflag:s12] =	ssyncadd.s32 $0xFFFFFFB8  }
0xa3: {  	_ =	swait.ge [sflag:s12], $0xC8  }
0xa4: {  	[sflag:s12] =	ssyncset.done $0x0  }
0xa5: {  	s0 =	simm.s32 $0x720;
	[sflag:s12] =	ssyncadd.s32 $0xFFFFFF38  }
0xa6: {  	[tilespmem:s0], [sflag:$0x5] =	stream.indirect.gather [hbm4b:s7+s28], $0x40, s30, s28, $0xb8;
	[tilespmem:$0x165A0] =	vst v63  }
0xa7: {  	s0 =	simm.s32 $0x2720  }
0xa8: {  	[tilespmem:s0], [sflag:$0x5] =	stream.indirect.gather [hbm4b:s7+s14], $0x40, s28, s14, $0xb8;
	[tilespmem:$0x165A0] =	vst v63  }
0xa9: {  	_ =	swait.ge [sflag:s16], $0x80  }
0xaa: {  	[sflag:s16] =	ssyncset.done $0x0  }
0xab: {  	[sflag:s16] =	ssyncadd.s32 $0xFFFFFF80  }
0xac: {  	_ =	swait.ge [sflag:s16], $0x48  }
0xad: {  	[sflag:s16] =	ssyncset.done $0x0  }
0xae: {  	[sflag:s16] =	ssyncadd.s32 $0xFFFFFFB8  }
0xaf: {  	_ =	swait.ge [sflag:s16], $0xC8  }
0xb0: {  	[sflag:s16] =	ssyncset.done $0x0  }
0xb1: {  	[sflag:s16] =	ssyncadd.s32 $0xFFFFFF38  }
0xb2: {  	[tilespmem:s17], [sflag:$0x6] =	stream.indirect.gather [hbm4b:s7+s28], $0x40, s15, s28, $0xb8;
	[tilespmem:$0x165A0] =	vst v63  }
0xb3: {  	s15 =	simm.s32 $0x5920  }
0xb4: {  	[tilespmem:s15], [sflag:$0x6] =	stream.indirect.gather [hbm4b:s7+s14], $0x40, s24, s14, $0xb8;
	[tilespmem:$0x165A0] =	vst v63  }
0xb5: {  	_ =	swait.ge [sflag:s19], $0x80  }
0xb6: {  	[sflag:s19] =	ssyncset.done $0x0  }
0xb7: {  	[sflag:s19] =	ssyncadd.s32 $0xFFFFFF80  }
0xb8: {  	_ =	swait.ge [sflag:s19], $0x48  }
0xb9: {  	[sflag:s19] =	ssyncset.done $0x0  }
0xba: {  	[sflag:s19] =	ssyncadd.s32 $0xFFFFFFB8  }
0xbb: {  	_ =	swait.ge [sflag:s19], $0xC8  }
0xbc: {  	[sflag:s19] =	ssyncset.done $0x0  }
.Ltmp10:
0xbd: {  	[sflag:s19] =	ssyncadd.s32 $0xFFFFFF38;
	(pc) =	sbr.rel .LBB2_18-.Ltmp10, $4  }
0xbe: {  	[tilespmem:s20], [sflag:$0x7] =	stream.indirect.gather [hbm4b:s7+s28], $0x40, s31, s28, $0xb8;
	[tilespmem:$0x165A0] =	vst v63  }
0xbf: {  	s31 =	simm.s32 $0x8B20  }
0xc0: {  	[tilespmem:s31], [sflag:$0x7] =	stream.indirect.gather [hbm4b:s7+s14], $0x40, s9, s14, $0xb8;
	[tilespmem:$0x165A0] =	vst v63  }
0xc1: {  	s9 =	simm.s32 $0x300  }
.LBB2_42:
0xc2: {  	s0 =	sadd.s32 s0, s22  }
0xc3: {  	s0 =	sshrl.u32 s0, $0x3  }
0xc4: {  	s15 =	sadd.s32 s1, s0  }
0xc5: {  	[tilespmem:s9], [sflag:$0x4] =	stream.linear.gather [hbm4b:s15+s5], $0x80, $0x38;
	[tilespmem:$0x165A0] =	vst v63  }
0xc6: {  	s15 =	sadd.s32 $0x10, s15  }
0xc7: {  	[tilespmem:s13], [sflag:$0x4] =	stream.linear.gather [hbm4b:s15+s5], $0x48, $0x38;
	[tilespmem:$0x165A0] =	vst v63  }
0xc8: {  	s0 =	sadd.s32 s2, s0  }
0xc9: {  	[tilespmem:s11], [sflag:$0x4] =	stream.linear.gather [hbm4b:s0+s5], $0xC8, $0x38;
	[tilespmem:$0x165A0] =	vst v63  }
.LBB2_44:
0xca: {  	_ =	swait.ge [sflag:s19], $0x80  }
0xcb: {  	[sflag:s19] =	ssyncset.done $0x0  }
0xcc: {  	[sflag:s19] =	ssyncadd.s32 $0xFFFFFF80  }
0xcd: {  	_ =	swait.ge [sflag:s19], $0x48  }
0xce: {  	[sflag:s19] =	ssyncset.done $0x0  }
0xcf: {  	[sflag:s19] =	ssyncadd.s32 $0xFFFFFFB8  }
0xd0: {  	_ =	swait.ge [sflag:s19], $0xC8  }
0xd1: {  	p0 =	seq.s32 s30, $0x0;
	[sflag:s19] =	ssyncset.done $0x0  }
0xd2: {  	s0 =	simm.s32 @!p0 $0xB;
	[sflag:s19] =	ssyncadd.s32 $0xFFFFFF38  }
0xd3: {  	_ =	swait.ge @!p0 [sflag:s0], $0x3200  }
0xd4: {  	[sflag:s0] =	ssyncset.done @!p0 $0x0  }
0xd5: {  	s24 =	simm.s32 $0x200;
	[sflag:s0] =	ssyncadd.s32 @!p0 $0xFFFFCE00  }
0xd6: {  	[tilespmem:s20], [sflag:$0x7] =	stream.indirect.gather [hbm4b:s7+s28], $0x40, s24, s28, $0xb8;
	[tilespmem:$0x165A0] =	vst v63  }
0xd7: {  	s31 =	simm.s32 $0x280;
	s15 =	simm.s32 $0x8B20  }
0xd8: {  	[tilespmem:s15], [sflag:$0x7] =	stream.indirect.gather [hbm4b:s7+s14], $0x40, s31, s14, $0xb8;
	[tilespmem:$0x165A0] =	vst v63  }
.LBB2_45:
0xd9: {  	s30 =	sadd.s32 $0x1, s30  }
0xda: {  	p0 =	sne.s32 s30, $0x80  }
.Ltmp11:
0xdb: {  	_ = 	snop;
	(pc) =	sbr.rel @!p0 .LBB2_46-.Ltmp11, $1  }
0xdc: {  	_ =	sdelay $0x3  }
.LBB2_18:
0xdd: {  	s0 =	sand.u32 $0x3, s30  }
0xde: {  	p0 =	sgt.s32 s0, $0x1  }
.Ltmp12:
0xdf: {  	_ = 	snop;
	(pc) =	sbr.rel @p0 .LBB2_38-.Ltmp12, $1  }
0xe0: {  	_ =	sdelay $0x3  }
0xe1: {  	p0 =	seq.s32 s0, $0x0  }
.Ltmp13:
0xe2: {  	_ = 	snop;
	(pc) =	sbr.rel @!p0 .LBB2_26-.Ltmp13, $1  }
0xe3: {  	_ =	sdelay $0x3  }
0xe4: {  	_ =	swait.ge [sflag:s23], $0x2000;
	v4 =	vimm.s32 $0x0  }
0xe5: {  	[sflag:s23] =	ssyncset.done $0x0;
	v5 =	vor.u32 $0x3, v4  }
0xe6: {  	[sflag:s23] =	ssyncadd.s32 $0xFFFFE000  }
0xe7: {  	_ =	swait.ge [sflag:s23], $0x1200  }
0xe8: {  	v6 =	vor.u32 $0x1, v4;
	[sflag:s23] =	ssyncset.done $0x0  }
0xe9: {  	[sflag:s23] =	ssyncadd.s32 $0xFFFFEE00  }
0xea: {  	v7 =	vor.u32 $0x2, v4;
	v8 =	vld.idx.msk [tilespmem:v5+s29+$0x0], $0xffff;
	_ =	sdelay $0x1  }
0xeb: {  	v9 =	vld.idx.msk [tilespmem:v4+s29+$0x0], $0xffff  }
0xec: {  	v10 =	vld.idx.msk [tilespmem:v6+s29+$0x0], $0xffff;
	_ =	sdelay $0x1  }
0xed: {  	v11 =	vld.idx.msk [tilespmem:v7+s29+$0x0], $0xffff;
	v8 =	vmul.u32 $0x3200, v8  }
0xee: {  	v5 =	vshll.u32 v5, $0x6  }
0xef: {  	s31 =	simm.s32 $0x7A0;
	v9 =	vmul.u32 $0x3200, v9;
	v5 =	vadd.s32 v5, v8  }
0xf0: {  	v13 =	vld [tilespmem:s31+$0x40];
	v10 =	vmul.u32 $0x3200, v10;
	v8 =	vshll.u32 v4, $0x6;
	v12 =	vor.u32 v0, v5  }
0xf1: {  	v28 =	vadd.s32 $0x4, v4;
	v6 =	vshll.u32 v6, $0x6;
	v15 =	vld [tilespmem:s31+$0xFFFFFF80];
	v8 =	vadd.s32 v8, v9  }
0xf2: {  	v16 =	vld [tilespmem:s31+$0xFFFFFFC0];
	v10 =	vadd.s32 v6, v10;
	v9 =	vmul.u32 $0x3200, v11;
	v11 =	vor.u32 v0, v8  }
0xf3: {  	v7 =	vshll.u32 v7, $0x6;
	v18 =	vld [tilespmem:s31+$0xFFFFFF90];
	v6 =	vor.u32 v0, v10  }
0xf4: {  	v20 =	vld [tilespmem:s31+$0xFFFFFFD0];
	v7 =	vadd.s32 v7, v9  }
0xf5: {  	v9 =	vor.u32 v0, v7;
	v12 =	vld.idx.msk [tilespmem:v12+s10+$0x0], $0xffff  }
0xf6: {  	v22 =	vld.idx.msk [tilespmem:v28+s29+$0x0], $0xffff  }
0xf7: {  	v11 =	vld.idx.msk [tilespmem:v11+s10+$0x0], $0xffff  }
0xf8: {  	v14 =	vor.u32 v1, v5;
	v6 =	vld.idx.msk [tilespmem:v6+s10+$0x0], $0xffff  }
0xf9: {  	v25 =	vld [tilespmem:s31+$0x20]  }
0xfa: {  	v9 =	vld.idx.msk [tilespmem:v9+s10+$0x0], $0xffff;
	v12 =	vadd.f32 v13, v12  }
0xfb: {  	v13 =	vld [tilespmem:s31+$0x0]  }
0xfc: {  	v17 =	vor.u32 v1, v8;
	v11 =	vadd.f32 v15, v11;
	v15 =	vld [tilespmem:s31+$0x50];
	[tilespmem:s31+$0x40] =	vst v12  }
0xfd: {  	s0 =	simm.s32 $0x8A0;
	v6 =	vadd.f32 v16, v6;
	v12 =	vor.u32 v1, v10;
	v14 =	vld.idx.msk [tilespmem:v14+s10+$0x0], $0xffff  }
0xfe: {  	v31 =	vld [tilespmem:s0+$0xFFFFFFC0];
	v19 =	vor.u32 v1, v7  }
0xff: {  	v32 =	vld [tilespmem:s0+$0x0];
	[tilespmem:s31+$0xFFFFFFC0] =	vst v6  }
0x100: {  	v6 =	vor.u32 v2, v5;
	[tilespmem:s31+$0xFFFFFF80] =	vst v11;
	v11 =	vld [tilespmem:s31+$0x10];
	v9 =	vadd.f32 v13, v9  }
0x101: {  	v13 =	vld.idx.msk [tilespmem:v17+s10+$0x0], $0xffff  }
0x102: {  	v4 =	vor.u32 $0x3, v28;
	v12 =	vld.idx.msk [tilespmem:v12+s10+$0x0], $0xffff;
	[tilespmem:s31+$0x0] =	vst v9;
	v14 =	vadd.f32 v15, v14  }
0x103: {  	v9 =	vld.idx.msk [tilespmem:v19+s10+$0x0], $0xffff  }
0x104: {  	v16 =	vor.u32 $0x2, v28;
	v19 =	vld [tilespmem:s31+$0x60];
	[tilespmem:s31+$0x50] =	vst v14  }
0x105: {  	v14 =	vor.u32 $0x1, v28;
	v6 =	vld.idx.msk [tilespmem:v6+s10+$0x0], $0xffff  }
0x106: {  	v62 =	vld [tilespmem:s0+$0x50]  }
0x107: {  	v24 =	vld.idx.msk [tilespmem:v4+s29+$0x0], $0xffff;
	v12 =	vadd.f32 v20, v12  }
0x108: {  	v21 =	vor.u32 v2, v10;
	v17 =	vld [tilespmem:s31+$0xFFFFFFA0];
	v13 =	vadd.f32 v18, v13  }
0x109: {  	v23 =	vor.u32 v2, v7;
	v9 =	vadd.f32 v11, v9;
	[tilespmem:s31+$0xFFFFFFD0] =	vst v12;
	v12 =	vld.idx.msk [tilespmem:v16+s29+$0x0], $0xffff  }
0x10a: {  	v5 =	vor.u32 v3, v5;
	[tilespmem:s31+$0xFFFFFF90] =	vst v13;
	v11 =	vld.idx.msk [tilespmem:v14+s29+$0x0], $0xffff;
	v6 =	vadd.f32 v19, v6  }
0x10b: {  	v15 =	vld [tilespmem:s31+$0xFFFFFFE0];
	[tilespmem:s31+$0x10] =	vst v9  }
0x10c: {  	v13 =	vld [tilespmem:s31+$0x70];
	v9 =	vmul.u32 $0x3200, v22;
	[tilespmem:s31+$0x60] =	vst v6;
	v6 =	vmul.u32 $0x3200, v24  }
0x10d: {  	v4 =	vshll.u32 v4, $0x6;
	v20 =	vor.u32 v2, v8;
	v19 =	vld.idx.msk [tilespmem:v21+s10+$0x0], $0xffff;
	v21 =	vshll.u32 v28, $0x6  }
0x10e: {  	v18 =	vld.idx.msk [tilespmem:v23+s10+$0x0], $0xffff;
	v26 =	vadd.s32 v21, v9;
	v9 =	vadd.s32 v4, v6  }
0x10f: {  	v22 =	vld.idx.msk [tilespmem:v5+s10+$0x0], $0xffff;
	v5 =	vmul.u32 $0x3200, v11;
	v6 =	vmul.u32 $0x3200, v12;
	v12 =	vor.u32 v0, v9  }
0x110: {  	v21 =	vld [tilespmem:s0+$0x40];
	v4 =	vshll.u32 v14, $0x6  }
0x111: {  	v16 =	vshll.u32 v16, $0x6;
	v24 =	vld [tilespmem:s0+$0xFFFFFF80];
	v11 =	vor.u32 v0, v26;
	v27 =	vadd.s32 v4, v5  }
0x112: {  	v14 =	vld.idx.msk [tilespmem:v20+s10+$0x0], $0xffff;
	v29 =	vadd.s32 v16, v6;
	v20 =	vor.u32 v0, v27  }
0x113: {  	v4 =	vld [tilespmem:s31+$0xFFFFFFB0];
	v16 =	vor.u32 v0, v29  }
0x114: {  	v12 =	vld.idx.msk [tilespmem:v12+s10+$0x0], $0xffff  }
0x115: {  	v6 =	vld [tilespmem:s31+$0xFFFFFFF0]  }
0x116: {  	v11 =	vld.idx.msk [tilespmem:v11+s10+$0x0], $0xffff  }
0x117: {  	v30 =	vor.u32 v1, v9;
	v23 =	vld.idx.msk [tilespmem:v20+s10+$0x0], $0xffff  }
0x118: {  	v19 =	vadd.f32 v15, v19;
	v16 =	vld.idx.msk [tilespmem:v16+s10+$0x0], $0xffff  }
0x119: {  	v5 =	vld [tilespmem:s31+$0x30];
	v12 =	vadd.f32 v21, v12  }
0x11a: {  	v33 =	vor.u32 v1, v26;
	[tilespmem:s31+$0xFFFFFFE0] =	vst v19;
	v19 =	vld [tilespmem:s0+$0xFFFFFFE0];
	v13 =	vadd.f32 v13, v22  }
0x11b: {  	v34 =	vor.u32 v1, v27;
	v22 =	vld [tilespmem:s0+$0x10];
	v11 =	vadd.f32 v24, v11;
	[tilespmem:s0+$0x40] =	vst v12  }
0x11c: {  	v35 =	vor.u32 v1, v29;
	[tilespmem:s31+$0x70] =	vst v13;
	v13 =	vadd.f32 v31, v23;
	v30 =	vld.idx.msk [tilespmem:v30+s10+$0x0], $0xffff  }
0x11d: {  	v7 =	vor.u32 v3, v7;
	v20 =	vld [tilespmem:s0+$0xFFFFFF90];
	[tilespmem:s0+$0xFFFFFF80] =	vst v11;
	v11 =	vadd.f32 v32, v16  }
0x11e: {  	v10 =	vor.u32 v3, v10;
	v63 =	vadd.f32 v25, v18;
	v21 =	vld [tilespmem:s0+$0xFFFFFFD0];
	v12 =	vor.u32 v2, v26;
	[tilespmem:s0+$0xFFFFFFC0] =	vst v13  }
0x11f: {  	v23 =	vld.idx.msk [tilespmem:v33+s10+$0x0], $0xffff;
	[tilespmem:s0+$0x0] =	vst v11;
	v11 =	vor.u32 v3, v26;
	v26 =	vor.u32 v2, v9  }
0x120: {  	v8 =	vor.u32 v3, v8;
	v15 =	vor.u32 v2, v27;
	v14 =	vadd.f32 v17, v14;
	v24 =	vld.idx.msk [tilespmem:v34+s10+$0x0], $0xffff  }
0x121: {  	v18 =	vor.u32 v3, v27;
	[tilespmem:s31+$0x20] =	vst v63;
	v25 =	vld.idx.msk [tilespmem:v35+s10+$0x0], $0xffff;
	v27 =	vadd.f32 v62, v30  }
0x122: {  	s15 =	simm.s32 $0x4;
	s24 =	simm.s32 $0x8A0;
	v17 =	vld [tilespmem:s0+$0xFFFFFFA0];
	[tilespmem:s31+$0xFFFFFFA0] =	vst v14;
	v14 =	vadd.s32 $0x4, v28;
	v16 =	vor.u32 v2, v29;
	v13 =	vor.u32 v3, v29  }
.LBB2_21:
0x123: {  	v28 =	vor.u32 $0x1, v14;
	v29 =	vor.u32 $0x2, v14;
	v30 =	vor.u32 $0x3, v14;
	s15 =	sadd.s32 $0x4, s15;
	v31 =	vld [tilespmem:s0+$0x20];
	[tilespmem:s0+$0x50] =	vst v27  }
0x124: {  	v27 =	vshll.u32 v14, $0x6;
	v32 =	vshll.u32 v28, $0x6;
	v33 =	vshll.u32 v29, $0x6;
	p0 =	slt.u32 s15, $0xC4;
	v26 =	vld.idx.msk [tilespmem:v26+s10+$0x0], $0xffff  }
0x125: {  	v20 =	vadd.f32 v20, v23;
	v21 =	vadd.f32 v21, v24;
	v23 =	vld [tilespmem:s0+$0x60]  }
0x126: {  	v22 =	vadd.f32 v22, v25;
	v24 =	vld.idx.msk [tilespmem:v10+s10+$0x0], $0xffff;
	v10 =	vmov v18  }
0x127: {  	v18 =	vld.idx.msk [tilespmem:v14+s29+$0x0], $0xffff;
	[tilespmem:s0+$0xFFFFFFD0] =	vst v21  }
0x128: {  	v9 =	vor.u32 v3, v9;
	v21 =	vld.idx.msk [tilespmem:v30+s29+$0x0], $0xffff;
	[tilespmem:s0+$0x10] =	vst v22  }
0x129: {  	v22 =	vld.idx.msk [tilespmem:v28+s29+$0x0], $0xffff;
	[tilespmem:s0+$0xFFFFFF90] =	vst v20  }
0x12a: {  	v20 =	vld.idx.msk [tilespmem:v29+s29+$0x0], $0xffff;
	v23 =	vadd.f32 v23, v26  }
0x12b: {  	v25 =	vld.idx.msk [tilespmem:v15+s10+$0x0], $0xffff  }
0x12c: {  	v6 =	vadd.f32 v6, v24;
	v26 =	vld.idx.msk [tilespmem:v16+s10+$0x0], $0xffff;
	[tilespmem:s0+$0x60] =	vst v23  }
0x12d: {  	v15 =	vmul.u32 $0x3200, v18;
	v16 =	vld.idx.msk [tilespmem:v9+s10+$0x0], $0xffff  }
0x12e: {  	v9 =	vmul.u32 $0x3200, v21;
	v18 =	vld [tilespmem:s0+$0x70];
	[tilespmem:s31+$0xFFFFFFF0] =	vst v6  }
0x12f: {  	v21 =	vadd.s32 v27, v15;
	v6 =	vmul.u32 $0x3200, v22;
	v15 =	vshll.u32 v30, $0x6;
	v22 =	vld.idx.msk [tilespmem:v12+s10+$0x0], $0xffff  }
0x130: {  	v23 =	vor.u32 v0, v21;
	v12 =	vmul.u32 $0x3200, v20;
	v9 =	vadd.s32 v15, v9;
	v20 =	vld.idx.msk [tilespmem:v7+s10+$0x0], $0xffff;
	v7 =	vmovc v13  }
0x131: {  	v24 =	vor.u32 v1, v21;
	v13 =	vadd.s32 v32, v6;
	v27 =	vor.u32 v0, v9;
	v28 =	vld.idx.msk [tilespmem:v8+s10+$0x0], $0xffff  }
0x132: {  	v29 =	vor.u32 v0, v13;
	v30 =	vor.u32 v1, v13;
	v32 =	vadd.s32 v33, v12;
	v8 =	vmovc v11;
	v33 =	vld [tilespmem:s0+$0xFFFFFFB0]  }
0x133: {  	v34 =	vor.u32 v0, v32;
	v35 =	vor.u32 v1, v32;
	v6 =	vld [tilespmem:s0+$0xFFFFFFF0];
	v11 =	vadd.f32 v18, v16  }
0x134: {  	v12 =	vor.u32 v2, v21;
	v15 =	vor.u32 v2, v13;
	v16 =	vor.u32 v2, v32;
	v36 =	vld [tilespmem:s0+$0x30]  }
0x135: {  	v19 =	vadd.f32 v19, v25;
	v25 =	vadd.f32 v31, v26;
	v23 =	vld.idx.msk [tilespmem:v23+s10+$0x0], $0xffff;
	[tilespmem:s0+$0x70] =	vst v11  }
0x136: {  	v18 =	vor.u32 v3, v13;
	v13 =	vor.u32 v3, v32;
	v17 =	vadd.f32 v17, v22;
	s0 =	sadd.s32 $0x100, s0;
	v26 =	vld.idx.msk [tilespmem:v27+s10+$0x0], $0xffff  }
0x137: {  	v11 =	vor.u32 v3, v21;
	v20 =	vadd.f32 v5, v20;
	v21 =	vld [tilespmem:s0+$0x40];
	[tilespmem:s24+$0xFFFFFFE0] =	vst v19;
	v19 =	vadd.f32 v4, v28  }
0x138: {  	v4 =	vmov v33;
	v22 =	vld.idx.msk [tilespmem:v29+s10+$0x0], $0xffff;
	[tilespmem:s24+$0x20] =	vst v25  }
0x139: {  	v25 =	vld.idx.msk [tilespmem:v34+s10+$0x0], $0xffff;
	[tilespmem:s24+$0xFFFFFFA0] =	vst v17;
	v5 =	vmov v36  }
0x13a: {  	v27 =	vor.u32 v1, v9;
	v17 =	vld [tilespmem:s0+$0xFFFFFF80];
	[tilespmem:s31+$0x30] =	vst v20  }
0x13b: {  	v28 =	vld [tilespmem:s0+$0xFFFFFFC0];
	[tilespmem:s31+$0xFFFFFFB0] =	vst v19;
	s31 =	smov.u32 s24;
	s24 =	smov.u32 s0  }
0x13c: {  	v19 =	vld [tilespmem:s0+$0x0];
	v26 =	vadd.f32 v21, v26  }
0x13d: {  	v20 =	vld [tilespmem:s0+$0xFFFFFF90]  }
0x13e: {  	v21 =	vld [tilespmem:s0+$0xFFFFFFD0];
	[tilespmem:s0+$0x40] =	vst v26  }
0x13f: {  	v17 =	vadd.f32 v17, v23;
	v27 =	vld.idx.msk [tilespmem:v27+s10+$0x0], $0xffff  }
0x140: {  	v26 =	vadd.f32 v28, v22;
	v28 =	vld [tilespmem:s0+$0x50]  }
0x141: {  	[tilespmem:s0+$0xFFFFFF80] =	vst v17;
	v17 =	vadd.f32 v19, v25;
	v22 =	vld [tilespmem:s0+$0x10]  }
.Ltmp14:
0x142: {  	v23 =	vld.idx.msk [tilespmem:v24+s10+$0x0], $0xffff;
	[tilespmem:s0+$0xFFFFFFC0] =	vst v26;
	(pc) =	sbr.rel @p0 .LBB2_21-.Ltmp14, $4  }
0x143: {  	v26 =	vor.u32 v2, v9;
	v24 =	vld.idx.msk [tilespmem:v30+s10+$0x0], $0xffff;
	[tilespmem:s0+$0x0] =	vst v17  }
0x144: {  	v25 =	vld.idx.msk [tilespmem:v35+s10+$0x0], $0xffff  }
0x145: {  	v17 =	vld [tilespmem:s0+$0xFFFFFFA0];
	v27 =	vadd.f32 v28, v27  }
0x146: {  	v14 =	vadd.s32 $0x4, v14;
	v19 =	vld [tilespmem:s0+$0xFFFFFFE0]  }
0x147: {  	_ =	sdelay $0x1  }
0x148: {  	v57 =	vld [tilespmem:s0+$0x60]  }
0x149: {  	v58 =	vld [tilespmem:s0+$0x20]  }
0x14a: {  	v10 =	vld.idx.msk [tilespmem:v10+s10+$0x0], $0xffff  }
0x14b: {  	[tilespmem:s0+$0x50] =	vst v27;
	v59 =	vld [tilespmem:s0+$0x70];
	v21 =	vadd.f32 v21, v24  }
0x14c: {  	v14 =	vld.idx.msk [tilespmem:v26+s10+$0x0], $0xffff;
	v22 =	vadd.f32 v22, v25  }
0x14d: {  	v20 =	vadd.f32 v20, v23;
	v7 =	vld.idx.msk [tilespmem:v7+s10+$0x0], $0xffff;
	[tilespmem:s0+$0xFFFFFFD0] =	vst v21  }
0x14e: {  	[tilespmem:s0+$0x10] =	vst v22;
	v15 =	vld.idx.msk [tilespmem:v15+s10+$0x0], $0xffff  }
0x14f: {  	v9 =	vor.u32 v3, v9;
	[tilespmem:s0+$0xFFFFFF90] =	vst v20;
	v16 =	vld.idx.msk [tilespmem:v16+s10+$0x0], $0xffff  }
0x150: {  	v12 =	vld.idx.msk [tilespmem:v12+s10+$0x0], $0xffff  }
0x151: {  	v8 =	vld.idx.msk [tilespmem:v8+s10+$0x0], $0xffff;
	v14 =	vadd.f32 v57, v14  }
0x152: {  	v60 =	vld [tilespmem:s0+$0xFFFFFFB0]  }
0x153: {  	v61 =	vld [tilespmem:s0+$0xFFFFFFF0];
	[tilespmem:s0+$0x60] =	vst v14;
	v15 =	vadd.f32 v19, v15  }
0x154: {  	v9 =	vld.idx.msk [tilespmem:v9+s10+$0x0], $0xffff;
	v16 =	vadd.f32 v58, v16  }
0x155: {  	v62 =	vld [tilespmem:s0+$0x30];
	v12 =	vadd.f32 v17, v12;
	[tilespmem:s24+$0xFFFFFFE0] =	vst v15  }
0x156: {  	[tilespmem:s24+$0x20] =	vst v16;
	v15 =	vld.idx.msk [tilespmem:v18+s10+$0x0], $0xffff  }
0x157: {  	v6 =	vadd.f32 v6, v10;
	[tilespmem:s24+$0xFFFFFFA0] =	vst v12;
	v63 =	vld.idx.msk [tilespmem:v13+s10+$0x0], $0xffff  }
0x158: {  	v5 =	vadd.f32 v5, v7;
	v11 =	vld.idx.msk [tilespmem:v11+s10+$0x0], $0xffff  }
0x159: {  	[tilespmem:s31+$0xFFFFFFF0] =	vst v6;
	v9 =	vadd.f32 v59, v9  }
0x15a: {  	v4 =	vadd.f32 v4, v8;
	[tilespmem:s31+$0x30] =	vst v5  }
0x15b: {  	p0 =	sgt.u32 s30, $0x7B;
	[tilespmem:s0+$0x70] =	vst v9;
	s0 =	smul.u32 $0xC8, s30;
	v5 =	vadd.f32 v61, v15  }
.Ltmp15:
0x15c: {  	[tilespmem:s31+$0xFFFFFFB0] =	vst v4;
	v4 =	vadd.f32 v62, v63;
	(pc) =	sbr.rel @p0 .LBB2_24-.Ltmp15, $4  }
0x15d: {  	s15 =	sadd.s32 s6, s0;
	[tilespmem:s24+$0xFFFFFFF0] =	vst v5;
	v5 =	vadd.f32 v60, v11  }
0x15e: {  	s15 =	sshll.u32 s15, $0x3;
	[tilespmem:s24+$0x30] =	vst v4  }
0x15f: {  	s31 =	simm.s32 $0x720;
	s15 =	sadd.s32 s4, s15;
	[tilespmem:s24+$0xFFFFFFB0] =	vst v5  }
0x160: {  	[hbm4b:s15+s5] =	stream.linear.scatter [tilespmem:s31], [sflag:$0x9], $0x3200, $0x38;
	[tilespmem:$0x165A0] =	vst v63  }
0x161: {  	s0 =	sadd.s32 s0, s22  }
0x162: {  	s0 =	sshrl.u32 s0, $0x3  }
0x163: {  	s15 =	sadd.s32 s1, s0  }
0x164: {  	[tilespmem:s5], [sflag:$0x1] =	stream.linear.gather [hbm4b:s15+s5], $0x80, $0x38;
	[tilespmem:$0x165A0] =	vst v63  }
.Ltmp16:
0x165: {  	_ = 	snop;
	(pc) =	sbr.rel .LBB2_25-.Ltmp16, $4  }
0x166: {  	s15 =	sadd.s32 $0x10, s15  }
0x167: {  	[tilespmem:s28], [sflag:$0x1] =	stream.linear.gather [hbm4b:s15+s5], $0x48, $0x38;
	[tilespmem:$0x165A0] =	vst v63  }
0x168: {  	s0 =	sadd.s32 s2, s0  }
0x169: {  	[tilespmem:s29], [sflag:$0x1] =	stream.linear.gather [hbm4b:s0+s5], $0xC8, $0x38;
	[tilespmem:$0x165A0] =	vst v63  }
.LBB2_38:
0x16a: {  	p0 =	seq.s32 s0, $0x2  }
.Ltmp17:
0x16b: {  	_ = 	snop;
	(pc) =	sbr.rel @!p0 .LBB2_39-.Ltmp17, $1  }
0x16c: {  	_ =	sdelay $0x3  }
0x16d: {  	_ =	swait.ge [sflag:s21], $0x2000;
	v4 =	vimm.s32 $0x0  }
0x16e: {  	[sflag:s21] =	ssyncset.done $0x0;
	v5 =	vor.u32 $0x3, v4  }
0x16f: {  	[sflag:s21] =	ssyncadd.s32 $0xFFFFE000  }
0x170: {  	_ =	swait.ge [sflag:s21], $0x1200  }
0x171: {  	v6 =	vor.u32 $0x1, v4;
	[sflag:s21] =	ssyncset.done $0x0  }
0x172: {  	[sflag:s21] =	ssyncadd.s32 $0xFFFFEE00  }
0x173: {  	v7 =	vor.u32 $0x2, v4;
	v8 =	vld.idx.msk [tilespmem:v5+s26+$0x0], $0xffff;
	_ =	sdelay $0x1  }
0x174: {  	v9 =	vld.idx.msk [tilespmem:v4+s26+$0x0], $0xffff  }
0x175: {  	v10 =	vld.idx.msk [tilespmem:v6+s26+$0x0], $0xffff;
	_ =	sdelay $0x1  }
0x176: {  	v11 =	vld.idx.msk [tilespmem:v7+s26+$0x0], $0xffff;
	v8 =	vmul.u32 $0x3200, v8  }
0x177: {  	v5 =	vshll.u32 v5, $0x6  }
0x178: {  	s31 =	simm.s32 $0x6B20;
	v9 =	vmul.u32 $0x3200, v9;
	v5 =	vadd.s32 v5, v8  }
0x179: {  	v13 =	vld [tilespmem:s31+$0xC0];
	v10 =	vmul.u32 $0x3200, v10;
	v8 =	vshll.u32 v4, $0x6;
	v12 =	vor.u32 v0, v5  }
0x17a: {  	v28 =	vadd.s32 $0x4, v4;
	v6 =	vshll.u32 v6, $0x6;
	v15 =	vld [tilespmem:s31+$0x0];
	v8 =	vadd.s32 v8, v9  }
0x17b: {  	v16 =	vld [tilespmem:s31+$0x40];
	v10 =	vadd.s32 v6, v10;
	v9 =	vmul.u32 $0x3200, v11;
	v11 =	vor.u32 v0, v8  }
0x17c: {  	v7 =	vshll.u32 v7, $0x6;
	v18 =	vld [tilespmem:s31+$0x10];
	v6 =	vor.u32 v0, v10  }
0x17d: {  	v20 =	vld [tilespmem:s31+$0x50];
	v7 =	vadd.s32 v7, v9  }
0x17e: {  	v9 =	vor.u32 v0, v7;
	v12 =	vld.idx.msk [tilespmem:v12+s10+$0x0], $0xffff  }
0x17f: {  	v22 =	vld.idx.msk [tilespmem:v28+s26+$0x0], $0xffff  }
0x180: {  	v11 =	vld.idx.msk [tilespmem:v11+s10+$0x0], $0xffff  }
0x181: {  	v14 =	vor.u32 v1, v5;
	v6 =	vld.idx.msk [tilespmem:v6+s10+$0x0], $0xffff  }
0x182: {  	v25 =	vld [tilespmem:s31+$0xA0]  }
0x183: {  	v9 =	vld.idx.msk [tilespmem:v9+s10+$0x0], $0xffff;
	v12 =	vadd.f32 v13, v12  }
0x184: {  	v13 =	vld [tilespmem:s31+$0x80]  }
0x185: {  	v17 =	vor.u32 v1, v8;
	v11 =	vadd.f32 v15, v11;
	v15 =	vld [tilespmem:s31+$0xD0];
	[tilespmem:s31+$0xC0] =	vst v12  }
0x186: {  	s0 =	simm.s32 $0x6C20;
	v6 =	vadd.f32 v16, v6;
	v12 =	vor.u32 v1, v10;
	v14 =	vld.idx.msk [tilespmem:v14+s10+$0x0], $0xffff  }
0x187: {  	v31 =	vld [tilespmem:s0+$0x40];
	v19 =	vor.u32 v1, v7  }
0x188: {  	v32 =	vld [tilespmem:s0+$0x80];
	[tilespmem:s31+$0x40] =	vst v6  }
0x189: {  	v6 =	vor.u32 v2, v5;
	[tilespmem:s31+$0x0] =	vst v11;
	v11 =	vld [tilespmem:s31+$0x90];
	v9 =	vadd.f32 v13, v9  }
0x18a: {  	v13 =	vld.idx.msk [tilespmem:v17+s10+$0x0], $0xffff  }
0x18b: {  	v4 =	vor.u32 $0x3, v28;
	v12 =	vld.idx.msk [tilespmem:v12+s10+$0x0], $0xffff;
	[tilespmem:s31+$0x80] =	vst v9;
	v14 =	vadd.f32 v15, v14  }
0x18c: {  	v9 =	vld.idx.msk [tilespmem:v19+s10+$0x0], $0xffff  }
0x18d: {  	v16 =	vor.u32 $0x2, v28;
	v19 =	vld [tilespmem:s31+$0xE0];
	[tilespmem:s31+$0xD0] =	vst v14  }
0x18e: {  	v14 =	vor.u32 $0x1, v28;
	v6 =	vld.idx.msk [tilespmem:v6+s10+$0x0], $0xffff  }
0x18f: {  	v62 =	vld [tilespmem:s0+$0xD0]  }
0x190: {  	v24 =	vld.idx.msk [tilespmem:v4+s26+$0x0], $0xffff;
	v12 =	vadd.f32 v20, v12  }
0x191: {  	v21 =	vor.u32 v2, v10;
	v17 =	vld [tilespmem:s31+$0x20];
	v13 =	vadd.f32 v18, v13  }
0x192: {  	v23 =	vor.u32 v2, v7;
	v9 =	vadd.f32 v11, v9;
	[tilespmem:s31+$0x50] =	vst v12;
	v12 =	vld.idx.msk [tilespmem:v16+s26+$0x0], $0xffff  }
0x193: {  	v5 =	vor.u32 v3, v5;
	[tilespmem:s31+$0x10] =	vst v13;
	v11 =	vld.idx.msk [tilespmem:v14+s26+$0x0], $0xffff;
	v6 =	vadd.f32 v19, v6  }
0x194: {  	v15 =	vld [tilespmem:s31+$0x60];
	[tilespmem:s31+$0x90] =	vst v9  }
0x195: {  	v13 =	vld [tilespmem:s31+$0xF0];
	v9 =	vmul.u32 $0x3200, v22;
	[tilespmem:s31+$0xE0] =	vst v6;
	v6 =	vmul.u32 $0x3200, v24  }
0x196: {  	v4 =	vshll.u32 v4, $0x6;
	v20 =	vor.u32 v2, v8;
	v19 =	vld.idx.msk [tilespmem:v21+s10+$0x0], $0xffff;
	v21 =	vshll.u32 v28, $0x6  }
0x197: {  	v18 =	vld.idx.msk [tilespmem:v23+s10+$0x0], $0xffff;
	v26 =	vadd.s32 v21, v9;
	v9 =	vadd.s32 v4, v6  }
0x198: {  	v22 =	vld.idx.msk [tilespmem:v5+s10+$0x0], $0xffff;
	v5 =	vmul.u32 $0x3200, v11;
	v6 =	vmul.u32 $0x3200, v12;
	v12 =	vor.u32 v0, v9  }
0x199: {  	v21 =	vld [tilespmem:s0+$0xC0];
	v4 =	vshll.u32 v14, $0x6  }
0x19a: {  	v16 =	vshll.u32 v16, $0x6;
	v24 =	vld [tilespmem:s0+$0x0];
	v11 =	vor.u32 v0, v26;
	v27 =	vadd.s32 v4, v5  }
0x19b: {  	v14 =	vld.idx.msk [tilespmem:v20+s10+$0x0], $0xffff;
	v29 =	vadd.s32 v16, v6;
	v20 =	vor.u32 v0, v27  }
0x19c: {  	v4 =	vld [tilespmem:s31+$0x30];
	v16 =	vor.u32 v0, v29  }
0x19d: {  	v12 =	vld.idx.msk [tilespmem:v12+s10+$0x0], $0xffff  }
0x19e: {  	v6 =	vld [tilespmem:s31+$0x70]  }
0x19f: {  	v11 =	vld.idx.msk [tilespmem:v11+s10+$0x0], $0xffff  }
0x1a0: {  	v30 =	vor.u32 v1, v9;
	v23 =	vld.idx.msk [tilespmem:v20+s10+$0x0], $0xffff  }
0x1a1: {  	v19 =	vadd.f32 v15, v19;
	v16 =	vld.idx.msk [tilespmem:v16+s10+$0x0], $0xffff  }
0x1a2: {  	v5 =	vld [tilespmem:s31+$0xB0];
	v12 =	vadd.f32 v21, v12  }
0x1a3: {  	v33 =	vor.u32 v1, v26;
	[tilespmem:s31+$0x60] =	vst v19;
	v19 =	vld [tilespmem:s0+$0x60];
	v13 =	vadd.f32 v13, v22  }
0x1a4: {  	v34 =	vor.u32 v1, v27;
	v22 =	vld [tilespmem:s0+$0x90];
	v11 =	vadd.f32 v24, v11;
	[tilespmem:s0+$0xC0] =	vst v12  }
0x1a5: {  	v35 =	vor.u32 v1, v29;
	[tilespmem:s31+$0xF0] =	vst v13;
	v13 =	vadd.f32 v31, v23;
	v30 =	vld.idx.msk [tilespmem:v30+s10+$0x0], $0xffff  }
0x1a6: {  	v7 =	vor.u32 v3, v7;
	v20 =	vld [tilespmem:s0+$0x10];
	[tilespmem:s0+$0x0] =	vst v11;
	v11 =	vadd.f32 v32, v16  }
0x1a7: {  	v10 =	vor.u32 v3, v10;
	v63 =	vadd.f32 v25, v18;
	v21 =	vld [tilespmem:s0+$0x50];
	v12 =	vor.u32 v2, v26;
	[tilespmem:s0+$0x40] =	vst v13  }
0x1a8: {  	v23 =	vld.idx.msk [tilespmem:v33+s10+$0x0], $0xffff;
	[tilespmem:s0+$0x80] =	vst v11;
	v11 =	vor.u32 v3, v26;
	v26 =	vor.u32 v2, v9  }
0x1a9: {  	v8 =	vor.u32 v3, v8;
	v15 =	vor.u32 v2, v27;
	v14 =	vadd.f32 v17, v14;
	v24 =	vld.idx.msk [tilespmem:v34+s10+$0x0], $0xffff  }
0x1aa: {  	v18 =	vor.u32 v3, v27;
	[tilespmem:s31+$0xA0] =	vst v63;
	v25 =	vld.idx.msk [tilespmem:v35+s10+$0x0], $0xffff;
	v27 =	vadd.f32 v62, v30  }
0x1ab: {  	s15 =	simm.s32 $0x4;
	s24 =	simm.s32 $0x6C20;
	v17 =	vld [tilespmem:s0+$0x20];
	[tilespmem:s31+$0x20] =	vst v14;
	v14 =	vadd.s32 $0x4, v28;
	v16 =	vor.u32 v2, v29;
	v13 =	vor.u32 v3, v29  }
.LBB2_33:
0x1ac: {  	v28 =	vor.u32 $0x1, v14;
	v29 =	vor.u32 $0x2, v14;
	v30 =	vor.u32 $0x3, v14;
	s15 =	sadd.s32 $0x4, s15;
	v31 =	vld [tilespmem:s0+$0xA0];
	[tilespmem:s0+$0xD0] =	vst v27  }
0x1ad: {  	v27 =	vshll.u32 v14, $0x6;
	v32 =	vshll.u32 v28, $0x6;
	v33 =	vshll.u32 v29, $0x6;
	p0 =	slt.u32 s15, $0xC4;
	v26 =	vld.idx.msk [tilespmem:v26+s10+$0x0], $0xffff  }
0x1ae: {  	v20 =	vadd.f32 v20, v23;
	v21 =	vadd.f32 v21, v24;
	v23 =	vld [tilespmem:s0+$0xE0]  }
0x1af: {  	v22 =	vadd.f32 v22, v25;
	v24 =	vld.idx.msk [tilespmem:v10+s10+$0x0], $0xffff;
	v10 =	vmov v18  }
0x1b0: {  	v18 =	vld.idx.msk [tilespmem:v14+s26+$0x0], $0xffff;
	[tilespmem:s0+$0x50] =	vst v21  }
0x1b1: {  	v9 =	vor.u32 v3, v9;
	v21 =	vld.idx.msk [tilespmem:v30+s26+$0x0], $0xffff;
	[tilespmem:s0+$0x90] =	vst v22  }
0x1b2: {  	v22 =	vld.idx.msk [tilespmem:v28+s26+$0x0], $0xffff;
	[tilespmem:s0+$0x10] =	vst v20  }
0x1b3: {  	v20 =	vld.idx.msk [tilespmem:v29+s26+$0x0], $0xffff;
	v23 =	vadd.f32 v23, v26  }
0x1b4: {  	v25 =	vld.idx.msk [tilespmem:v15+s10+$0x0], $0xffff  }
0x1b5: {  	v6 =	vadd.f32 v6, v24;
	v26 =	vld.idx.msk [tilespmem:v16+s10+$0x0], $0xffff;
	[tilespmem:s0+$0xE0] =	vst v23  }
0x1b6: {  	v15 =	vmul.u32 $0x3200, v18;
	v16 =	vld.idx.msk [tilespmem:v9+s10+$0x0], $0xffff  }
0x1b7: {  	v9 =	vmul.u32 $0x3200, v21;
	v18 =	vld [tilespmem:s0+$0xF0];
	[tilespmem:s31+$0x70] =	vst v6  }
0x1b8: {  	v21 =	vadd.s32 v27, v15;
	v6 =	vmul.u32 $0x3200, v22;
	v15 =	vshll.u32 v30, $0x6;
	v22 =	vld.idx.msk [tilespmem:v12+s10+$0x0], $0xffff  }
0x1b9: {  	v23 =	vor.u32 v0, v21;
	v12 =	vmul.u32 $0x3200, v20;
	v9 =	vadd.s32 v15, v9;
	v20 =	vld.idx.msk [tilespmem:v7+s10+$0x0], $0xffff;
	v7 =	vmovc v13  }
0x1ba: {  	v24 =	vor.u32 v1, v21;
	v13 =	vadd.s32 v32, v6;
	v27 =	vor.u32 v0, v9;
	v28 =	vld.idx.msk [tilespmem:v8+s10+$0x0], $0xffff  }
0x1bb: {  	v29 =	vor.u32 v0, v13;
	v30 =	vor.u32 v1, v13;
	v32 =	vadd.s32 v33, v12;
	v8 =	vmovc v11;
	v33 =	vld [tilespmem:s0+$0x30]  }
0x1bc: {  	v34 =	vor.u32 v0, v32;
	v35 =	vor.u32 v1, v32;
	v6 =	vld [tilespmem:s0+$0x70];
	v11 =	vadd.f32 v18, v16  }
0x1bd: {  	v12 =	vor.u32 v2, v21;
	v15 =	vor.u32 v2, v13;
	v16 =	vor.u32 v2, v32;
	v36 =	vld [tilespmem:s0+$0xB0]  }
0x1be: {  	v19 =	vadd.f32 v19, v25;
	v25 =	vadd.f32 v31, v26;
	v23 =	vld.idx.msk [tilespmem:v23+s10+$0x0], $0xffff;
	[tilespmem:s0+$0xF0] =	vst v11  }
0x1bf: {  	v18 =	vor.u32 v3, v13;
	v13 =	vor.u32 v3, v32;
	v17 =	vadd.f32 v17, v22;
	s0 =	sadd.s32 $0x100, s0;
	v26 =	vld.idx.msk [tilespmem:v27+s10+$0x0], $0xffff  }
0x1c0: {  	v11 =	vor.u32 v3, v21;
	v20 =	vadd.f32 v5, v20;
	v21 =	vld [tilespmem:s0+$0xC0];
	[tilespmem:s24+$0x60] =	vst v19;
	v19 =	vadd.f32 v4, v28  }
0x1c1: {  	v4 =	vmov v33;
	v22 =	vld.idx.msk [tilespmem:v29+s10+$0x0], $0xffff;
	[tilespmem:s24+$0xA0] =	vst v25  }
0x1c2: {  	v25 =	vld.idx.msk [tilespmem:v34+s10+$0x0], $0xffff;
	[tilespmem:s24+$0x20] =	vst v17;
	v5 =	vmov v36  }
0x1c3: {  	v27 =	vor.u32 v1, v9;
	v17 =	vld [tilespmem:s0+$0x0];
	[tilespmem:s31+$0xB0] =	vst v20  }
0x1c4: {  	v28 =	vld [tilespmem:s0+$0x40];
	[tilespmem:s31+$0x30] =	vst v19;
	s31 =	smov.u32 s24;
	s24 =	smov.u32 s0  }
0x1c5: {  	v19 =	vld [tilespmem:s0+$0x80];
	v26 =	vadd.f32 v21, v26  }
0x1c6: {  	v20 =	vld [tilespmem:s0+$0x10]  }
0x1c7: {  	v21 =	vld [tilespmem:s0+$0x50];
	[tilespmem:s0+$0xC0] =	vst v26  }
0x1c8: {  	v17 =	vadd.f32 v17, v23;
	v27 =	vld.idx.msk [tilespmem:v27+s10+$0x0], $0xffff  }
0x1c9: {  	v26 =	vadd.f32 v28, v22;
	v28 =	vld [tilespmem:s0+$0xD0]  }
0x1ca: {  	[tilespmem:s0+$0x0] =	vst v17;
	v17 =	vadd.f32 v19, v25;
	v22 =	vld [tilespmem:s0+$0x90]  }
.Ltmp18:
0x1cb: {  	v23 =	vld.idx.msk [tilespmem:v24+s10+$0x0], $0xffff;
	[tilespmem:s0+$0x40] =	vst v26;
	(pc) =	sbr.rel @p0 .LBB2_33-.Ltmp18, $4  }
0x1cc: {  	v26 =	vor.u32 v2, v9;
	v24 =	vld.idx.msk [tilespmem:v30+s10+$0x0], $0xffff;
	[tilespmem:s0+$0x80] =	vst v17  }
0x1cd: {  	v25 =	vld.idx.msk [tilespmem:v35+s10+$0x0], $0xffff  }
0x1ce: {  	v17 =	vld [tilespmem:s0+$0x20];
	v27 =	vadd.f32 v28, v27  }
0x1cf: {  	v14 =	vadd.s32 $0x4, v14;
	v19 =	vld [tilespmem:s0+$0x60]  }
0x1d0: {  	_ =	sdelay $0x1  }
0x1d1: {  	v57 =	vld [tilespmem:s0+$0xE0]  }
0x1d2: {  	v58 =	vld [tilespmem:s0+$0xA0]  }
0x1d3: {  	v10 =	vld.idx.msk [tilespmem:v10+s10+$0x0], $0xffff  }
0x1d4: {  	[tilespmem:s0+$0xD0] =	vst v27;
	v59 =	vld [tilespmem:s0+$0xF0];
	v21 =	vadd.f32 v21, v24  }
0x1d5: {  	v14 =	vld.idx.msk [tilespmem:v26+s10+$0x0], $0xffff;
	v22 =	vadd.f32 v22, v25  }
0x1d6: {  	v20 =	vadd.f32 v20, v23;
	v7 =	vld.idx.msk [tilespmem:v7+s10+$0x0], $0xffff;
	[tilespmem:s0+$0x50] =	vst v21  }
0x1d7: {  	[tilespmem:s0+$0x90] =	vst v22;
	v15 =	vld.idx.msk [tilespmem:v15+s10+$0x0], $0xffff  }
0x1d8: {  	v9 =	vor.u32 v3, v9;
	[tilespmem:s0+$0x10] =	vst v20;
	v16 =	vld.idx.msk [tilespmem:v16+s10+$0x0], $0xffff  }
0x1d9: {  	v12 =	vld.idx.msk [tilespmem:v12+s10+$0x0], $0xffff  }
0x1da: {  	v8 =	vld.idx.msk [tilespmem:v8+s10+$0x0], $0xffff;
	v14 =	vadd.f32 v57, v14  }
0x1db: {  	v60 =	vld [tilespmem:s0+$0x30]  }
0x1dc: {  	v61 =	vld [tilespmem:s0+$0x70];
	[tilespmem:s0+$0xE0] =	vst v14;
	v15 =	vadd.f32 v19, v15  }
0x1dd: {  	v9 =	vld.idx.msk [tilespmem:v9+s10+$0x0], $0xffff;
	v16 =	vadd.f32 v58, v16  }
0x1de: {  	v62 =	vld [tilespmem:s0+$0xB0];
	v12 =	vadd.f32 v17, v12;
	[tilespmem:s24+$0x60] =	vst v15  }
0x1df: {  	[tilespmem:s24+$0xA0] =	vst v16;
	v15 =	vld.idx.msk [tilespmem:v18+s10+$0x0], $0xffff  }
0x1e0: {  	v6 =	vadd.f32 v6, v10;
	[tilespmem:s24+$0x20] =	vst v12;
	v63 =	vld.idx.msk [tilespmem:v13+s10+$0x0], $0xffff  }
0x1e1: {  	v5 =	vadd.f32 v5, v7;
	v11 =	vld.idx.msk [tilespmem:v11+s10+$0x0], $0xffff  }
0x1e2: {  	[tilespmem:s31+$0x70] =	vst v6;
	v9 =	vadd.f32 v59, v9  }
0x1e3: {  	v4 =	vadd.f32 v4, v8;
	[tilespmem:s31+$0xB0] =	vst v5  }
0x1e4: {  	p0 =	sgt.u32 s30, $0x7B;
	[tilespmem:s0+$0xF0] =	vst v9;
	s0 =	smul.u32 $0xC8, s30;
	v5 =	vadd.f32 v61, v15  }
.Ltmp19:
0x1e5: {  	[tilespmem:s31+$0x30] =	vst v4;
	v4 =	vadd.f32 v62, v63;
	(pc) =	sbr.rel @p0 .LBB2_36-.Ltmp19, $4  }
0x1e6: {  	s15 =	sadd.s32 s6, s0;
	[tilespmem:s24+$0x70] =	vst v5;
	v5 =	vadd.f32 v60, v11  }
0x1e7: {  	s15 =	sshll.u32 s15, $0x3;
	[tilespmem:s24+$0xB0] =	vst v4  }
0x1e8: {  	s15 =	sadd.s32 s4, s15;
	[tilespmem:s24+$0x30] =	vst v5  }
0x1e9: {  	[hbm4b:s15+s5] =	stream.linear.scatter [tilespmem:s20], [sflag:$0xB], $0x3200, $0x38;
	[tilespmem:$0x165A0] =	vst v63  }
0x1ea: {  	s0 =	sadd.s32 s0, s22  }
0x1eb: {  	s0 =	sshrl.u32 s0, $0x3  }
0x1ec: {  	s24 =	simm.s32 $0x200;
	s15 =	sadd.s32 s1, s0  }
0x1ed: {  	[tilespmem:s24], [sflag:$0x3] =	stream.linear.gather [hbm4b:s15+s5], $0x80, $0x38;
	[tilespmem:$0x165A0] =	vst v63  }
.Ltmp20:
0x1ee: {  	_ = 	snop;
	(pc) =	sbr.rel .LBB2_37-.Ltmp20, $4  }
0x1ef: {  	s31 =	simm.s32 $0x280;
	s15 =	sadd.s32 $0x10, s15  }
0x1f0: {  	[tilespmem:s31], [sflag:$0x3] =	stream.linear.gather [hbm4b:s15+s5], $0x48, $0x38;
	[tilespmem:$0x165A0] =	vst v63  }
0x1f1: {  	s0 =	sadd.s32 s2, s0  }
0x1f2: {  	[tilespmem:s26], [sflag:$0x3] =	stream.linear.gather [hbm4b:s0+s5], $0xC8, $0x38;
	[tilespmem:$0x165A0] =	vst v63  }
.LBB2_26:
0x1f3: {  	_ =	swait.ge [sflag:s18], $0x2000;
	v4 =	vimm.s32 $0x0  }
0x1f4: {  	[sflag:s18] =	ssyncset.done $0x0;
	v5 =	vor.u32 $0x3, v4  }
0x1f5: {  	[sflag:s18] =	ssyncadd.s32 $0xFFFFE000  }
0x1f6: {  	_ =	swait.ge [sflag:s18], $0x1200  }
0x1f7: {  	v6 =	vor.u32 $0x1, v4;
	[sflag:s18] =	ssyncset.done $0x0  }
0x1f8: {  	[sflag:s18] =	ssyncadd.s32 $0xFFFFEE00  }
0x1f9: {  	v7 =	vor.u32 $0x2, v4;
	v8 =	vld.idx.msk [tilespmem:v5+s3+$0x0], $0xffff;
	_ =	sdelay $0x1  }
0x1fa: {  	v9 =	vld.idx.msk [tilespmem:v4+s3+$0x0], $0xffff  }
0x1fb: {  	v10 =	vld.idx.msk [tilespmem:v6+s3+$0x0], $0xffff;
	_ =	sdelay $0x1  }
0x1fc: {  	v11 =	vld.idx.msk [tilespmem:v7+s3+$0x0], $0xffff;
	v8 =	vmul.u32 $0x3200, v8  }
0x1fd: {  	v5 =	vshll.u32 v5, $0x6  }
0x1fe: {  	s31 =	simm.s32 $0x3A10;
	v9 =	vmul.u32 $0x3200, v9;
	v5 =	vadd.s32 v5, v8  }
0x1ff: {  	v13 =	vld [tilespmem:s31+$0xFFFFFFD0];
	v10 =	vmul.u32 $0x3200, v10;
	v8 =	vshll.u32 v4, $0x6;
	v12 =	vor.u32 v0, v5  }
0x200: {  	v28 =	vadd.s32 $0x4, v4;
	v6 =	vshll.u32 v6, $0x6;
	v15 =	vld [tilespmem:s31+$0xFFFFFF10];
	v8 =	vadd.s32 v8, v9  }
0x201: {  	v16 =	vld [tilespmem:s31+$0xFFFFFF50];
	v10 =	vadd.s32 v6, v10;
	v9 =	vmul.u32 $0x3200, v11;
	v11 =	vor.u32 v0, v8  }
0x202: {  	v7 =	vshll.u32 v7, $0x6;
	v18 =	vld [tilespmem:s31+$0xFFFFFF20];
	v6 =	vor.u32 v0, v10  }
0x203: {  	v20 =	vld [tilespmem:s31+$0xFFFFFF60];
	v7 =	vadd.s32 v7, v9  }
0x204: {  	v9 =	vor.u32 v0, v7;
	v12 =	vld.idx.msk [tilespmem:v12+s10+$0x0], $0xffff  }
0x205: {  	v22 =	vld.idx.msk [tilespmem:v28+s3+$0x0], $0xffff  }
0x206: {  	v11 =	vld.idx.msk [tilespmem:v11+s10+$0x0], $0xffff  }
0x207: {  	v14 =	vor.u32 v1, v5;
	v6 =	vld.idx.msk [tilespmem:v6+s10+$0x0], $0xffff  }
0x208: {  	v25 =	vld [tilespmem:s31+$0xFFFFFFB0]  }
0x209: {  	v9 =	vld.idx.msk [tilespmem:v9+s10+$0x0], $0xffff;
	v12 =	vadd.f32 v13, v12  }
0x20a: {  	v13 =	vld [tilespmem:s31+$0xFFFFFF90]  }
0x20b: {  	v17 =	vor.u32 v1, v8;
	v11 =	vadd.f32 v15, v11;
	v15 =	vld [tilespmem:s31+$0xFFFFFFE0];
	[tilespmem:s31+$0xFFFFFFD0] =	vst v12  }
0x20c: {  	s0 =	simm.s32 $0x3B10;
	v6 =	vadd.f32 v16, v6;
	v12 =	vor.u32 v1, v10;
	v14 =	vld.idx.msk [tilespmem:v14+s10+$0x0], $0xffff  }
0x20d: {  	v31 =	vld [tilespmem:s0+$0xFFFFFF50];
	v19 =	vor.u32 v1, v7  }
0x20e: {  	v32 =	vld [tilespmem:s0+$0xFFFFFF90];
	[tilespmem:s31+$0xFFFFFF50] =	vst v6  }
0x20f: {  	v6 =	vor.u32 v2, v5;
	[tilespmem:s31+$0xFFFFFF10] =	vst v11;
	v11 =	vld [tilespmem:s31+$0xFFFFFFA0];
	v9 =	vadd.f32 v13, v9  }
0x210: {  	v13 =	vld.idx.msk [tilespmem:v17+s10+$0x0], $0xffff  }
0x211: {  	v4 =	vor.u32 $0x3, v28;
	v12 =	vld.idx.msk [tilespmem:v12+s10+$0x0], $0xffff;
	[tilespmem:s31+$0xFFFFFF90] =	vst v9;
	v14 =	vadd.f32 v15, v14  }
0x212: {  	v9 =	vld.idx.msk [tilespmem:v19+s10+$0x0], $0xffff  }
0x213: {  	v16 =	vor.u32 $0x2, v28;
	v19 =	vld [tilespmem:s31+$0xFFFFFFF0];
	[tilespmem:s31+$0xFFFFFFE0] =	vst v14  }
0x214: {  	v14 =	vor.u32 $0x1, v28;
	v6 =	vld.idx.msk [tilespmem:v6+s10+$0x0], $0xffff  }
0x215: {  	v62 =	vld [tilespmem:s0+$0xFFFFFFE0]  }
0x216: {  	v24 =	vld.idx.msk [tilespmem:v4+s3+$0x0], $0xffff;
	v12 =	vadd.f32 v20, v12  }
0x217: {  	v21 =	vor.u32 v2, v10;
	v17 =	vld [tilespmem:s31+$0xFFFFFF30];
	v13 =	vadd.f32 v18, v13  }
0x218: {  	v23 =	vor.u32 v2, v7;
	v9 =	vadd.f32 v11, v9;
	[tilespmem:s31+$0xFFFFFF60] =	vst v12;
	v12 =	vld.idx.msk [tilespmem:v16+s3+$0x0], $0xffff  }
0x219: {  	v5 =	vor.u32 v3, v5;
	[tilespmem:s31+$0xFFFFFF20] =	vst v13;
	v11 =	vld.idx.msk [tilespmem:v14+s3+$0x0], $0xffff;
	v6 =	vadd.f32 v19, v6  }
0x21a: {  	v15 =	vld [tilespmem:s31+$0xFFFFFF70];
	[tilespmem:s31+$0xFFFFFFA0] =	vst v9  }
0x21b: {  	v13 =	vld [tilespmem:s31+$0x0];
	v9 =	vmul.u32 $0x3200, v22;
	[tilespmem:s31+$0xFFFFFFF0] =	vst v6;
	v6 =	vmul.u32 $0x3200, v24  }
0x21c: {  	v4 =	vshll.u32 v4, $0x6;
	v20 =	vor.u32 v2, v8;
	v19 =	vld.idx.msk [tilespmem:v21+s10+$0x0], $0xffff;
	v21 =	vshll.u32 v28, $0x6  }
0x21d: {  	v18 =	vld.idx.msk [tilespmem:v23+s10+$0x0], $0xffff;
	v26 =	vadd.s32 v21, v9;
	v9 =	vadd.s32 v4, v6  }
0x21e: {  	v22 =	vld.idx.msk [tilespmem:v5+s10+$0x0], $0xffff;
	v5 =	vmul.u32 $0x3200, v11;
	v6 =	vmul.u32 $0x3200, v12;
	v12 =	vor.u32 v0, v9  }
0x21f: {  	v21 =	vld [tilespmem:s0+$0xFFFFFFD0];
	v4 =	vshll.u32 v14, $0x6  }
0x220: {  	v16 =	vshll.u32 v16, $0x6;
	v24 =	vld [tilespmem:s0+$0xFFFFFF10];
	v11 =	vor.u32 v0, v26;
	v27 =	vadd.s32 v4, v5  }
0x221: {  	v14 =	vld.idx.msk [tilespmem:v20+s10+$0x0], $0xffff;
	v29 =	vadd.s32 v16, v6;
	v20 =	vor.u32 v0, v27  }
0x222: {  	v4 =	vld [tilespmem:s31+$0xFFFFFF40];
	v16 =	vor.u32 v0, v29  }
0x223: {  	v12 =	vld.idx.msk [tilespmem:v12+s10+$0x0], $0xffff  }
0x224: {  	v6 =	vld [tilespmem:s31+$0xFFFFFF80]  }
0x225: {  	v11 =	vld.idx.msk [tilespmem:v11+s10+$0x0], $0xffff  }
0x226: {  	v30 =	vor.u32 v1, v9;
	v23 =	vld.idx.msk [tilespmem:v20+s10+$0x0], $0xffff  }
0x227: {  	v19 =	vadd.f32 v15, v19;
	v16 =	vld.idx.msk [tilespmem:v16+s10+$0x0], $0xffff  }
0x228: {  	v5 =	vld [tilespmem:s31+$0xFFFFFFC0];
	v12 =	vadd.f32 v21, v12  }
0x229: {  	v33 =	vor.u32 v1, v26;
	[tilespmem:s31+$0xFFFFFF70] =	vst v19;
	v19 =	vld [tilespmem:s0+$0xFFFFFF70];
	v13 =	vadd.f32 v13, v22  }
0x22a: {  	v34 =	vor.u32 v1, v27;
	v22 =	vld [tilespmem:s0+$0xFFFFFFA0];
	v11 =	vadd.f32 v24, v11;
	[tilespmem:s0+$0xFFFFFFD0] =	vst v12  }
0x22b: {  	v35 =	vor.u32 v1, v29;
	[tilespmem:s31+$0x0] =	vst v13;
	v13 =	vadd.f32 v31, v23;
	v30 =	vld.idx.msk [tilespmem:v30+s10+$0x0], $0xffff  }
0x22c: {  	v7 =	vor.u32 v3, v7;
	v20 =	vld [tilespmem:s0+$0xFFFFFF20];
	[tilespmem:s0+$0xFFFFFF10] =	vst v11;
	v11 =	vadd.f32 v32, v16  }
0x22d: {  	v10 =	vor.u32 v3, v10;
	v63 =	vadd.f32 v25, v18;
	v21 =	vld [tilespmem:s0+$0xFFFFFF60];
	v12 =	vor.u32 v2, v26;
	[tilespmem:s0+$0xFFFFFF50] =	vst v13  }
0x22e: {  	v23 =	vld.idx.msk [tilespmem:v33+s10+$0x0], $0xffff;
	[tilespmem:s0+$0xFFFFFF90] =	vst v11;
	v11 =	vor.u32 v3, v26;
	v26 =	vor.u32 v2, v9  }
0x22f: {  	v8 =	vor.u32 v3, v8;
	v15 =	vor.u32 v2, v27;
	v14 =	vadd.f32 v17, v14;
	v24 =	vld.idx.msk [tilespmem:v34+s10+$0x0], $0xffff  }
0x230: {  	v18 =	vor.u32 v3, v27;
	[tilespmem:s31+$0xFFFFFFB0] =	vst v63;
	v25 =	vld.idx.msk [tilespmem:v35+s10+$0x0], $0xffff;
	v27 =	vadd.f32 v62, v30  }
0x231: {  	s15 =	simm.s32 $0x4;
	s24 =	simm.s32 $0x3B10;
	v17 =	vld [tilespmem:s0+$0xFFFFFF30];
	[tilespmem:s31+$0xFFFFFF30] =	vst v14;
	v14 =	vadd.s32 $0x4, v28;
	v16 =	vor.u32 v2, v29;
	v13 =	vor.u32 v3, v29  }
.LBB2_27:
0x232: {  	v28 =	vor.u32 $0x1, v14;
	v29 =	vor.u32 $0x2, v14;
	v30 =	vor.u32 $0x3, v14;
	s15 =	sadd.s32 $0x4, s15;
	v31 =	vld [tilespmem:s0+$0xFFFFFFB0];
	[tilespmem:s0+$0xFFFFFFE0] =	vst v27  }
0x233: {  	v27 =	vshll.u32 v14, $0x6;
	v32 =	vshll.u32 v28, $0x6;
	v33 =	vshll.u32 v29, $0x6;
	p0 =	slt.u32 s15, $0xC4;
	v26 =	vld.idx.msk [tilespmem:v26+s10+$0x0], $0xffff  }
0x234: {  	v20 =	vadd.f32 v20, v23;
	v21 =	vadd.f32 v21, v24;
	v23 =	vld [tilespmem:s0+$0xFFFFFFF0]  }
0x235: {  	v22 =	vadd.f32 v22, v25;
	v24 =	vld.idx.msk [tilespmem:v10+s10+$0x0], $0xffff;
	v10 =	vmov v18  }
0x236: {  	v18 =	vld.idx.msk [tilespmem:v14+s3+$0x0], $0xffff;
	[tilespmem:s0+$0xFFFFFF60] =	vst v21  }
0x237: {  	v9 =	vor.u32 v3, v9;
	v21 =	vld.idx.msk [tilespmem:v30+s3+$0x0], $0xffff;
	[tilespmem:s0+$0xFFFFFFA0] =	vst v22  }
0x238: {  	v22 =	vld.idx.msk [tilespmem:v28+s3+$0x0], $0xffff;
	[tilespmem:s0+$0xFFFFFF20] =	vst v20  }
0x239: {  	v20 =	vld.idx.msk [tilespmem:v29+s3+$0x0], $0xffff;
	v23 =	vadd.f32 v23, v26  }
0x23a: {  	v25 =	vld.idx.msk [tilespmem:v15+s10+$0x0], $0xffff  }
0x23b: {  	v6 =	vadd.f32 v6, v24;
	v26 =	vld.idx.msk [tilespmem:v16+s10+$0x0], $0xffff;
	[tilespmem:s0+$0xFFFFFFF0] =	vst v23  }
0x23c: {  	v15 =	vmul.u32 $0x3200, v18;
	v16 =	vld.idx.msk [tilespmem:v9+s10+$0x0], $0xffff  }
0x23d: {  	v9 =	vmul.u32 $0x3200, v21;
	v18 =	vld [tilespmem:s0+$0x0];
	[tilespmem:s31+$0xFFFFFF80] =	vst v6  }
0x23e: {  	v21 =	vadd.s32 v27, v15;
	v6 =	vmul.u32 $0x3200, v22;
	v15 =	vshll.u32 v30, $0x6;
	v22 =	vld.idx.msk [tilespmem:v12+s10+$0x0], $0xffff  }
0x23f: {  	v23 =	vor.u32 v0, v21;
	v12 =	vmul.u32 $0x3200, v20;
	v9 =	vadd.s32 v15, v9;
	v20 =	vld.idx.msk [tilespmem:v7+s10+$0x0], $0xffff;
	v7 =	vmovc v13  }
0x240: {  	v24 =	vor.u32 v1, v21;
	v13 =	vadd.s32 v32, v6;
	v27 =	vor.u32 v0, v9;
	v28 =	vld.idx.msk [tilespmem:v8+s10+$0x0], $0xffff  }
0x241: {  	v29 =	vor.u32 v0, v13;
	v30 =	vor.u32 v1, v13;
	v32 =	vadd.s32 v33, v12;
	v8 =	vmovc v11;
	v33 =	vld [tilespmem:s0+$0xFFFFFF40]  }
0x242: {  	v34 =	vor.u32 v0, v32;
	v35 =	vor.u32 v1, v32;
	v6 =	vld [tilespmem:s0+$0xFFFFFF80];
	v11 =	vadd.f32 v18, v16  }
0x243: {  	v12 =	vor.u32 v2, v21;
	v15 =	vor.u32 v2, v13;
	v16 =	vor.u32 v2, v32;
	v36 =	vld [tilespmem:s0+$0xFFFFFFC0]  }
0x244: {  	v19 =	vadd.f32 v19, v25;
	v25 =	vadd.f32 v31, v26;
	v23 =	vld.idx.msk [tilespmem:v23+s10+$0x0], $0xffff;
	[tilespmem:s0+$0x0] =	vst v11  }
0x245: {  	v18 =	vor.u32 v3, v13;
	v13 =	vor.u32 v3, v32;
	v17 =	vadd.f32 v17, v22;
	s0 =	sadd.s32 $0x100, s0;
	v26 =	vld.idx.msk [tilespmem:v27+s10+$0x0], $0xffff  }
0x246: {  	v11 =	vor.u32 v3, v21;
	v20 =	vadd.f32 v5, v20;
	v21 =	vld [tilespmem:s0+$0xFFFFFFD0];
	[tilespmem:s24+$0xFFFFFF70] =	vst v19;
	v19 =	vadd.f32 v4, v28  }
0x247: {  	v4 =	vmov v33;
	v22 =	vld.idx.msk [tilespmem:v29+s10+$0x0], $0xffff;
	[tilespmem:s24+$0xFFFFFFB0] =	vst v25  }
0x248: {  	v25 =	vld.idx.msk [tilespmem:v34+s10+$0x0], $0xffff;
	[tilespmem:s24+$0xFFFFFF30] =	vst v17;
	v5 =	vmov v36  }
0x249: {  	v27 =	vor.u32 v1, v9;
	v17 =	vld [tilespmem:s0+$0xFFFFFF10];
	[tilespmem:s31+$0xFFFFFFC0] =	vst v20  }
0x24a: {  	v28 =	vld [tilespmem:s0+$0xFFFFFF50];
	[tilespmem:s31+$0xFFFFFF40] =	vst v19;
	s31 =	smov.u32 s24;
	s24 =	smov.u32 s0  }
0x24b: {  	v19 =	vld [tilespmem:s0+$0xFFFFFF90];
	v26 =	vadd.f32 v21, v26  }
0x24c: {  	v20 =	vld [tilespmem:s0+$0xFFFFFF20]  }
0x24d: {  	v21 =	vld [tilespmem:s0+$0xFFFFFF60];
	[tilespmem:s0+$0xFFFFFFD0] =	vst v26  }
0x24e: {  	v17 =	vadd.f32 v17, v23;
	v27 =	vld.idx.msk [tilespmem:v27+s10+$0x0], $0xffff  }
0x24f: {  	v26 =	vadd.f32 v28, v22;
	v28 =	vld [tilespmem:s0+$0xFFFFFFE0]  }
0x250: {  	[tilespmem:s0+$0xFFFFFF10] =	vst v17;
	v17 =	vadd.f32 v19, v25;
	v22 =	vld [tilespmem:s0+$0xFFFFFFA0]  }
.Ltmp21:
0x251: {  	v23 =	vld.idx.msk [tilespmem:v24+s10+$0x0], $0xffff;
	[tilespmem:s0+$0xFFFFFF50] =	vst v26;
	(pc) =	sbr.rel @p0 .LBB2_27-.Ltmp21, $4  }
0x252: {  	v26 =	vor.u32 v2, v9;
	v24 =	vld.idx.msk [tilespmem:v30+s10+$0x0], $0xffff;
	[tilespmem:s0+$0xFFFFFF90] =	vst v17  }
0x253: {  	v25 =	vld.idx.msk [tilespmem:v35+s10+$0x0], $0xffff  }
0x254: {  	v17 =	vld [tilespmem:s0+$0xFFFFFF30];
	v27 =	vadd.f32 v28, v27  }
0x255: {  	v14 =	vadd.s32 $0x4, v14;
	v19 =	vld [tilespmem:s0+$0xFFFFFF70]  }
0x256: {  	_ =	sdelay $0x1  }
0x257: {  	v57 =	vld [tilespmem:s0+$0xFFFFFFF0]  }
0x258: {  	v58 =	vld [tilespmem:s0+$0xFFFFFFB0]  }
0x259: {  	v10 =	vld.idx.msk [tilespmem:v10+s10+$0x0], $0xffff  }
0x25a: {  	[tilespmem:s0+$0xFFFFFFE0] =	vst v27;
	v59 =	vld [tilespmem:s0+$0x0];
	v21 =	vadd.f32 v21, v24  }
0x25b: {  	v14 =	vld.idx.msk [tilespmem:v26+s10+$0x0], $0xffff;
	v22 =	vadd.f32 v22, v25  }
0x25c: {  	v20 =	vadd.f32 v20, v23;
	v7 =	vld.idx.msk [tilespmem:v7+s10+$0x0], $0xffff;
	[tilespmem:s0+$0xFFFFFF60] =	vst v21  }
0x25d: {  	[tilespmem:s0+$0xFFFFFFA0] =	vst v22;
	v15 =	vld.idx.msk [tilespmem:v15+s10+$0x0], $0xffff  }
0x25e: {  	v9 =	vor.u32 v3, v9;
	[tilespmem:s0+$0xFFFFFF20] =	vst v20;
	v16 =	vld.idx.msk [tilespmem:v16+s10+$0x0], $0xffff  }
0x25f: {  	v12 =	vld.idx.msk [tilespmem:v12+s10+$0x0], $0xffff  }
0x260: {  	v8 =	vld.idx.msk [tilespmem:v8+s10+$0x0], $0xffff;
	v14 =	vadd.f32 v57, v14  }
0x261: {  	v60 =	vld [tilespmem:s0+$0xFFFFFF40]  }
0x262: {  	v61 =	vld [tilespmem:s0+$0xFFFFFF80];
	[tilespmem:s0+$0xFFFFFFF0] =	vst v14;
	v15 =	vadd.f32 v19, v15  }
0x263: {  	v9 =	vld.idx.msk [tilespmem:v9+s10+$0x0], $0xffff;
	v16 =	vadd.f32 v58, v16  }
0x264: {  	v62 =	vld [tilespmem:s0+$0xFFFFFFC0];
	v12 =	vadd.f32 v17, v12;
	[tilespmem:s24+$0xFFFFFF70] =	vst v15  }
0x265: {  	[tilespmem:s24+$0xFFFFFFB0] =	vst v16;
	v15 =	vld.idx.msk [tilespmem:v18+s10+$0x0], $0xffff  }
0x266: {  	v6 =	vadd.f32 v6, v10;
	[tilespmem:s24+$0xFFFFFF30] =	vst v12;
	v63 =	vld.idx.msk [tilespmem:v13+s10+$0x0], $0xffff  }
0x267: {  	v5 =	vadd.f32 v5, v7;
	v11 =	vld.idx.msk [tilespmem:v11+s10+$0x0], $0xffff  }
0x268: {  	[tilespmem:s31+$0xFFFFFF80] =	vst v6;
	v9 =	vadd.f32 v59, v9  }
0x269: {  	v4 =	vadd.f32 v4, v8;
	[tilespmem:s31+$0xFFFFFFC0] =	vst v5  }
0x26a: {  	p0 =	sgt.u32 s30, $0x7B;
	[tilespmem:s0+$0x0] =	vst v9;
	s0 =	smul.u32 $0xC8, s30;
	v5 =	vadd.f32 v61, v15  }
.Ltmp22:
0x26b: {  	[tilespmem:s31+$0xFFFFFF40] =	vst v4;
	v4 =	vadd.f32 v62, v63;
	(pc) =	sbr.rel @p0 .LBB2_30-.Ltmp22, $4  }
0x26c: {  	s15 =	sadd.s32 s6, s0;
	[tilespmem:s24+$0xFFFFFF80] =	vst v5;
	v5 =	vadd.f32 v60, v11  }
0x26d: {  	s15 =	sshll.u32 s15, $0x3;
	[tilespmem:s24+$0xFFFFFFC0] =	vst v4  }
0x26e: {  	s15 =	sadd.s32 s4, s15;
	[tilespmem:s24+$0xFFFFFF40] =	vst v5  }
0x26f: {  	[hbm4b:s15+s5] =	stream.linear.scatter [tilespmem:s17], [sflag:$0xA], $0x3200, $0x38;
	[tilespmem:$0x165A0] =	vst v63  }
0x270: {  	s0 =	sadd.s32 s0, s22  }
0x271: {  	s0 =	sshrl.u32 s0, $0x3  }
0x272: {  	s24 =	simm.s32 $0x100;
	s15 =	sadd.s32 s1, s0  }
0x273: {  	[tilespmem:s24], [sflag:$0x2] =	stream.linear.gather [hbm4b:s15+s5], $0x80, $0x38;
	[tilespmem:$0x165A0] =	vst v63  }
.Ltmp23:
0x274: {  	_ = 	snop;
	(pc) =	sbr.rel .LBB2_31-.Ltmp23, $4  }
0x275: {  	s31 =	simm.s32 $0x180;
	s15 =	sadd.s32 $0x10, s15  }
0x276: {  	[tilespmem:s31], [sflag:$0x2] =	stream.linear.gather [hbm4b:s15+s5], $0x48, $0x38;
	[tilespmem:$0x165A0] =	vst v63  }
0x277: {  	s0 =	sadd.s32 s2, s0  }
0x278: {  	[tilespmem:s3], [sflag:$0x2] =	stream.linear.gather [hbm4b:s0+s5], $0xC8, $0x38;
	[tilespmem:$0x165A0] =	vst v63  }
.LBB2_39:
0x279: {  	_ =	swait.ge [sflag:s8], $0x2000;
	v4 =	vimm.s32 $0x0  }
0x27a: {  	[sflag:s8] =	ssyncset.done $0x0;
	v5 =	vor.u32 $0x3, v4  }
0x27b: {  	[sflag:s8] =	ssyncadd.s32 $0xFFFFE000  }
0x27c: {  	_ =	swait.ge [sflag:s8], $0x1200  }
0x27d: {  	v6 =	vor.u32 $0x1, v4;
	[sflag:s8] =	ssyncset.done $0x0  }
0x27e: {  	[sflag:s8] =	ssyncadd.s32 $0xFFFFEE00  }
0x27f: {  	v7 =	vor.u32 $0x2, v4;
	v8 =	vld.idx.msk [tilespmem:v5+s11+$0x0], $0xffff;
	_ =	sdelay $0x1  }
0x280: {  	v9 =	vld.idx.msk [tilespmem:v4+s11+$0x0], $0xffff  }
0x281: {  	v10 =	vld.idx.msk [tilespmem:v6+s11+$0x0], $0xffff;
	_ =	sdelay $0x1  }
0x282: {  	v11 =	vld.idx.msk [tilespmem:v7+s11+$0x0], $0xffff;
	v8 =	vmul.u32 $0x3200, v8  }
0x283: {  	v5 =	vshll.u32 v5, $0x6  }
0x284: {  	s31 =	simm.s32 $0x9D20;
	v9 =	vmul.u32 $0x3200, v9;
	v5 =	vadd.s32 v5, v8  }
0x285: {  	v13 =	vld [tilespmem:s31+$0xC0];
	v10 =	vmul.u32 $0x3200, v10;
	v8 =	vshll.u32 v4, $0x6;
	v12 =	vor.u32 v0, v5  }
0x286: {  	v28 =	vadd.s32 $0x4, v4;
	v6 =	vshll.u32 v6, $0x6;
	v15 =	vld [tilespmem:s31+$0x0];
	v8 =	vadd.s32 v8, v9  }
0x287: {  	v16 =	vld [tilespmem:s31+$0x40];
	v10 =	vadd.s32 v6, v10;
	v9 =	vmul.u32 $0x3200, v11;
	v11 =	vor.u32 v0, v8  }
0x288: {  	v7 =	vshll.u32 v7, $0x6;
	v18 =	vld [tilespmem:s31+$0x10];
	v6 =	vor.u32 v0, v10  }
0x289: {  	v20 =	vld [tilespmem:s31+$0x50];
	v7 =	vadd.s32 v7, v9  }
0x28a: {  	v9 =	vor.u32 v0, v7;
	v12 =	vld.idx.msk [tilespmem:v12+s10+$0x0], $0xffff  }
0x28b: {  	v22 =	vld.idx.msk [tilespmem:v28+s11+$0x0], $0xffff  }
0x28c: {  	v11 =	vld.idx.msk [tilespmem:v11+s10+$0x0], $0xffff  }
0x28d: {  	v14 =	vor.u32 v1, v5;
	v6 =	vld.idx.msk [tilespmem:v6+s10+$0x0], $0xffff  }
0x28e: {  	v25 =	vld [tilespmem:s31+$0xA0]  }
0x28f: {  	v9 =	vld.idx.msk [tilespmem:v9+s10+$0x0], $0xffff;
	v12 =	vadd.f32 v13, v12  }
0x290: {  	v13 =	vld [tilespmem:s31+$0x80]  }
0x291: {  	v17 =	vor.u32 v1, v8;
	v11 =	vadd.f32 v15, v11;
	v15 =	vld [tilespmem:s31+$0xD0];
	[tilespmem:s31+$0xC0] =	vst v12  }
0x292: {  	s0 =	simm.s32 $0x9E20;
	v6 =	vadd.f32 v16, v6;
	v12 =	vor.u32 v1, v10;
	v14 =	vld.idx.msk [tilespmem:v14+s10+$0x0], $0xffff  }
0x293: {  	v31 =	vld [tilespmem:s0+$0x40];
	v19 =	vor.u32 v1, v7  }
0x294: {  	v32 =	vld [tilespmem:s0+$0x80];
	[tilespmem:s31+$0x40] =	vst v6  }
0x295: {  	v6 =	vor.u32 v2, v5;
	[tilespmem:s31+$0x0] =	vst v11;
	v11 =	vld [tilespmem:s31+$0x90];
	v9 =	vadd.f32 v13, v9  }
0x296: {  	v13 =	vld.idx.msk [tilespmem:v17+s10+$0x0], $0xffff  }
0x297: {  	v4 =	vor.u32 $0x3, v28;
	v12 =	vld.idx.msk [tilespmem:v12+s10+$0x0], $0xffff;
	[tilespmem:s31+$0x80] =	vst v9;
	v14 =	vadd.f32 v15, v14  }
0x298: {  	v9 =	vld.idx.msk [tilespmem:v19+s10+$0x0], $0xffff  }
0x299: {  	v16 =	vor.u32 $0x2, v28;
	v19 =	vld [tilespmem:s31+$0xE0];
	[tilespmem:s31+$0xD0] =	vst v14  }
0x29a: {  	v14 =	vor.u32 $0x1, v28;
	v6 =	vld.idx.msk [tilespmem:v6+s10+$0x0], $0xffff  }
0x29b: {  	v62 =	vld [tilespmem:s0+$0xD0]  }
0x29c: {  	v24 =	vld.idx.msk [tilespmem:v4+s11+$0x0], $0xffff;
	v12 =	vadd.f32 v20, v12  }
0x29d: {  	v21 =	vor.u32 v2, v10;
	v17 =	vld [tilespmem:s31+$0x20];
	v13 =	vadd.f32 v18, v13  }
0x29e: {  	v23 =	vor.u32 v2, v7;
	v9 =	vadd.f32 v11, v9;
	[tilespmem:s31+$0x50] =	vst v12;
	v12 =	vld.idx.msk [tilespmem:v16+s11+$0x0], $0xffff  }
0x29f: {  	v5 =	vor.u32 v3, v5;
	[tilespmem:s31+$0x10] =	vst v13;
	v11 =	vld.idx.msk [tilespmem:v14+s11+$0x0], $0xffff;
	v6 =	vadd.f32 v19, v6  }
0x2a0: {  	v15 =	vld [tilespmem:s31+$0x60];
	[tilespmem:s31+$0x90] =	vst v9  }
0x2a1: {  	v13 =	vld [tilespmem:s31+$0xF0];
	v9 =	vmul.u32 $0x3200, v22;
	[tilespmem:s31+$0xE0] =	vst v6;
	v6 =	vmul.u32 $0x3200, v24  }
0x2a2: {  	v4 =	vshll.u32 v4, $0x6;
	v20 =	vor.u32 v2, v8;
	v19 =	vld.idx.msk [tilespmem:v21+s10+$0x0], $0xffff;
	v21 =	vshll.u32 v28, $0x6  }
0x2a3: {  	v18 =	vld.idx.msk [tilespmem:v23+s10+$0x0], $0xffff;
	v26 =	vadd.s32 v21, v9;
	v9 =	vadd.s32 v4, v6  }
0x2a4: {  	v22 =	vld.idx.msk [tilespmem:v5+s10+$0x0], $0xffff;
	v5 =	vmul.u32 $0x3200, v11;
	v6 =	vmul.u32 $0x3200, v12;
	v12 =	vor.u32 v0, v9  }
0x2a5: {  	v21 =	vld [tilespmem:s0+$0xC0];
	v4 =	vshll.u32 v14, $0x6  }
0x2a6: {  	v16 =	vshll.u32 v16, $0x6;
	v24 =	vld [tilespmem:s0+$0x0];
	v11 =	vor.u32 v0, v26;
	v27 =	vadd.s32 v4, v5  }
0x2a7: {  	v14 =	vld.idx.msk [tilespmem:v20+s10+$0x0], $0xffff;
	v29 =	vadd.s32 v16, v6;
	v20 =	vor.u32 v0, v27  }
0x2a8: {  	v4 =	vld [tilespmem:s31+$0x30];
	v16 =	vor.u32 v0, v29  }
0x2a9: {  	v12 =	vld.idx.msk [tilespmem:v12+s10+$0x0], $0xffff  }
0x2aa: {  	v6 =	vld [tilespmem:s31+$0x70]  }
0x2ab: {  	v11 =	vld.idx.msk [tilespmem:v11+s10+$0x0], $0xffff  }
0x2ac: {  	v30 =	vor.u32 v1, v9;
	v23 =	vld.idx.msk [tilespmem:v20+s10+$0x0], $0xffff  }
0x2ad: {  	v19 =	vadd.f32 v15, v19;
	v16 =	vld.idx.msk [tilespmem:v16+s10+$0x0], $0xffff  }
0x2ae: {  	v5 =	vld [tilespmem:s31+$0xB0];
	v12 =	vadd.f32 v21, v12  }
0x2af: {  	v33 =	vor.u32 v1, v26;
	[tilespmem:s31+$0x60] =	vst v19;
	v19 =	vld [tilespmem:s0+$0x60];
	v13 =	vadd.f32 v13, v22  }
0x2b0: {  	v34 =	vor.u32 v1, v27;
	v22 =	vld [tilespmem:s0+$0x90];
	v11 =	vadd.f32 v24, v11;
	[tilespmem:s0+$0xC0] =	vst v12  }
0x2b1: {  	v35 =	vor.u32 v1, v29;
	[tilespmem:s31+$0xF0] =	vst v13;
	v13 =	vadd.f32 v31, v23;
	v30 =	vld.idx.msk [tilespmem:v30+s10+$0x0], $0xffff  }
0x2b2: {  	v7 =	vor.u32 v3, v7;
	v20 =	vld [tilespmem:s0+$0x10];
	[tilespmem:s0+$0x0] =	vst v11;
	v11 =	vadd.f32 v32, v16  }
0x2b3: {  	v10 =	vor.u32 v3, v10;
	v63 =	vadd.f32 v25, v18;
	v21 =	vld [tilespmem:s0+$0x50];
	v12 =	vor.u32 v2, v26;
	[tilespmem:s0+$0x40] =	vst v13  }
0x2b4: {  	v23 =	vld.idx.msk [tilespmem:v33+s10+$0x0], $0xffff;
	[tilespmem:s0+$0x80] =	vst v11;
	v11 =	vor.u32 v3, v26;
	v26 =	vor.u32 v2, v9  }
0x2b5: {  	v8 =	vor.u32 v3, v8;
	v15 =	vor.u32 v2, v27;
	v14 =	vadd.f32 v17, v14;
	v24 =	vld.idx.msk [tilespmem:v34+s10+$0x0], $0xffff  }
0x2b6: {  	v18 =	vor.u32 v3, v27;
	[tilespmem:s31+$0xA0] =	vst v63;
	v25 =	vld.idx.msk [tilespmem:v35+s10+$0x0], $0xffff;
	v27 =	vadd.f32 v62, v30  }
0x2b7: {  	s15 =	simm.s32 $0x4;
	s24 =	simm.s32 $0x9E20;
	v17 =	vld [tilespmem:s0+$0x20];
	[tilespmem:s31+$0x20] =	vst v14;
	v14 =	vadd.s32 $0x4, v28;
	v16 =	vor.u32 v2, v29;
	v13 =	vor.u32 v3, v29  }
.LBB2_40:
0x2b8: {  	v28 =	vor.u32 $0x1, v14;
	v29 =	vor.u32 $0x2, v14;
	v30 =	vor.u32 $0x3, v14;
	s15 =	sadd.s32 $0x4, s15;
	v31 =	vld [tilespmem:s0+$0xA0];
	[tilespmem:s0+$0xD0] =	vst v27  }
0x2b9: {  	v27 =	vshll.u32 v14, $0x6;
	v32 =	vshll.u32 v28, $0x6;
	v33 =	vshll.u32 v29, $0x6;
	p0 =	slt.u32 s15, $0xC4;
	v26 =	vld.idx.msk [tilespmem:v26+s10+$0x0], $0xffff  }
0x2ba: {  	v20 =	vadd.f32 v20, v23;
	v21 =	vadd.f32 v21, v24;
	v23 =	vld [tilespmem:s0+$0xE0]  }
0x2bb: {  	v22 =	vadd.f32 v22, v25;
	v24 =	vld.idx.msk [tilespmem:v10+s10+$0x0], $0xffff;
	v10 =	vmov v18  }
0x2bc: {  	v18 =	vld.idx.msk [tilespmem:v14+s11+$0x0], $0xffff;
	[tilespmem:s0+$0x50] =	vst v21  }
0x2bd: {  	v9 =	vor.u32 v3, v9;
	v21 =	vld.idx.msk [tilespmem:v30+s11+$0x0], $0xffff;
	[tilespmem:s0+$0x90] =	vst v22  }
0x2be: {  	v22 =	vld.idx.msk [tilespmem:v28+s11+$0x0], $0xffff;
	[tilespmem:s0+$0x10] =	vst v20  }
0x2bf: {  	v20 =	vld.idx.msk [tilespmem:v29+s11+$0x0], $0xffff;
	v23 =	vadd.f32 v23, v26  }
0x2c0: {  	v25 =	vld.idx.msk [tilespmem:v15+s10+$0x0], $0xffff  }
0x2c1: {  	v6 =	vadd.f32 v6, v24;
	v26 =	vld.idx.msk [tilespmem:v16+s10+$0x0], $0xffff;
	[tilespmem:s0+$0xE0] =	vst v23  }
0x2c2: {  	v15 =	vmul.u32 $0x3200, v18;
	v16 =	vld.idx.msk [tilespmem:v9+s10+$0x0], $0xffff  }
0x2c3: {  	v9 =	vmul.u32 $0x3200, v21;
	v18 =	vld [tilespmem:s0+$0xF0];
	[tilespmem:s31+$0x70] =	vst v6  }
0x2c4: {  	v21 =	vadd.s32 v27, v15;
	v6 =	vmul.u32 $0x3200, v22;
	v15 =	vshll.u32 v30, $0x6;
	v22 =	vld.idx.msk [tilespmem:v12+s10+$0x0], $0xffff  }
0x2c5: {  	v23 =	vor.u32 v0, v21;
	v12 =	vmul.u32 $0x3200, v20;
	v9 =	vadd.s32 v15, v9;
	v20 =	vld.idx.msk [tilespmem:v7+s10+$0x0], $0xffff;
	v7 =	vmovc v13  }
0x2c6: {  	v24 =	vor.u32 v1, v21;
	v13 =	vadd.s32 v32, v6;
	v27 =	vor.u32 v0, v9;
	v28 =	vld.idx.msk [tilespmem:v8+s10+$0x0], $0xffff  }
0x2c7: {  	v29 =	vor.u32 v0, v13;
	v30 =	vor.u32 v1, v13;
	v32 =	vadd.s32 v33, v12;
	v8 =	vmovc v11;
	v33 =	vld [tilespmem:s0+$0x30]  }
0x2c8: {  	v34 =	vor.u32 v0, v32;
	v35 =	vor.u32 v1, v32;
	v6 =	vld [tilespmem:s0+$0x70];
	v11 =	vadd.f32 v18, v16  }
0x2c9: {  	v12 =	vor.u32 v2, v21;
	v15 =	vor.u32 v2, v13;
	v16 =	vor.u32 v2, v32;
	v36 =	vld [tilespmem:s0+$0xB0]  }
0x2ca: {  	v19 =	vadd.f32 v19, v25;
	v25 =	vadd.f32 v31, v26;
	v23 =	vld.idx.msk [tilespmem:v23+s10+$0x0], $0xffff;
	[tilespmem:s0+$0xF0] =	vst v11  }
0x2cb: {  	v18 =	vor.u32 v3, v13;
	v13 =	vor.u32 v3, v32;
	v17 =	vadd.f32 v17, v22;
	s0 =	sadd.s32 $0x100, s0;
	v26 =	vld.idx.msk [tilespmem:v27+s10+$0x0], $0xffff  }
0x2cc: {  	v11 =	vor.u32 v3, v21;
	v20 =	vadd.f32 v5, v20;
	v21 =	vld [tilespmem:s0+$0xC0];
	[tilespmem:s24+$0x60] =	vst v19;
	v19 =	vadd.f32 v4, v28  }
0x2cd: {  	v4 =	vmov v33;
	v22 =	vld.idx.msk [tilespmem:v29+s10+$0x0], $0xffff;
	[tilespmem:s24+$0xA0] =	vst v25  }
0x2ce: {  	v25 =	vld.idx.msk [tilespmem:v34+s10+$0x0], $0xffff;
	[tilespmem:s24+$0x20] =	vst v17;
	v5 =	vmov v36  }
0x2cf: {  	v27 =	vor.u32 v1, v9;
	v17 =	vld [tilespmem:s0+$0x0];
	[tilespmem:s31+$0xB0] =	vst v20  }
0x2d0: {  	v28 =	vld [tilespmem:s0+$0x40];
	[tilespmem:s31+$0x30] =	vst v19;
	s31 =	smov.u32 s24;
	s24 =	smov.u32 s0  }
0x2d1: {  	v19 =	vld [tilespmem:s0+$0x80];
	v26 =	vadd.f32 v21, v26  }
0x2d2: {  	v20 =	vld [tilespmem:s0+$0x10]  }
0x2d3: {  	v21 =	vld [tilespmem:s0+$0x50];
	[tilespmem:s0+$0xC0] =	vst v26  }
0x2d4: {  	v17 =	vadd.f32 v17, v23;
	v27 =	vld.idx.msk [tilespmem:v27+s10+$0x0], $0xffff  }
0x2d5: {  	v26 =	vadd.f32 v28, v22;
	v28 =	vld [tilespmem:s0+$0xD0]  }
0x2d6: {  	[tilespmem:s0+$0x0] =	vst v17;
	v17 =	vadd.f32 v19, v25;
	v22 =	vld [tilespmem:s0+$0x90]  }
.Ltmp24:
0x2d7: {  	v23 =	vld.idx.msk [tilespmem:v24+s10+$0x0], $0xffff;
	[tilespmem:s0+$0x40] =	vst v26;
	(pc) =	sbr.rel @p0 .LBB2_40-.Ltmp24, $4  }
0x2d8: {  	v26 =	vor.u32 v2, v9;
	v24 =	vld.idx.msk [tilespmem:v30+s10+$0x0], $0xffff;
	[tilespmem:s0+$0x80] =	vst v17  }
0x2d9: {  	v25 =	vld.idx.msk [tilespmem:v35+s10+$0x0], $0xffff  }
0x2da: {  	v17 =	vld [tilespmem:s0+$0x20];
	v27 =	vadd.f32 v28, v27  }
0x2db: {  	v14 =	vadd.s32 $0x4, v14;
	v19 =	vld [tilespmem:s0+$0x60]  }
0x2dc: {  	_ =	sdelay $0x1  }
0x2dd: {  	v57 =	vld [tilespmem:s0+$0xE0]  }
0x2de: {  	v58 =	vld [tilespmem:s0+$0xA0]  }
0x2df: {  	v10 =	vld.idx.msk [tilespmem:v10+s10+$0x0], $0xffff  }
0x2e0: {  	[tilespmem:s0+$0xD0] =	vst v27;
	v59 =	vld [tilespmem:s0+$0xF0];
	v21 =	vadd.f32 v21, v24  }
0x2e1: {  	v14 =	vld.idx.msk [tilespmem:v26+s10+$0x0], $0xffff;
	v22 =	vadd.f32 v22, v25  }
0x2e2: {  	v20 =	vadd.f32 v20, v23;
	v7 =	vld.idx.msk [tilespmem:v7+s10+$0x0], $0xffff;
	[tilespmem:s0+$0x50] =	vst v21  }
0x2e3: {  	[tilespmem:s0+$0x90] =	vst v22;
	v15 =	vld.idx.msk [tilespmem:v15+s10+$0x0], $0xffff  }
0x2e4: {  	v9 =	vor.u32 v3, v9;
	[tilespmem:s0+$0x10] =	vst v20;
	v16 =	vld.idx.msk [tilespmem:v16+s10+$0x0], $0xffff  }
0x2e5: {  	v12 =	vld.idx.msk [tilespmem:v12+s10+$0x0], $0xffff  }
0x2e6: {  	v8 =	vld.idx.msk [tilespmem:v8+s10+$0x0], $0xffff;
	v14 =	vadd.f32 v57, v14  }
0x2e7: {  	v60 =	vld [tilespmem:s0+$0x30]  }
0x2e8: {  	v61 =	vld [tilespmem:s0+$0x70];
	[tilespmem:s0+$0xE0] =	vst v14;
	v15 =	vadd.f32 v19, v15  }
0x2e9: {  	v9 =	vld.idx.msk [tilespmem:v9+s10+$0x0], $0xffff;
	v16 =	vadd.f32 v58, v16  }
0x2ea: {  	v62 =	vld [tilespmem:s0+$0xB0];
	v12 =	vadd.f32 v17, v12;
	[tilespmem:s24+$0x60] =	vst v15  }
0x2eb: {  	[tilespmem:s24+$0xA0] =	vst v16;
	v15 =	vld.idx.msk [tilespmem:v18+s10+$0x0], $0xffff  }
0x2ec: {  	v6 =	vadd.f32 v6, v10;
	[tilespmem:s24+$0x20] =	vst v12;
	v63 =	vld.idx.msk [tilespmem:v13+s10+$0x0], $0xffff  }
0x2ed: {  	v5 =	vadd.f32 v5, v7;
	v11 =	vld.idx.msk [tilespmem:v11+s10+$0x0], $0xffff  }
0x2ee: {  	[tilespmem:s31+$0x70] =	vst v6;
	v9 =	vadd.f32 v59, v9  }
0x2ef: {  	v4 =	vadd.f32 v4, v8;
	[tilespmem:s31+$0xB0] =	vst v5  }
0x2f0: {  	p0 =	sgt.u32 s30, $0x7B;
	[tilespmem:s0+$0xF0] =	vst v9;
	s0 =	smul.u32 $0xC8, s30;
	v5 =	vadd.f32 v61, v15  }
.Ltmp25:
0x2f1: {  	[tilespmem:s31+$0x30] =	vst v4;
	v4 =	vadd.f32 v62, v63;
	(pc) =	sbr.rel @!p0 .LBB2_42-.Ltmp25, $4  }
0x2f2: {  	s15 =	sadd.s32 s6, s0;
	[tilespmem:s24+$0x70] =	vst v5;
	v5 =	vadd.f32 v60, v11  }
0x2f3: {  	s15 =	sshll.u32 s15, $0x3;
	[tilespmem:s24+$0xB0] =	vst v4  }
0x2f4: {  	s31 =	simm.s32 $0x9D20;
	s15 =	sadd.s32 s4, s15;
	[tilespmem:s24+$0x30] =	vst v5  }
0x2f5: {  	[hbm4b:s15+s5] =	stream.linear.scatter [tilespmem:s31], [sflag:$0xC], $0x3200, $0x38;
	[tilespmem:$0x165A0] =	vst v63  }
0x2f6: {  	p0 =	sne.s32 s30, $0x7C  }
.Ltmp26:
0x2f7: {  	_ = 	snop;
	(pc) =	sbr.rel @p0 .LBB2_45-.Ltmp26, $4  }
.Ltmp27:
0x2f8: {  	_ = 	snop;
	(pc) =	sbr.rel @!p0 .LBB2_44-.Ltmp27, $4  }
0x2f9: {  	_ = 	snop  }
0x2fa: {  	_ = 	snop  }
0x2fb: {  	_ = 	snop  }
0x2fc: {  	_ = 	snop  }
.LBB2_24:
0x2fd: {  	p0 =	sne.s32 s30, $0x7C  }
.Ltmp28:
0x2fe: {  	_ = 	snop;
	(pc) =	sbr.rel @p0 .LBB2_45-.Ltmp28, $1  }
0x2ff: {  	_ =	sdelay $0x3  }
.LBB2_25:
0x300: {  	_ =	swait.ge [sflag:s25], $0x80  }
0x301: {  	[sflag:s25] =	ssyncset.done $0x0  }
0x302: {  	[sflag:s25] =	ssyncadd.s32 $0xFFFFFF80  }
0x303: {  	_ =	swait.ge [sflag:s25], $0x48  }
0x304: {  	[sflag:s25] =	ssyncset.done $0x0  }
0x305: {  	[sflag:s25] =	ssyncadd.s32 $0xFFFFFFB8  }
0x306: {  	_ =	swait.ge [sflag:s25], $0xC8  }
0x307: {  	p0 =	seq.s32 s30, $0x0;
	[sflag:s25] =	ssyncset.done $0x0  }
0x308: {  	s0 =	simm.s32 @!p0 $0xC;
	[sflag:s25] =	ssyncadd.s32 $0xFFFFFF38  }
0x309: {  	_ =	swait.ge @!p0 [sflag:s0], $0x3200  }
.Ltmp29:
0x30a: {  	[sflag:s0] =	ssyncset.done @!p0 $0x0;
	(pc) =	sbr.rel .LBB2_45-.Ltmp29, $4  }
0x30b: {  	s24 =	simm.s32 $0x9D20;
	[sflag:s0] =	ssyncadd.s32 @!p0 $0xFFFFCE00  }
0x30c: {  	[tilespmem:s24], [sflag:$0x8] =	stream.indirect.gather [hbm4b:s7+s28], $0x40, s9, s28, $0xb8;
	[tilespmem:$0x165A0] =	vst v63  }
0x30d: {  	s31 =	simm.s32 $0xBD20  }
0x30e: {  	[tilespmem:s31], [sflag:$0x8] =	stream.indirect.gather [hbm4b:s7+s14], $0x40, s13, s14, $0xb8;
	[tilespmem:$0x165A0] =	vst v63  }
.LBB2_36:
0x30f: {  	p0 =	sne.s32 s30, $0x7C  }
.Ltmp30:
0x310: {  	_ = 	snop;
	(pc) =	sbr.rel @p0 .LBB2_45-.Ltmp30, $1  }
0x311: {  	_ =	sdelay $0x3  }
.LBB2_37:
0x312: {  	_ =	swait.ge [sflag:s16], $0x80  }
0x313: {  	[sflag:s16] =	ssyncset.done $0x0  }
0x314: {  	[sflag:s16] =	ssyncadd.s32 $0xFFFFFF80  }
0x315: {  	_ =	swait.ge [sflag:s16], $0x48  }
0x316: {  	[sflag:s16] =	ssyncset.done $0x0  }
0x317: {  	[sflag:s16] =	ssyncadd.s32 $0xFFFFFFB8  }
0x318: {  	_ =	swait.ge [sflag:s16], $0xC8  }
0x319: {  	p0 =	seq.s32 s30, $0x0;
	[sflag:s16] =	ssyncset.done $0x0  }
0x31a: {  	s0 =	simm.s32 @!p0 $0xA;
	[sflag:s16] =	ssyncadd.s32 $0xFFFFFF38  }
0x31b: {  	_ =	swait.ge @!p0 [sflag:s0], $0x3200  }
.Ltmp31:
0x31c: {  	[sflag:s0] =	ssyncset.done @!p0 $0x0;
	(pc) =	sbr.rel .LBB2_45-.Ltmp31, $4  }
0x31d: {  	s24 =	simm.s32 $0x100;
	[sflag:s0] =	ssyncadd.s32 @!p0 $0xFFFFCE00  }
0x31e: {  	[tilespmem:s17], [sflag:$0x6] =	stream.indirect.gather [hbm4b:s7+s28], $0x40, s24, s28, $0xb8;
	[tilespmem:$0x165A0] =	vst v63  }
0x31f: {  	s31 =	simm.s32 $0x180;
	s15 =	simm.s32 $0x5920  }
0x320: {  	[tilespmem:s15], [sflag:$0x6] =	stream.indirect.gather [hbm4b:s7+s14], $0x40, s31, s14, $0xb8;
	[tilespmem:$0x165A0] =	vst v63  }
.LBB2_30:
0x321: {  	p0 =	sne.s32 s30, $0x7C  }
.Ltmp32:
0x322: {  	_ = 	snop;
	(pc) =	sbr.rel @p0 .LBB2_45-.Ltmp32, $1  }
0x323: {  	_ =	sdelay $0x3  }
.LBB2_31:
0x324: {  	_ =	swait.ge [sflag:s12], $0x80  }
0x325: {  	[sflag:s12] =	ssyncset.done $0x0  }
0x326: {  	[sflag:s12] =	ssyncadd.s32 $0xFFFFFF80  }
0x327: {  	_ =	swait.ge [sflag:s12], $0x48  }
0x328: {  	[sflag:s12] =	ssyncset.done $0x0  }
0x329: {  	[sflag:s12] =	ssyncadd.s32 $0xFFFFFFB8  }
0x32a: {  	_ =	swait.ge [sflag:s12], $0xC8  }
0x32b: {  	p0 =	seq.s32 s30, $0x0;
	[sflag:s12] =	ssyncset.done $0x0  }
0x32c: {  	s0 =	simm.s32 @!p0 $0x9;
	[sflag:s12] =	ssyncadd.s32 $0xFFFFFF38  }
0x32d: {  	_ =	swait.ge @!p0 [sflag:s0], $0x3200  }
.Ltmp33:
0x32e: {  	[sflag:s0] =	ssyncset.done @!p0 $0x0;
	(pc) =	sbr.rel .LBB2_45-.Ltmp33, $4  }
0x32f: {  	s24 =	simm.s32 $0x720;
	[sflag:s0] =	ssyncadd.s32 @!p0 $0xFFFFCE00  }
0x330: {  	[tilespmem:s24], [sflag:$0x5] =	stream.indirect.gather [hbm4b:s7+s28], $0x40, s5, s28, $0xb8;
	[tilespmem:$0x165A0] =	vst v63  }
0x331: {  	s31 =	simm.s32 $0x2720  }
0x332: {  	[tilespmem:s31], [sflag:$0x5] =	stream.indirect.gather [hbm4b:s7+s14], $0x40, s28, s14, $0xb8;
	[tilespmem:$0x165A0] =	vst v63  }
.LBB2_47:
0x333: {  	_ =	sfence.sel $0x180000  }
0x334: {  	[bflag:$0x0] =	sbarrier.arrive $0xFFFF  }
0x335: {  	_ =	strace $0x90000047  }
0x336: {  	s0 =	stileid.u32;
	[bflag:$0x2] =	sbarrier.arrive $0xFFFF  }
0x337: {  	p0 =	sne.s32 s0, $0x0;
	s0 =	rddreg [dreg:$0x4]  }
0x338: {  	s0 =	sadd.s32 @!p0 $0x100000, s0  }
0x339: {  	[sflag:s0] =	ssyncadd.tile.s32 @!p0 $0x1;
	_ =	shalt  }
.Lfunc_end2:
_tile_overlayer_lowered:
.L_overlay_start_2:
0x33a: {  	(tag) =	ssettag $0x2  }
0x33b: {  	s0 =	rddreg [dreg:$0x0];
	s2 =	stileid.u32  }
0x33c: {  	s1 =	rddreg [dreg:$0x1];
	p0 =	sne.s32 s2, $0x0  }
0x33d: {  	s3 =	rddreg [dreg:$0x2];
	[bflag:$0x3] =	sbarrier.arrive $0xFFFF;
	s2 =	simm.s32 @!p0 $0x1C0D  }
0x33e: {  	[timem:s3], [sflag:s2] =	dma.local @!p0 [hbm:s0], s1  }
0x33f: {  	s0 =	simm.s32 @!p0 $0xD  }
0x340: {  	_ =	swait.ge @!p0 [sflag:s0], s1  }
0x341: {  	s1 =	ssub.s32 @!p0 $0x0, s1;
	[sflag:s0] =	ssyncset.done @!p0 $0x0  }
0x342: {  	[sflag:s0] =	ssyncadd.s32 @!p0 s1  }
0x343: {  	[bflag:$0x3] =	sbarrier.arrive $0xFFFF  }
0x344: {  	_ =	shalt  }

// kernel: sparse-core-data-format-call.cloned.1.call-start
scs
called_computation_lowered:
.L_overlay_start_0:
0x0: {  	s2 =	sld [smem:$0x3FD9]  }
0x1: {  	s3 =	sld [smem:$0x3FFE];
	_ =	sdelay $0x1  }
0x2: {  	s1 =	srdreg.scid  }
0x3: {  	s0 =	sand.u32 $0x1, s1  }
0x4: {  	s18 =	sshll.u32 s0, $0xA;
	s2 =	sadd.s32 s3, s2  }
0x5: {  	s2 =	sadd.s32 s2, s18  }
0x6: {  	[smem:$0x3FC3] =	sst s2  }
0x7: {  	_ = 	snop  }
0x8: {  	s2 =	sld [smem:$0x3FD0];
	(tm) =	ssettm $0x1  }
0x9: {  	s19 =	sld [smem:$0x3FFB];
	_ =	sdelay $0x3  }
0xa: {  	_ =	strace s19  }
0xb: {  	s3 =	sld [smem:$0x3FFC];
	_ =	sdelay $0x3  }
0xc: {  	_ =	strace s3  }
0xd: {  	s3 =	sld [smem:$0x3FFD];
	_ =	sdelay $0x3  }
0xe: {  	_ =	strace s3  }
0xf: {  	_ =	strace $0x8FFFFFFF  }
0x10: {  	s20 =	sld [smem:$0x3FDB];
	_ =	sdelay $0x1  }
0x11: {  	s4 =	simm.s32 $_scs_section_size  }
0x12: {  	s5 =	simm.s32 $_size__tile_overlayer_lowered;
	s6 =	simm.s32 $_tile_overlayer_lowered  }
0x13: {  	s23 =	simm.s32 $0x1BFF;
	s22 =	sshll.u32 s6, $0x1;
	s3 =	sadd.s32 s4, s20  }
0x14: {  	s7 =	simm.s32 $0x0;
	s21 =	sshll.u32 s5, $0x1;
	s5 =	sadd.s32 s22, s3  }
0x15: {  	[timem:s7], [sflag:s23] =	dma.local [hbm:s5], s21  }
0x16: {  	_ =	swait.ge [sflag:s23], s21  }
0x17: {  	s4 =	ssub.s32 $0x0, s21;
	[sflag:s23] =	ssyncset.done $0x0  }
0x18: {  	[sflag:s23] =	ssyncadd.s32 s4;
	_ =	sdelay $0x1  }
0x19: {  	s24 =	simm.s32 $0x1B8B  }
0x1a: {  	_ =	swait.ge [sflag:s24], $0x1  }
0x1b: {  	[sflag:s24] =	ssyncset.done $0x0  }
0x1c: {  	s26 =	simm.s32 $0x1B8E;
	s25 =	sld [smem:$0x3FFE];
	[sflag:s24] =	ssyncadd.s32 $0xFFFFFFFF  }
0x1d: {  	s27 =	simm.s32 $execute0_lowered;
	[smem:$0x3FD2] =	sst s26  }
0x1e: {  	s5 =	sshll.u32 s27, $0x1;
	_ =	strace $0x80000049;
	[dreg:$0x1] =	wrdreg $0xFFFFFFFF  }
0x1f: {  	s28 =	simm.s32 $_size_execute0_lowered;
	s3 =	sadd.s32 s3, s5;
	[dreg:$0x0] =	wrdreg $0x0  }
0x20: {  	s5 =	sshll.u32 s28, $0x1;
	[dreg:$0x2] =	wrdreg s3  }
0x21: {  	[dreg:$0x3] =	wrdreg s5  }
0x22: {  	[dreg:$0x4] =	wrdreg $0xC0  }
0x23: {  	_ =	task [dreg:s7], $0x5FFFF  }
0x24: {  	[dreg:$0x1] =	wrdreg $0xFFFFFFFF  }
0x25: {  	[dreg:$0x0] =	wrdreg $0x60  }
0x26: {  	[dreg:$0x2] =	wrdreg s25  }
0x27: {  	[dreg:$0x3] =	wrdreg s2  }
0x28: {  	[dreg:$0x4] =	wrdreg $0x9  }
0x29: {  	_ =	task.clear_ibuf [dreg:s7], $0x5FFFF;
	_ =	strace $0x90000049  }
0x2a: {  	s29 =	simm.s32 $0x9;
	_ =	strace $0x8000004B  }
0x2b: {  	_ =	swait.ge [sflag:s29], $0x1  }
0x2c: {  	[sflag:s29] =	ssyncadd.s32 $0xFFFFFFFF  }
0x2d: {  	_ =	strace $0x9000004B  }
0x2e: {  	_ =	sfence  }
0x2f: {  	s30 =	sld [smem:$0x0];
	_ =	sdelay $0x2  }
0x30: {  	s31 =	sshll.u32 s1, $0xD;
	s1 =	sshrl.u32 s1, $0x2  }
0x31: {  	s3 =	sand.u32 $0x4000, s31;
	s1 =	sadd.s32 s1, s30  }
0x32: {  	s0 =	sor.u32 s3, s0;
	s1 =	sshll.u32 s1, $0x11  }
0x33: {  	s0 =	sor.u32 s1, s0  }
0x34: {  	s0 =	sadd.s32 $0x8F2B, s0  }
0x35: {  	[sflag:s0] =	ssyncadd.remote.s32 $0x1  }
0x36: {  	_ =	sfence.sel $0xFFFF  }
0x37: {  	[dreg:$0x0] =	wrdreg $0xFFFFFFFF;
	(pc) =	sbr.abs _section_cstart, $3  }
0x38: {  	[dreg:$0x1] =	wrdreg $0xFFFFFFFF  }
0x39: {  	_ =	task.clear_ibuf [dreg:s7], $0x2FFFF;
	_ =	strace $0x9FFFFFFF  }
0x3a: {  	(tm) =	ssettm $0x7FFFFFFF  }
0x3b: {  	_ =	shalt  }
tec
execute0_lowered:
.L_overlay_start_1:
0x0: {  	(tag) =	ssettag $0x1  }
0x1: {  	s0 =	srdreg.scid  }
0x2: {  	s1 =	sshll.u32 s0, $0x4  }
0x3: {  	s4 =	rddreg [dreg:$0x0];
	s0 =	stileid.u32;
	s1 =	sand.u32 $0x10, s1  }
0x4: {  	s2 =	rddreg [dreg:$0x1];
	s7 =	simm.s32 $0x1;
	s1 =	sor.u32 s0, s1  }
0x5: {  	s8 =	simm.s32 $0x2;
	s11 =	simm.s32 $0x0;
	s3 =	sshll.u32 s1, $0x7  }
0x6: {  	s10 =	simm.s32 $0x0;
	s4 =	sadd.s32 $0xC00, s4;
	s6 =	ssub.s32 $0xC8000, s3  }
.Ltmp0:
0x7: {  	s1 =	rddreg [dreg:$0x2];
	s5 =	sand.u32 $0xF80, s6;
	(pc) =	sbr.rel .LBB1_1-.Ltmp0, $4  }
0x8: {  	_ =	strace $0x8000004A;
	s9 =	smov.u32 s3;
	p0 =	sne.s32 s5, $0x0  }
0x9: {  	s6 =	sshrl.u32 s6, $0xC;
	s5 =	simm.s32 $0x1;
	s7 =	simm.s32 @!p0 $0x0  }
0xa: {  	[sflag:s5] =	ssyncpa.u1 $0x0;
	p0 =	por $0x0, $0x0;
	s6 =	sadd.s32 s7, s6  }
0xb: {  	[sflag:s8] =	ssyncpa.u1 $0x0;
	s8 =	simm.s32 $0x640000;
	s7 =	sadd.s32 $0x1, s6  }
.LBB1_4:
0xc: {  	s14 =	sshll.u32 s11, $0x3  }
0xd: {  	s30 =	sand.u32 $0x7F, s11;
	s15 =	sand.u32 $0xFFFFFC00, s14  }
0xe: {  	s11 =	sor.u32 s30, s15  }
0xf: {  	s15 =	smulhi.u32 $0x51EB851F, s11  }
0x10: {  	s14 =	smulhi.u32 $0x51EB851F, s14  }
0x11: {  	s15 =	sshrl.u32 s15, $0x12  }
0x12: {  	s14 =	sshrl.u32 s14, $0x12;
	s15 =	smul.u32 $0xC8000, s15  }
0x13: {  	s14 =	sand.u32 $0x3F, s14  }
0x14: {  	s14 =	smul.u32 $0x19000, s14;
	s11 =	ssub.s32 s11, s15  }
0x15: {  	[tilespmem:s13+$0x810 ss:$0x81] =	vst.msk $0xffff, v2;
	s15 =	sand.u32 $0x7, s11  }
0x16: {  	[tilespmem:s13+$0x1020 ss:$0x81] =	vst.msk $0xffff, v0;
	s14 =	sadd.s32 s2, s14;
	s11 =	sshrl.u32 s11, $0x3;
	s15 =	sshll.u32 s15, $0x12  }
0x17: {  	[tilespmem:s13+$0x0 ss:$0x81] =	vst.msk $0xffff, v1;
	s11 =	sadd.s32 s11, s14;
	s31 =	sor.u32 $0x400, s15  }
0x18: {  	[hbm4b:s11+s31] =	stream.strided.scatter [tilespmem:s12], [sflag:$0x2], $0x2000, s8, s31, $0x20;
	[tilespmem:$0x8080] =	vst v63  }
.LBB1_5:
0x19: {  	s13 =	sadd.s32 $0x1000, s9  }
0x1a: {  	p2 =	sgt.s32 s13, $0xC7FFF  }
0x1b: {  	s13 =	smov.u32 @p2 s3;
	p2 =	sne.s32 s10, s7  }
.Ltmp1:
0x1c: {  	p1 =	slt.u32 s10, $0x2;
	(pc) =	sbr.rel @!p2 .LBB1_6-.Ltmp1, $4  }
0x1d: {  	s12 =	simm.s32 @!p1 $0x2  }
0x1e: {  	s14 =	sadd.s32 $0x1, s10;
	_ =	swait.ge @!p1 [sflag:s12], $0x2000  }
0x1f: {  	s11 =	smov.u32 s9;
	p0 =	por !p0, !p0;
	[sflag:s12] =	ssyncset.done @!p1 $0x0  }
0x20: {  	s10 =	smov.u32 s14;
	s9 =	smov.u32 s13;
	[sflag:s12] =	ssyncadd.s32 @!p1 $0xFFFFE000  }
.LBB1_1:
0x21: {  	p1 =	sge.u32 s10, s6  }
0x22: {  	s12 =	sand.u32 @!p1 $0x1FFFFFF, s9  }
0x23: {  	s13 =	smulhi.u32 @!p1 $0x147AE15, s12;
	_ =	sdelay $0x1  }
0x24: {  	s13 =	sshrl.u32 @!p1 s13, $0xC  }
0x25: {  	s13 =	smul.u32 @!p1 $0xC8000, s13;
	_ =	sdelay $0x1  }
0x26: {  	s31 =	sadd.s32 $0xFFFFFFFF, s10;
	s14 =	sxor.u32 @!p1 $0xFFFFFFFF, s10;
	s12 =	ssub.s32 @!p1 s12, s13  }
0x27: {  	s15 =	simm.s32 @!p1 $0x80;
	s14 =	sshll.u32 @!p1 s14, $0xD;
	s12 =	sshll.u32 @!p1 s12, $0x4  }
0x28: {  	s13 =	sand.u32 @!p1 $0x2000, s14;
	s14 =	simm.s32 @!p1 $0x40;
	s12 =	sadd.s32 @!p1 s4, s12  }
0x29: {  	[tilespmem:s13], [sflag:$0x1] =	stream.strided.gather @!p1 [hbm4b:s12+s14], $0x2000, s15, s14, $0x38;
	[tilespmem:$0x8080] =	vst v63  }
0x2a: {  	p1 =	sge.u32 s31, s6  }
.Ltmp2:
0x2b: {  	_ = 	snop;
	(pc) =	sbr.rel @p1 .LBB1_5-.Ltmp2, $1  }
0x2c: {  	_ =	sdelay $0x3  }
0x2d: {  	s12 =	simm.s32 $0x1  }
0x2e: {  	_ =	swait.ge [sflag:s5], $0x2000;
	s12 =	simm.s32 @!p0 $0x0  }
0x2f: {  	[sflag:s5] =	ssyncset.done $0x0;
	s13 =	sshll.u32 s12, $0xD  }
0x30: {  	[sflag:s5] =	ssyncadd.s32 $0xFFFFE000;
	s16 =	sor.u32 $0x20, s13  }
0x31: {  	s12 =	smul.u32 $0x8100, s12;
	v3 =	vld [tilespmem:s16+$0x10]  }
0x32: {  	s30 =	sand.u32 $0x1, s10;
	v2 =	vld [tilespmem:s16+$0xFFFFFFF0]  }
0x33: {  	s13 =	smul.u32 $0x8100, s30;
	s12 =	sshrl.u32 s12, $0x2;
	v0 =	vld [tilespmem:s16+$0x0]  }
0x34: {  	v1 =	vld [tilespmem:s16+$0xFFFFFFE0];
	s14 =	sor.u32 $0x4000, s12  }
0x35: {  	s31 =	sshrl.u32 s13, $0x2;
	s13 =	sadd.s32 $0x0, s14  }
0x36: {  	s15 =	simm.s32 $0x4;
	s16 =	sadd.s32 $0x40, s16;
	s12 =	sor.u32 $0x4000, s31;
	[tilespmem:s13+$0x1830 ss:$0x81] =	vst.msk $0xffff, v3  }
.LBB1_3:
0x37: {  	v3 =	vld [tilespmem:s16+$0x10];
	p1 =	sne.s32 s15, $0x1FC;
	[tilespmem:s13+$0x810 ss:$0x81] =	vst.msk $0xffff, v2;
	s17 =	smov.u32 s15;
	s15 =	sadd.s32 $0x4, s15  }
.Ltmp3:
0x38: {  	v2 =	vld [tilespmem:s16+$0xFFFFFFF0];
	[tilespmem:s13+$0x1020 ss:$0x81] =	vst.msk $0xffff, v0;
	(pc) =	sbr.rel @p1 .LBB1_3-.Ltmp3, $4  }
0x39: {  	v0 =	vld [tilespmem:s16+$0x0];
	[tilespmem:s13+$0x0 ss:$0x81] =	vst.msk $0xffff, v1  }
0x3a: {  	s13 =	sshra.s32 s17, $0x2;
	v1 =	vld [tilespmem:s16+$0xFFFFFFE0]  }
0x3b: {  	s13 =	sadd.s32 s13, s14  }
0x3c: {  	s16 =	sadd.s32 $0x40, s16;
	[tilespmem:s13+$0x1830 ss:$0x81] =	vst.msk $0xffff, v3  }
.Ltmp4:
0x3d: {  	_ = 	snop;
	(pc) =	sbr.rel .LBB1_4-.Ltmp4, $1  }
0x3e: {  	_ =	sdelay $0x3  }
.LBB1_6:
0x3f: {  	_ =	sfence.sel $0x180000  }
0x40: {  	s2 =	simm.s32 $0x1;
	[bflag:$0x0] =	sbarrier.arrive $0xFFFF  }
0x41: {  	s31 =	simm.s32 $0x2;
	[sflag:s2] =	ssyncpa.u1 $0x1  }
0x42: {  	[sflag:s31] =	ssyncpa.u1 $0x1  }
0x43: {  	p0 =	sne.s32 s0, $0x0;
	_ =	strace $0x9000004A  }
0x44: {  	s0 =	sadd.s32 @!p0 $0x100000, s1;
	[bflag:$0x2] =	sbarrier.arrive $0xFFFF  }
0x45: {  	[sflag:s0] =	ssyncadd.tile.s32 @!p0 $0x1;
	_ =	shalt  }
.Lfunc_end1:
_tile_overlayer_lowered:
.L_overlay_start_2:
0x46: {  	(tag) =	ssettag $0x2  }
0x47: {  	s0 =	rddreg [dreg:$0x0];
	s2 =	stileid.u32  }
0x48: {  	s1 =	rddreg [dreg:$0x1];
	p0 =	sne.s32 s2, $0x0  }
0x49: {  	s3 =	rddreg [dreg:$0x2];
	[bflag:$0x3] =	sbarrier.arrive $0xFFFF;
	s2 =	simm.s32 @!p0 $0x1C01  }
0x4a: {  	[timem:s3], [sflag:s2] =	dma.local @!p0 [hbm:s0], s1  }
0x4b: {  	s0 =	simm.s32 @!p0 $0x1  }
0x4c: {  	_ =	swait.ge @!p0 [sflag:s0], s1  }
0x4d: {  	s1 =	ssub.s32 @!p0 $0x0, s1;
	[sflag:s0] =	ssyncset.done @!p0 $0x0  }
0x4e: {  	[sflag:s0] =	ssyncadd.s32 @!p0 s1  }
0x4f: {  	[bflag:$0x3] =	sbarrier.arrive $0xFFFF  }
0x50: {  	_ =	shalt  }

</sc_bundles>
